<compile_context>
chip_gen: v7x
topology: tpu7x:2x2x1
jax: 0.10.2.dev20260603
libtpu: 0.0.44.dev20260713+nightly
codegen_flags: <defaults>
</compile_context>

<pallas_src>
import functools

import jax
import jax.numpy as jnp
from jax import lax
from jax.experimental import pallas as pl
from jax.experimental.pallas import tpu as pltpu
from jax.experimental.pallas import tpu_sc as plsc

_N, _S, _H, _F, _K = 10000, 18, 128, 64, 2048
_R = _N * _S
_NW = 32
_BPW = 5632
_CH = 128
_NCH = _BPW // _CH
_RPAD = _NW * _BPW
_BA = 400
_NB = _N // _BA


def _ln(x):
    mu = jnp.mean(x, axis=-1, keepdims=True)
    xc = x - mu
    var = jnp.mean(xc * xc, axis=-1, keepdims=True)
    return xc * lax.rsqrt(var + 1e-5)


_CC = (0.9999995, -19.739035, 64.93062, -85.29599, 58.912647, -21.283194)
_SS = (6.2831836, -41.34148, 81.597656, -76.594925, 41.269928, -12.372495)


def _cossin2pi(y):
    r = y - jnp.round(y)
    r2 = r * r
    c = jnp.float32(_CC[-1])
    for a in _CC[-2::-1]:
        c = c * r2 + a
    s = jnp.float32(_SS[-1])
    for b in _SS[-2::-1]:
        s = s * r2 + b
    return c, s * r


def _dot(a, b):
    return jnp.dot(a.astype(jnp.bfloat16), b.astype(jnp.bfloat16),
                   preferred_element_type=jnp.float32)


def _tables_body(tok_ref, w1_ref, b1_ref, w2_ref, b2_ref, wtop_ref, out_ref):
    tok = tok_ref[0]
    h = jax.nn.relu(_ln(_dot(tok, w1_ref[0]) + b1_ref[0]))
    emb = _dot(h, w2_ref[0]) + b2_ref[0]
    out_ref[0] = _dot(emb, wtop_ref[...])


def _token_tables(tok3, w1s, b1s, w2s, b2s, wtop):
    out = pl.pallas_call(
        _tables_body,
        grid=(3,),
        in_specs=[
            pl.BlockSpec((1, _K, 8), lambda i: (i, 0, 0)),
            pl.BlockSpec((1, 8, _H), lambda i: (i, 0, 0)),
            pl.BlockSpec((1, 1, _H), lambda i: (i, 0, 0)),
            pl.BlockSpec((1, _H, _H), lambda i: (i, 0, 0)),
            pl.BlockSpec((1, 1, _H), lambda i: (i, 0, 0)),
            pl.BlockSpec((_H, _H), lambda i: (0, 0)),
        ],
        out_specs=pl.BlockSpec((1, _K, _H), lambda i: (i, 0, 0)),
        out_shape=jax.ShapeDtypeStruct((3, _K, _H), jnp.float32),
    )(tok3, w1s, b1s, w2s, b2s, wtop)
    return out.reshape(3 * _K, _H)


def _sc_gather(table, idx_pad):
    mesh = plsc.VectorSubcoreMesh(core_axis_name="c", subcore_axis_name="s")

    @functools.partial(
        pl.kernel,
        mesh=mesh,
        out_type=jax.ShapeDtypeStruct((_R, _H), jnp.float32),
        scratch_types=[
            pltpu.VMEM((_BPW,), jnp.int32),
            pltpu.VMEM((4, _CH, _H), jnp.float32),
            pltpu.SemaphoreType.DMA,
            pltpu.SemaphoreType.DMA,
            pltpu.SemaphoreType.DMA,
            pltpu.SemaphoreType.DMA,
        ],
    )
    def gk(table_hbm, idx_hbm, out_hbm, idx_v, rows_v, sem0, sem1, sem2, sem3):
        wid = lax.axis_index("s") * 2 + lax.axis_index("c")
        base = wid * _BPW
        pltpu.sync_copy(idx_hbm.at[pl.ds(base, _BPW)], idx_v)

        def live(j):
            return jnp.logical_and(j < _NCH, base + j * _CH < _R)

        def start(j, slot, sem):
            @pl.when(live(j))
            def _():
                pltpu.async_copy(
                    table_hbm.at[idx_v.at[pl.ds(j * _CH, _CH)]],
                    rows_v.at[slot], sem)

        def wait(j, slot, sem):
            @pl.when(live(j))
            def _():
                pltpu.make_async_copy(
                    table_hbm.at[idx_v.at[pl.ds(j * _CH, _CH)]],
                    rows_v.at[slot], sem).wait()

        def drain(j, slot):
            row0 = base + j * _CH

            @pl.when(row0 + _CH <= _R)
            def _():
                pltpu.sync_copy(rows_v.at[slot], out_hbm.at[pl.ds(row0, _CH)])

            @pl.when(jnp.logical_and(row0 < _R, row0 + _CH > _R))
            def _():
                pltpu.sync_copy(
                    rows_v.at[slot].at[pl.ds(0, _R % _CH)],
                    out_hbm.at[pl.ds(row0, _R % _CH)],
                )

        sems = (sem0, sem1, sem2, sem3)
        start(jnp.int32(0), 0, sem0)
        start(jnp.int32(1), 1, sem1)
        start(jnp.int32(2), 2, sem2)

        def body4(i, carry):
            j = i * 4
            for k in range(4):
                wait(j + k, k, sems[k])
                drain(j + k, k)
                nxt = (k + 3) % 4
                start(j + k + 3, nxt, sems[nxt])
            return carry

        lax.fori_loop(0, _NCH // 4, body4, 0)

    return gk(table, idx_pad)


_BR = _BA * _S


def _main_body(px_ref, py_ref, hx_ref, hy_ref, shp_ref, oh_ref, gc_ref,
               f0_ref, f1_ref, wc0_ref, ws0_ref, wx0_ref, b10_ref,
               w20_ref, b20_ref,
               outw_ref, outb_ref,
               sw1_ref, sb1_ref, sw2_ref, sb2_ref, te_ref,
               fwb_ref, fb1_ref, fw2_ref, fb2_ref,
               o_ref):
    px = px_ref[...]
    py = py_ref[...]
    mx = px - jnp.concatenate([px[:, :1], px[:, : _S - 1]], axis=1)
    my = py - jnp.concatenate([py[:, :1], py[:, : _S - 1]], axis=1)
    hx = hx_ref[...]
    hy = hy_ref[...]
    nrm = jnp.sqrt(mx * mx + my * my)
    ang = jnp.arctan2(hx * my - hy * mx, hx * mx + hy * my)
    ang = jnp.concatenate([jnp.zeros((_BA, 1), jnp.float32), ang[:, 1:]], axis=1)

    f0 = f0_ref[...]
    f1 = f1_ref[...]
    wc01, ws01, wx01 = wc0_ref[...], ws0_ref[...], wx0_ref[...]
    ps = []
    for s in range(_S):
        nc = nrm[:, s : s + 1]
        ac = ang[:, s : s + 1]
        a01 = jnp.concatenate([nc * f0, ac * f1], axis=1)
        c01, s01 = _cossin2pi(a01)
        raw = jnp.concatenate([nc, ac], axis=1) @ wx01
        ps.append(_dot(c01, wc01) + _dot(s01, ws01) + raw)
    pre01 = jnp.concatenate(ps, axis=0) + b10_ref[...]
    z = jnp.concatenate(
        [jax.nn.relu(_ln(pre01[:, :_H])), jax.nn.relu(_ln(pre01[:, _H:]))],
        axis=1)
    h01 = _dot(z, w20_ref[...]) + b20_ref[...]
    cat = _dot(
        jax.nn.relu(_ln(_dot(shp_ref[...], sw1_ref[...]) + sb1_ref[...])),
        sw2_ref[...],
    ) + sb2_ref[...] + _dot(oh_ref[...], te_ref[...])
    catr = jnp.concatenate([cat] * _S, axis=0)
    xa = _dot(jax.nn.relu(_ln(h01 + catr)), outw_ref[...]) + outb_ref[...]
    pre = gc_ref[...] + _dot(xa, fwb_ref[...]) + fb1_ref[...]
    feat = _dot(jax.nn.relu(_ln(pre)), fw2_ref[...]) + fb2_ref[...]
    for s in range(_S):
        o_ref[:, s, :] = feat[s * _BA : (s + 1) * _BA, :]


def _main(px, py, hx, hy, shp, oh, gc, weights):
    row = lambda: pl.BlockSpec((_BA, _S), lambda i: (i, 0))
    small = lambda a: pl.BlockSpec(a.shape, lambda i: (0,) * a.ndim)
    return pl.pallas_call(
        _main_body,
        grid=(_NB,),
        in_specs=[
            row(), row(), row(), row(),
            pl.BlockSpec((_BA, 3), lambda i: (i, 0)),
            pl.BlockSpec((_BA, 3), lambda i: (i, 0)),
            pl.BlockSpec((_BR, _H), lambda i: (i, 0)),
        ] + [small(w) for w in weights],
        out_specs=pl.BlockSpec((_BA, _S, _H), lambda i: (i, 0, 0)),
        out_shape=jax.ShapeDtypeStruct((_N, _S, _H), jnp.float32),
    )(px, py, hx, hy, shp, oh, gc, *weights)


def kernel(agent_token_index, trajectory_token_veh, trajectory_token_ped,
           trajectory_token_cyc, pos_a, head_vector_a, agent_type, agent_shape,
           type_emb_w, shape_W1, shape_b1, shape_W2, shape_b2,
           veh_W1, veh_b1, veh_W2, veh_b2, ped_W1, ped_b1, ped_W2, ped_b2,
           cyc_W1, cyc_b1, cyc_W2, cyc_b2, freqs, xa_W1, xa_b1, xa_W2, xa_b2,
           out_W, out_b, fus_W1, fus_b1, fus_W2, fus_b2):
    tok3 = jnp.stack([trajectory_token_veh, trajectory_token_ped,
                      trajectory_token_cyc])
    w1s = jnp.stack([veh_W1, ped_W1, cyc_W1])
    b1s = jnp.stack([veh_b1, ped_b1, cyc_b1])[:, None, :]
    w2s = jnp.stack([veh_W2, ped_W2, cyc_W2])
    b2s = jnp.stack([veh_b2, ped_b2, cyc_b2])[:, None, :]
    table = _token_tables(tok3, w1s, b1s, w2s, b2s, fus_W1[:_H])

    atype = agent_type.astype(jnp.int32)
    idx = (atype[:, None] * _K + agent_token_index.astype(jnp.int32)).reshape(-1)
    ii = jnp.arange(_NB, dtype=jnp.int32)[:, None, None]
    ss = jnp.arange(_S, dtype=jnp.int32)[None, :, None]
    aa = jnp.arange(_BA, dtype=jnp.int32)[None, None, :]
    orig = ((ii * _BA + aa) * _S + ss).reshape(-1)
    idx_pad = jnp.pad(idx[orig], (0, _RPAD - _R))
    gathered = _sc_gather(table, idx_pad)

    zf = jnp.zeros((_F, _H), jnp.float32)
    wc01 = jnp.concatenate(
        [jnp.concatenate([xa_W1[0, :_F, :], zf], axis=1),
         jnp.concatenate([zf, xa_W1[1, :_F, :]], axis=1)], axis=0)
    ws01 = jnp.concatenate(
        [jnp.concatenate([xa_W1[0, _F:2 * _F, :], zf], axis=1),
         jnp.concatenate([zf, xa_W1[1, _F:2 * _F, :]], axis=1)], axis=0)
    zx = jnp.zeros((1, _H), jnp.float32)
    wx01 = jnp.concatenate(
        [jnp.concatenate([xa_W1[0, 2 * _F:, :], zx], axis=1),
         jnp.concatenate([zx, xa_W1[1, 2 * _F:, :]], axis=1)], axis=0)
    b01 = jnp.concatenate([xa_b1[0:1], xa_b1[1:2]], axis=1)
    w2s = jnp.concatenate([xa_W2[0], xa_W2[1]], axis=0)
    b2s = (xa_b2[0:1] + xa_b2[1:2])
    weights = (
        freqs[0:1],
        freqs[1:2],
        wc01, ws01, wx01, b01,
        w2s, b2s,
        out_W, out_b[None, :],
        shape_W1, shape_b1[None, :], shape_W2, shape_b2[None, :], type_emb_w,
        fus_W1[_H:], fus_b1[None, :], fus_W2, fus_b2[None, :],
    )
    oh = jax.nn.one_hot(atype, 3, dtype=jnp.float32)
    return _main(pos_a[..., 0], pos_a[..., 1],
                 head_vector_a[..., 0], head_vector_a[..., 1],
                 agent_shape, oh, gathered, weights)

# --- scband reference (transcript-rebuilt; emitter-appended) ---
"""Pipeline reference for scband-smartagent-decoder-74388833567301 (READ-ONLY COPY).

The authoritative reference and input builder live on the scoring server;
editing this copy changes nothing except your own understanding.
"""

import jax, jax.numpy as jnp
import numpy as np
import math

N, S, H, F, K = 10000, 18, 128, 64, 2048

def _ln(x):
    mu = jnp.mean(x, axis=-1, keepdims=True)
    var = jnp.var(x, axis=-1, keepdims=True)
    return (x - mu) / jnp.sqrt(var + 1e-5)

def _mlp(x, W1, b1, W2, b2):
    return jax.nn.relu(_ln(x @ W1 + b1)) @ W2 + b2

def _angle(ctr, nbr):
    return jnp.arctan2(ctr[..., 0] * nbr[..., 1] - ctr[..., 1] * nbr[..., 0], jnp.sum(ctr * nbr, axis=-1))

def setup_inputs(seed: int = 0):
    key = jax.random.key(seed)
    ks = jax.random.split(key, 48)
    def lin(k, i, o):
        return jax.random.normal(k, (i, o), jnp.float32) * (1.0 / np.sqrt(i))
    inp = {}
    inp['agent_token_index'] = jax.random.randint(ks[0], (N, S), 0, K)
    inp['trajectory_token_veh'] = jax.random.normal(ks[1], (K, 8), jnp.float32)
    inp['trajectory_token_ped'] = jax.random.normal(ks[2], (K, 8), jnp.float32)
    inp['trajectory_token_cyc'] = jax.random.normal(ks[3], (K, 8), jnp.float32)
    inp['pos_a'] = jax.random.normal(ks[4], (N, S, 2), jnp.float32) * 50.0
    hv = jax.random.normal(ks[5], (N, S, 2), jnp.float32)
    inp['head_vector_a'] = hv / (jnp.linalg.norm(hv, axis=-1, keepdims=True) + 1e-6)
    inp['agent_type'] = jax.random.randint(ks[6], (N,), 0, 3)
    inp['agent_shape'] = jax.random.uniform(ks[7], (N, 3), dtype=jnp.float32)
    inp['type_emb_w'] = jax.random.normal(ks[8], (3, H), jnp.float32) * 0.02
    inp['shape_W1'] = lin(ks[9], 3, H); inp['shape_b1'] = jnp.zeros((H,), jnp.float32)
    inp['shape_W2'] = lin(ks[10], H, H); inp['shape_b2'] = jnp.zeros((H,), jnp.float32)
    inp['veh_W1'] = lin(ks[11], 8, H); inp['veh_b1'] = jnp.zeros((H,), jnp.float32)
    inp['veh_W2'] = lin(ks[12], H, H); inp['veh_b2'] = jnp.zeros((H,), jnp.float32)
    inp['ped_W1'] = lin(ks[13], 8, H); inp['ped_b1'] = jnp.zeros((H,), jnp.float32)
    inp['ped_W2'] = lin(ks[14], H, H); inp['ped_b2'] = jnp.zeros((H,), jnp.float32)
    inp['cyc_W1'] = lin(ks[15], 8, H); inp['cyc_b1'] = jnp.zeros((H,), jnp.float32)
    inp['cyc_W2'] = lin(ks[16], H, H); inp['cyc_b2'] = jnp.zeros((H,), jnp.float32)
    inp['freqs'] = jax.random.normal(ks[17], (2, F), jnp.float32)
    inp['xa_W1'] = jax.random.normal(ks[18], (2, 2 * F + 1, H), jnp.float32) * (1.0 / np.sqrt(2 * F + 1))
    inp['xa_b1'] = jnp.zeros((2, H), jnp.float32)
    inp['xa_W2'] = jax.random.normal(ks[19], (2, H, H), jnp.float32) * (1.0 / np.sqrt(H))
    inp['xa_b2'] = jnp.zeros((2, H), jnp.float32)
    inp['out_W'] = lin(ks[20], H, H); inp['out_b'] = jnp.zeros((H,), jnp.float32)
    inp['fus_W1'] = lin(ks[21], 2 * H, H); inp['fus_b1'] = jnp.zeros((H,), jnp.float32)
    inp['fus_W2'] = lin(ks[22], H, H); inp['fus_b2'] = jnp.zeros((H,), jnp.float32)
    return inp

def reference(agent_token_index, trajectory_token_veh, trajectory_token_ped, trajectory_token_cyc, pos_a, head_vector_a, agent_type, agent_shape, type_emb_w, shape_W1, shape_b1, shape_W2, shape_b2, veh_W1, veh_b1, veh_W2, veh_b2, ped_W1, ped_b1, ped_W2, ped_b2, cyc_W1, cyc_b1, cyc_W2, cyc_b2, freqs, xa_W1, xa_b1, xa_W2, xa_b2, out_W, out_b, fus_W1, fus_b1, fus_W2, fus_b2):
    n_agent, n_step, traj_dim = pos_a.shape
    emb_veh = _mlp(trajectory_token_veh, veh_W1, veh_b1, veh_W2, veh_b2)
    emb_ped = _mlp(trajectory_token_ped, ped_W1, ped_b1, ped_W2, ped_b2)
    emb_cyc = _mlp(trajectory_token_cyc, cyc_W1, cyc_b1, cyc_W2, cyc_b2)
    gv = jnp.take(emb_veh, agent_token_index, axis=0)
    gp = jnp.take(emb_ped, agent_token_index, axis=0)
    gc = jnp.take(emb_cyc, agent_token_index, axis=0)
    veh_mask = (agent_type == 0)[:, None, None]
    ped_mask = (agent_type == 1)[:, None, None]
    agent_token_emb = jnp.where(veh_mask, gv, jnp.where(ped_mask, gp, gc))
    motion = jnp.concatenate([jnp.zeros((n_agent, 1, traj_dim), pos_a.dtype), pos_a[:, 1:] - pos_a[:, :-1]], axis=1)
    feature_a = jnp.stack([jnp.linalg.norm(motion[..., :2], axis=-1), _angle(head_vector_a, motion[..., :2])], axis=-1)
    type_emb = jnp.take(type_emb_w, agent_type, axis=0)
    shape_e = _mlp(agent_shape, shape_W1, shape_b1, shape_W2, shape_b2)
    cat_emb = jnp.repeat(type_emb, n_step, axis=0) + jnp.repeat(shape_e, n_step, axis=0)
    x = feature_a.reshape(-1, 2)
    xf = x[..., None] * freqs[None, :, :] * (2.0 * math.pi)
    xf = jnp.concatenate([jnp.cos(xf), jnp.sin(xf), x[..., None]], axis=-1)
    cont = _mlp(xf[:, 0], xa_W1[0], xa_b1[0], xa_W2[0], xa_b2[0]) + _mlp(xf[:, 1], xa_W1[1], xa_b1[1], xa_W2[1], xa_b2[1])
    x_a = cont + cat_emb
    x_a = jax.nn.relu(_ln(x_a)) @ out_W + out_b
    x_a = x_a.reshape(n_agent, n_step, -1)
    feat_a = _mlp(jnp.concatenate([agent_token_emb, x_a], axis=-1), fus_W1, fus_b1, fus_W2, fus_b2)
    return feat_a

if __name__ == "__main__":
    import jax
    _d = setup_inputs()
    print(jax.jit(kernel)(*tuple(_d.values())))

</pallas_src>

<mosaic_0001>
#map = affine_map<(d0, d1) -> (0, 0)>
#map1 = affine_map<(d0, d1) -> (0)>
module attributes {stable_mosaic.version = 14 : i64} {
  func.func @gk(%arg0: i32, %arg1: i32, %arg2: memref<6144x128xf32, #tpu.memory_space<hbm>>, %arg3: memref<180224xi32, #tpu.memory_space<hbm>>, %arg4: memref<180000x128xf32, #tpu.memory_space<hbm>>, %arg5: memref<5632xi32, #tpu.memory_space<vmem>>, %arg6: memref<4x128x128xf32, #tpu.memory_space<vmem>>, %arg7: memref<!tpu.dma_semaphore, #tpu.memory_space<semaphore_mem>>, %arg8: memref<!tpu.dma_semaphore, #tpu.memory_space<semaphore_mem>>, %arg9: memref<!tpu.dma_semaphore, #tpu.memory_space<semaphore_mem>>, %arg10: memref<!tpu.dma_semaphore, #tpu.memory_space<semaphore_mem>>) attributes {dimension_semantics = [#tpu.dimension_semantics<core_parallel>, #tpu.dimension_semantics<subcore_parallel>], iteration_bounds = array<i64: 2, 16>, scalar_prefetch = 0 : i64, scratch_operands = 6 : i64, tpu.core_type = #tpu.core_type<sc_vector_subcore>, window_params = [{transform_indices = #map}, {transform_indices = #map1}, {transform_indices = #map}]} {
    %mul3A = arith.constant 2 : i32
    %mul3A_0 = arith.muli %arg1, %mul3A : i32
    %add3A = arith.addi %mul3A_0, %arg0 : i32
    %mul3A_1 = arith.constant 5632 : i32
    %mul3A_2 = arith.muli %add3A, %mul3A_1 : i32
    "tpu.region"() ({
      %run_scoped3A = tpu.sem_alloc : memref<!tpu.dma_semaphore, #tpu.memory_space<semaphore_mem>>
      %dma_start3A = tpu.memref_slice %arg3[%mul3A_2] : memref<180224xi32, #tpu.memory_space<hbm>> -> memref<5632xi32, #tpu.memory_space<hbm>>
      %dma_start3A_46 = tpu.memref_slice %arg3[%mul3A_2] : memref<180224xi32, #tpu.memory_space<hbm>> -> memref<5632xi32, #tpu.memory_space<hbm>>
      tpu.enqueue_dma source(%dma_start3A_46 : memref<5632xi32, #tpu.memory_space<hbm>>) target(%arg5 : memref<5632xi32, #tpu.memory_space<vmem>>) target_semaphore(%run_scoped3A : memref<!tpu.dma_semaphore, #tpu.memory_space<semaphore_mem>>)
      %dma_wait3A = tpu.memref_slice %arg3[%mul3A_2] : memref<180224xi32, #tpu.memory_space<hbm>> -> memref<5632xi32, #tpu.memory_space<hbm>>
      %dma_wait3A_47 = tpu.memref_slice %arg3[%mul3A_2] : memref<180224xi32, #tpu.memory_space<hbm>> -> memref<5632xi32, #tpu.memory_space<hbm>>
      tpu.wait_dma2 semaphore(%run_scoped3A : memref<!tpu.dma_semaphore, #tpu.memory_space<semaphore_mem>>) src(%dma_wait3A_47 : memref<5632xi32, #tpu.memory_space<hbm>>) dst(%arg5 : memref<5632xi32, #tpu.memory_space<vmem>>)
      tpu.yield
    }) : () -> ()
    %lt3A = arith.constant 0 : i32
    %lt3A_3 = arith.constant 44 : i32
    %lt3A_4 = arith.cmpi slt, %lt3A, %lt3A_3 : i32
    %mul3A_5 = arith.constant 0 : i32
    %mul3A_6 = arith.constant 128 : i32
    %mul3A_7 = arith.muli %mul3A_5, %mul3A_6 : i32
    %add3A_8 = arith.addi %mul3A_2, %mul3A_7 : i32
    %lt3A_9 = arith.constant 180000 : i32
    %lt3A_10 = arith.cmpi slt, %add3A_8, %lt3A_9 : i32
    %and3A = arith.andi %lt3A_4, %lt3A_10 : i1
    %convert_element_type3A = arith.extui %and3A : i1 to i32
    %cond3A = arith.constant 0 : i32
    %cond3A_11 = arith.constant 0 : i32
    %cond3A_12 = arith.cmpi ne, %convert_element_type3A, %cond3A_11 : i32
    scf.if %cond3A_12 {
      %mul3A_46 = arith.constant 128 : i32
      %mul3A_47 = arith.muli %cond3A, %mul3A_46 : i32
      %dma_start3A = arith.constant 0 : i32
      %dma_start3A_48 = arith.constant 0 : i32
      %dma_start3A_49 = arith.constant 0 : i32
      %dma_start3A_50 = tpu.memref_slice %arg6[%dma_start3A, %dma_start3A_48, %dma_start3A_49] : memref<4x128x128xf32, #tpu.memory_space<vmem>> -> memref<1x128x128xf32, #tpu.memory_space<vmem>>
      %dma_start3A_51 = tpu.memref_squeeze %dma_start3A_50 : memref<1x128x128xf32, #tpu.memory_space<vmem>> -> memref<128x128xf32, #tpu.memory_space<vmem>>
      %dma_start3A_52 = tpu.memref_slice %arg5[%mul3A_47] : memref<5632xi32, #tpu.memory_space<vmem>> -> memref<128xi32, #tpu.memory_space<vmem>>
      %dma_start3A_53 = arith.constant 0 : i32
      %dma_start3A_54 = arith.constant 0 : i32
      %dma_start3A_55 = tpu.memref_slice %arg2[%dma_start3A_53, %dma_start3A_54] : memref<6144x128xf32, #tpu.memory_space<hbm>> -> memref<6144x128xf32, #tpu.memory_space<hbm>>
      tpu.enqueue_indirect_dma source(%dma_start3A_55 : memref<6144x128xf32, #tpu.memory_space<hbm>>) target(%dma_start3A_51 : memref<128x128xf32, #tpu.memory_space<vmem>>) offsets(%dma_start3A_52 : memref<128xi32, #tpu.memory_space<vmem>>) semaphore(%arg7 : memref<!tpu.dma_semaphore, #tpu.memory_space<semaphore_mem>>)
    } else {
    }
    %lt3A_13 = arith.constant 1 : i32
    %lt3A_14 = arith.constant 44 : i32
    %lt3A_15 = arith.cmpi slt, %lt3A_13, %lt3A_14 : i32
    %mul3A_16 = arith.constant 1 : i32
    %mul3A_17 = arith.constant 128 : i32
    %mul3A_18 = arith.muli %mul3A_16, %mul3A_17 : i32
    %add3A_19 = arith.addi %mul3A_2, %mul3A_18 : i32
    %lt3A_20 = arith.constant 180000 : i32
    %lt3A_21 = arith.cmpi slt, %add3A_19, %lt3A_20 : i32
    %and3A_22 = arith.andi %lt3A_15, %lt3A_21 : i1
    %convert_element_type3A_23 = arith.extui %and3A_22 : i1 to i32
    %cond3A_24 = arith.constant 1 : i32
    %cond3A_25 = arith.constant 0 : i32
    %cond3A_26 = arith.cmpi ne, %convert_element_type3A_23, %cond3A_25 : i32
    scf.if %cond3A_26 {
      %mul3A_46 = arith.constant 128 : i32
      %mul3A_47 = arith.muli %cond3A_24, %mul3A_46 : i32
      %dma_start3A = arith.constant 1 : i32
      %dma_start3A_48 = arith.constant 0 : i32
      %dma_start3A_49 = arith.constant 0 : i32
      %dma_start3A_50 = tpu.memref_slice %arg6[%dma_start3A, %dma_start3A_48, %dma_start3A_49] : memref<4x128x128xf32, #tpu.memory_space<vmem>> -> memref<1x128x128xf32, #tpu.memory_space<vmem>>
      %dma_start3A_51 = tpu.memref_squeeze %dma_start3A_50 : memref<1x128x128xf32, #tpu.memory_space<vmem>> -> memref<128x128xf32, #tpu.memory_space<vmem>>
      %dma_start3A_52 = tpu.memref_slice %arg5[%mul3A_47] : memref<5632xi32, #tpu.memory_space<vmem>> -> memref<128xi32, #tpu.memory_space<vmem>>
      %dma_start3A_53 = arith.constant 0 : i32
      %dma_start3A_54 = arith.constant 0 : i32
      %dma_start3A_55 = tpu.memref_slice %arg2[%dma_start3A_53, %dma_start3A_54] : memref<6144x128xf32, #tpu.memory_space<hbm>> -> memref<6144x128xf32, #tpu.memory_space<hbm>>
      tpu.enqueue_indirect_dma source(%dma_start3A_55 : memref<6144x128xf32, #tpu.memory_space<hbm>>) target(%dma_start3A_51 : memref<128x128xf32, #tpu.memory_space<vmem>>) offsets(%dma_start3A_52 : memref<128xi32, #tpu.memory_space<vmem>>) semaphore(%arg8 : memref<!tpu.dma_semaphore, #tpu.memory_space<semaphore_mem>>)
    } else {
    }
    %lt3A_27 = arith.constant 2 : i32
    %lt3A_28 = arith.constant 44 : i32
    %lt3A_29 = arith.cmpi slt, %lt3A_27, %lt3A_28 : i32
    %mul3A_30 = arith.constant 2 : i32
    %mul3A_31 = arith.constant 128 : i32
    %mul3A_32 = arith.muli %mul3A_30, %mul3A_31 : i32
    %add3A_33 = arith.addi %mul3A_2, %mul3A_32 : i32
    %lt3A_34 = arith.constant 180000 : i32
    %lt3A_35 = arith.cmpi slt, %add3A_33, %lt3A_34 : i32
    %and3A_36 = arith.andi %lt3A_29, %lt3A_35 : i1
    %convert_element_type3A_37 = arith.extui %and3A_36 : i1 to i32
    %cond3A_38 = arith.constant 2 : i32
    %cond3A_39 = arith.constant 0 : i32
    %cond3A_40 = arith.cmpi ne, %convert_element_type3A_37, %cond3A_39 : i32
    scf.if %cond3A_40 {
      %mul3A_46 = arith.constant 128 : i32
      %mul3A_47 = arith.muli %cond3A_38, %mul3A_46 : i32
      %dma_start3A = arith.constant 2 : i32
      %dma_start3A_48 = arith.constant 0 : i32
      %dma_start3A_49 = arith.constant 0 : i32
      %dma_start3A_50 = tpu.memref_slice %arg6[%dma_start3A, %dma_start3A_48, %dma_start3A_49] : memref<4x128x128xf32, #tpu.memory_space<vmem>> -> memref<1x128x128xf32, #tpu.memory_space<vmem>>
      %dma_start3A_51 = tpu.memref_squeeze %dma_start3A_50 : memref<1x128x128xf32, #tpu.memory_space<vmem>> -> memref<128x128xf32, #tpu.memory_space<vmem>>
      %dma_start3A_52 = tpu.memref_slice %arg5[%mul3A_47] : memref<5632xi32, #tpu.memory_space<vmem>> -> memref<128xi32, #tpu.memory_space<vmem>>
      %dma_start3A_53 = arith.constant 0 : i32
      %dma_start3A_54 = arith.constant 0 : i32
      %dma_start3A_55 = tpu.memref_slice %arg2[%dma_start3A_53, %dma_start3A_54] : memref<6144x128xf32, #tpu.memory_space<hbm>> -> memref<6144x128xf32, #tpu.memory_space<hbm>>
      tpu.enqueue_indirect_dma source(%dma_start3A_55 : memref<6144x128xf32, #tpu.memory_space<hbm>>) target(%dma_start3A_51 : memref<128x128xf32, #tpu.memory_space<vmem>>) offsets(%dma_start3A_52 : memref<128xi32, #tpu.memory_space<vmem>>) semaphore(%arg9 : memref<!tpu.dma_semaphore, #tpu.memory_space<semaphore_mem>>)
    } else {
    }
    %scan3A = arith.constant 0 : i32
    %scan3A_41 = arith.constant 0 : i32
    %scan3A_42 = arith.constant 11 : i32
    %scan3A_43 = arith.addi %scan3A_41, %scan3A_42 : i32
    %scan3A_44 = arith.constant 1 : i32
    scf.for %scan3A_46 = %scan3A_41 to %scan3A_43 step %scan3A_44  : i32 {
      %mul3A_47 = arith.constant 4 : i32
      %mul3A_48 = arith.muli %scan3A_46, %mul3A_47 : i32
      %add3A_49 = arith.constant 0 : i32
      %add3A_50 = arith.addi %mul3A_48, %add3A_49 : i32
      %lt3A_51 = arith.constant 44 : i32
      %lt3A_52 = arith.cmpi slt, %add3A_50, %lt3A_51 : i32
      %mul3A_53 = arith.constant 128 : i32
      %mul3A_54 = arith.muli %add3A_50, %mul3A_53 : i32
      %add3A_55 = arith.addi %mul3A_2, %mul3A_54 : i32
      %lt3A_56 = arith.constant 180000 : i32
      %lt3A_57 = arith.cmpi slt, %add3A_55, %lt3A_56 : i32
      %and3A_58 = arith.andi %lt3A_52, %lt3A_57 : i1
      %convert_element_type3A_59 = arith.extui %and3A_58 : i1 to i32
      %cond3A_60 = arith.constant 0 : i32
      %cond3A_61 = arith.cmpi ne, %convert_element_type3A_59, %cond3A_60 : i32
      scf.if %cond3A_61 {
        %mul3A_247 = arith.constant 128 : i32
        %mul3A_248 = arith.muli %add3A_50, %mul3A_247 : i32
        %dma_wait3A = arith.constant 0 : i32
        %dma_wait3A_249 = arith.constant 0 : i32
        %dma_wait3A_250 = arith.constant 0 : i32
        %dma_wait3A_251 = tpu.memref_slice %arg6[%dma_wait3A, %dma_wait3A_249, %dma_wait3A_250] : memref<4x128x128xf32, #tpu.memory_space<vmem>> -> memref<1x128x128xf32, #tpu.memory_space<vmem>>
        %dma_wait3A_252 = tpu.memref_squeeze %dma_wait3A_251 : memref<1x128x128xf32, #tpu.memory_space<vmem>> -> memref<128x128xf32, #tpu.memory_space<vmem>>
        %dma_wait3A_253 = tpu.memref_slice %arg5[%mul3A_248] : memref<5632xi32, #tpu.memory_space<vmem>> -> memref<128xi32, #tpu.memory_space<vmem>>
        %dma_wait3A_254 = arith.constant 0 : i32
        %dma_wait3A_255 = arith.constant 0 : i32
        %dma_wait3A_256 = tpu.memref_slice %arg2[%dma_wait3A_254, %dma_wait3A_255] : memref<6144x128xf32, #tpu.memory_space<hbm>> -> memref<6144x128xf32, #tpu.memory_space<hbm>>
        tpu.wait_indirect_dma semaphore(%arg7 : memref<!tpu.dma_semaphore, #tpu.memory_space<semaphore_mem>>) src(%dma_wait3A_256 : memref<6144x128xf32, #tpu.memory_space<hbm>>) dst(%dma_wait3A_252 : memref<128x128xf32, #tpu.memory_space<vmem>>)
      } else {
      }
      %add3A_62 = arith.constant 0 : i32
      %add3A_63 = arith.addi %mul3A_48, %add3A_62 : i32
      %mul3A_64 = arith.constant 128 : i32
      %mul3A_65 = arith.muli %add3A_63, %mul3A_64 : i32
      %add3A_66 = arith.addi %mul3A_2, %mul3A_65 : i32
      %add3A_67 = arith.constant 128 : i32
      %add3A_68 = arith.addi %add3A_66, %add3A_67 : i32
      %le3A = arith.constant 180000 : i32
      %le3A_69 = arith.cmpi sle, %add3A_68, %le3A : i32
      %convert_element_type3A_70 = arith.extui %le3A_69 : i1 to i32
      %cond3A_71 = arith.constant 0 : i32
      %cond3A_72 = arith.cmpi ne, %convert_element_type3A_70, %cond3A_71 : i32
      scf.if %cond3A_72 {
        %run_scoped3A = arith.constant 0 : i32
        "tpu.region"() ({
          %run_scoped3A_247 = tpu.sem_alloc : memref<!tpu.dma_semaphore, #tpu.memory_space<semaphore_mem>>
          %dma_start3A = arith.constant 0 : i32
          %dma_start3A_248 = arith.constant 0 : i32
          %dma_start3A_249 = tpu.memref_slice %arg6[%run_scoped3A, %dma_start3A, %dma_start3A_248] : memref<4x128x128xf32, #tpu.memory_space<vmem>> -> memref<1x128x128xf32, #tpu.memory_space<vmem>>
          %dma_start3A_250 = tpu.memref_squeeze %dma_start3A_249 : memref<1x128x128xf32, #tpu.memory_space<vmem>> -> memref<128x128xf32, #tpu.memory_space<vmem>>
          %dma_start3A_251 = arith.constant 0 : i32
          %dma_start3A_252 = tpu.memref_slice %arg4[%add3A_66, %dma_start3A_251] : memref<180000x128xf32, #tpu.memory_space<hbm>> -> memref<128x128xf32, #tpu.memory_space<hbm>>
          %dma_start3A_253 = arith.constant 0 : i32
          %dma_start3A_254 = tpu.memref_slice %arg4[%add3A_66, %dma_start3A_253] : memref<180000x128xf32, #tpu.memory_space<hbm>> -> memref<128x128xf32, #tpu.memory_space<hbm>>
          %dma_start3A_255 = arith.constant 0 : i32
          %dma_start3A_256 = arith.constant 0 : i32
          %dma_start3A_257 = tpu.memref_slice %arg6[%run_scoped3A, %dma_start3A_255, %dma_start3A_256] : memref<4x128x128xf32, #tpu.memory_space<vmem>> -> memref<1x128x128xf32, #tpu.memory_space<vmem>>
          %dma_start3A_258 = tpu.memref_squeeze %dma_start3A_257 : memref<1x128x128xf32, #tpu.memory_space<vmem>> -> memref<128x128xf32, #tpu.memory_space<vmem>>
          tpu.enqueue_dma source(%dma_start3A_258 : memref<128x128xf32, #tpu.memory_space<vmem>>) target(%dma_start3A_254 : memref<128x128xf32, #tpu.memory_space<hbm>>) target_semaphore(%run_scoped3A_247 : memref<!tpu.dma_semaphore, #tpu.memory_space<semaphore_mem>>)
          %dma_wait3A = arith.constant 0 : i32
          %dma_wait3A_259 = arith.constant 0 : i32
          %dma_wait3A_260 = tpu.memref_slice %arg6[%run_scoped3A, %dma_wait3A, %dma_wait3A_259] : memref<4x128x128xf32, #tpu.memory_space<vmem>> -> memref<1x128x128xf32, #tpu.memory_space<vmem>>
          %dma_wait3A_261 = tpu.memref_squeeze %dma_wait3A_260 : memref<1x128x128xf32, #tpu.memory_space<vmem>> -> memref<128x128xf32, #tpu.memory_space<vmem>>
          %dma_wait3A_262 = arith.constant 0 : i32
          %dma_wait3A_263 = tpu.memref_slice %arg4[%add3A_66, %dma_wait3A_262] : memref<180000x128xf32, #tpu.memory_space<hbm>> -> memref<128x128xf32, #tpu.memory_space<hbm>>
          %dma_wait3A_264 = arith.constant 0 : i32
          %dma_wait3A_265 = tpu.memref_slice %arg4[%add3A_66, %dma_wait3A_264] : memref<180000x128xf32, #tpu.memory_space<hbm>> -> memref<128x128xf32, #tpu.memory_space<hbm>>
          %dma_wait3A_266 = arith.constant 0 : i32
          %dma_wait3A_267 = arith.constant 0 : i32
          %dma_wait3A_268 = tpu.memref_slice %arg6[%run_scoped3A, %dma_wait3A_266, %dma_wait3A_267] : memref<4x128x128xf32, #tpu.memory_space<vmem>> -> memref<1x128x128xf32, #tpu.memory_space<vmem>>
          %dma_wait3A_269 = tpu.memref_squeeze %dma_wait3A_268 : memref<1x128x128xf32, #tpu.memory_space<vmem>> -> memref<128x128xf32, #tpu.memory_space<vmem>>
          tpu.wait_dma2 semaphore(%run_scoped3A_247 : memref<!tpu.dma_semaphore, #tpu.memory_space<semaphore_mem>>) src(%dma_wait3A_269 : memref<128x128xf32, #tpu.memory_space<vmem>>) dst(%dma_wait3A_265 : memref<128x128xf32, #tpu.memory_space<hbm>>)
          tpu.yield
        }) : () -> ()
      } else {
      }
      %lt3A_73 = arith.constant 180000 : i32
      %lt3A_74 = arith.cmpi slt, %add3A_66, %lt3A_73 : i32
      %add3A_75 = arith.constant 128 : i32
      %add3A_76 = arith.addi %add3A_66, %add3A_75 : i32
      %gt3A = arith.constant 180000 : i32
      %gt3A_77 = arith.cmpi sgt, %add3A_76, %gt3A : i32
      %and3A_78 = arith.andi %lt3A_74, %gt3A_77 : i1
      %convert_element_type3A_79 = arith.extui %and3A_78 : i1 to i32
      %cond3A_80 = arith.constant 0 : i32
      %cond3A_81 = arith.cmpi ne, %convert_element_type3A_79, %cond3A_80 : i32
      scf.if %cond3A_81 {
        %run_scoped3A = arith.constant 0 : i32
        "tpu.region"() ({
          %run_scoped3A_247 = tpu.sem_alloc : memref<!tpu.dma_semaphore, #tpu.memory_space<semaphore_mem>>
          %dma_start3A = arith.constant 0 : i32
          %dma_start3A_248 = arith.constant 0 : i32
          %dma_start3A_249 = tpu.memref_slice %arg6[%run_scoped3A, %dma_start3A, %dma_start3A_248] : memref<4x128x128xf32, #tpu.memory_space<vmem>> -> memref<1x128x128xf32, #tpu.memory_space<vmem>>
          %dma_start3A_250 = tpu.memref_squeeze %dma_start3A_249 : memref<1x128x128xf32, #tpu.memory_space<vmem>> -> memref<128x128xf32, #tpu.memory_space<vmem>>
          %dma_start3A_251 = arith.constant 0 : i32
          %dma_start3A_252 = arith.constant 0 : i32
          %dma_start3A_253 = tpu.memref_slice %dma_start3A_250[%dma_start3A_251, %dma_start3A_252] : memref<128x128xf32, #tpu.memory_space<vmem>> -> memref<32x128xf32, #tpu.memory_space<vmem>>
          %dma_start3A_254 = arith.constant 0 : i32
          %dma_start3A_255 = tpu.memref_slice %arg4[%add3A_66, %dma_start3A_254] : memref<180000x128xf32, #tpu.memory_space<hbm>> -> memref<32x128xf32, #tpu.memory_space<hbm>>
          %dma_start3A_256 = arith.constant 0 : i32
          %dma_start3A_257 = tpu.memref_slice %arg4[%add3A_66, %dma_start3A_256] : memref<180000x128xf32, #tpu.memory_space<hbm>> -> memref<32x128xf32, #tpu.memory_space<hbm>>
          %dma_start3A_258 = arith.constant 0 : i32
          %dma_start3A_259 = arith.constant 0 : i32
          %dma_start3A_260 = tpu.memref_slice %arg6[%run_scoped3A, %dma_start3A_258, %dma_start3A_259] : memref<4x128x128xf32, #tpu.memory_space<vmem>> -> memref<1x128x128xf32, #tpu.memory_space<vmem>>
          %dma_start3A_261 = tpu.memref_squeeze %dma_start3A_260 : memref<1x128x128xf32, #tpu.memory_space<vmem>> -> memref<128x128xf32, #tpu.memory_space<vmem>>
          %dma_start3A_262 = arith.constant 0 : i32
          %dma_start3A_263 = arith.constant 0 : i32
          %dma_start3A_264 = tpu.memref_slice %dma_start3A_261[%dma_start3A_262, %dma_start3A_263] : memref<128x128xf32, #tpu.memory_space<vmem>> -> memref<32x128xf32, #tpu.memory_space<vmem>>
          tpu.enqueue_dma source(%dma_start3A_264 : memref<32x128xf32, #tpu.memory_space<vmem>>) target(%dma_start3A_257 : memref<32x128xf32, #tpu.memory_space<hbm>>) target_semaphore(%run_scoped3A_247 : memref<!tpu.dma_semaphore, #tpu.memory_space<semaphore_mem>>)
          %dma_wait3A = arith.constant 0 : i32
          %dma_wait3A_265 = arith.constant 0 : i32
          %dma_wait3A_266 = tpu.memref_slice %arg6[%run_scoped3A, %dma_wait3A, %dma_wait3A_265] : memref<4x128x128xf32, #tpu.memory_space<vmem>> -> memref<1x128x128xf32, #tpu.memory_space<vmem>>
          %dma_wait3A_267 = tpu.memref_squeeze %dma_wait3A_266 : memref<1x128x128xf32, #tpu.memory_space<vmem>> -> memref<128x128xf32, #tpu.memory_space<vmem>>
          %dma_wait3A_268 = arith.constant 0 : i32
          %dma_wait3A_269 = arith.constant 0 : i32
          %dma_wait3A_270 = tpu.memref_slice %dma_wait3A_267[%dma_wait3A_268, %dma_wait3A_269] : memref<128x128xf32, #tpu.memory_space<vmem>> -> memref<32x128xf32, #tpu.memory_space<vmem>>
          %dma_wait3A_271 = arith.constant 0 : i32
          %dma_wait3A_272 = tpu.memref_slice %arg4[%add3A_66, %dma_wait3A_271] : memref<180000x128xf32, #tpu.memory_space<hbm>> -> memref<32x128xf32, #tpu.memory_space<hbm>>
          %dma_wait3A_273 = arith.constant 0 : i32
          %dma_wait3A_274 = tpu.memref_slice %arg4[%add3A_66, %dma_wait3A_273] : memref<180000x128xf32, #tpu.memory_space<hbm>> -> memref<32x128xf32, #tpu.memory_space<hbm>>
          %dma_wait3A_275 = arith.constant 0 : i32
          %dma_wait3A_276 = arith.constant 0 : i32
          %dma_wait3A_277 = tpu.memref_slice %arg6[%run_scoped3A, %dma_wait3A_275, %dma_wait3A_276] : memref<4x128x128xf32, #tpu.memory_space<vmem>> -> memref<1x128x128xf32, #tpu.memory_space<vmem>>
          %dma_wait3A_278 = tpu.memref_squeeze %dma_wait3A_277 : memref<1x128x128xf32, #tpu.memory_space<vmem>> -> memref<128x128xf32, #tpu.memory_space<vmem>>
          %dma_wait3A_279 = arith.constant 0 : i32
          %dma_wait3A_280 = arith.constant 0 : i32
          %dma_wait3A_281 = tpu.memref_slice %dma_wait3A_278[%dma_wait3A_279, %dma_wait3A_280] : memref<128x128xf32, #tpu.memory_space<vmem>> -> memref<32x128xf32, #tpu.memory_space<vmem>>
          tpu.wait_dma2 semaphore(%run_scoped3A_247 : memref<!tpu.dma_semaphore, #tpu.memory_space<semaphore_mem>>) src(%dma_wait3A_281 : memref<32x128xf32, #tpu.memory_space<vmem>>) dst(%dma_wait3A_274 : memref<32x128xf32, #tpu.memory_space<hbm>>)
          tpu.yield
        }) : () -> ()
      } else {
      }
      %add3A_82 = arith.constant 0 : i32
      %add3A_83 = arith.addi %mul3A_48, %add3A_82 : i32
      %add3A_84 = arith.constant 3 : i32
      %add3A_85 = arith.addi %add3A_83, %add3A_84 : i32
      %lt3A_86 = arith.constant 44 : i32
      %lt3A_87 = arith.cmpi slt, %add3A_85, %lt3A_86 : i32
      %mul3A_88 = arith.constant 128 : i32
      %mul3A_89 = arith.muli %add3A_85, %mul3A_88 : i32
      %add3A_90 = arith.addi %mul3A_2, %mul3A_89 : i32
      %lt3A_91 = arith.constant 180000 : i32
      %lt3A_92 = arith.cmpi slt, %add3A_90, %lt3A_91 : i32
      %and3A_93 = arith.andi %lt3A_87, %lt3A_92 : i1
      %convert_element_type3A_94 = arith.extui %and3A_93 : i1 to i32
      %cond3A_95 = arith.constant 0 : i32
      %cond3A_96 = arith.cmpi ne, %convert_element_type3A_94, %cond3A_95 : i32
      scf.if %cond3A_96 {
        %mul3A_247 = arith.constant 128 : i32
        %mul3A_248 = arith.muli %add3A_85, %mul3A_247 : i32
        %dma_start3A = arith.constant 3 : i32
        %dma_start3A_249 = arith.constant 0 : i32
        %dma_start3A_250 = arith.constant 0 : i32
        %dma_start3A_251 = tpu.memref_slice %arg6[%dma_start3A, %dma_start3A_249, %dma_start3A_250] : memref<4x128x128xf32, #tpu.memory_space<vmem>> -> memref<1x128x128xf32, #tpu.memory_space<vmem>>
        %dma_start3A_252 = tpu.memref_squeeze %dma_start3A_251 : memref<1x128x128xf32, #tpu.memory_space<vmem>> -> memref<128x128xf32, #tpu.memory_space<vmem>>
        %dma_start3A_253 = tpu.memref_slice %arg5[%mul3A_248] : memref<5632xi32, #tpu.memory_space<vmem>> -> memref<128xi32, #tpu.memory_space<vmem>>
        %dma_start3A_254 = arith.constant 0 : i32
        %dma_start3A_255 = arith.constant 0 : i32
        %dma_start3A_256 = tpu.memref_slice %arg2[%dma_start3A_254, %dma_start3A_255] : memref<6144x128xf32, #tpu.memory_space<hbm>> -> memref<6144x128xf32, #tpu.memory_space<hbm>>
        tpu.enqueue_indirect_dma source(%dma_start3A_256 : memref<6144x128xf32, #tpu.memory_space<hbm>>) target(%dma_start3A_252 : memref<128x128xf32, #tpu.memory_space<vmem>>) offsets(%dma_start3A_253 : memref<128xi32, #tpu.memory_space<vmem>>) semaphore(%arg10 : memref<!tpu.dma_semaphore, #tpu.memory_space<semaphore_mem>>)
      } else {
      }
      %add3A_97 = arith.constant 1 : i32
      %add3A_98 = arith.addi %mul3A_48, %add3A_97 : i32
      %lt3A_99 = arith.constant 44 : i32
      %lt3A_100 = arith.cmpi slt, %add3A_98, %lt3A_99 : i32
      %mul3A_101 = arith.constant 128 : i32
      %mul3A_102 = arith.muli %add3A_98, %mul3A_101 : i32
      %add3A_103 = arith.addi %mul3A_2, %mul3A_102 : i32
      %lt3A_104 = arith.constant 180000 : i32
      %lt3A_105 = arith.cmpi slt, %add3A_103, %lt3A_104 : i32
      %and3A_106 = arith.andi %lt3A_100, %lt3A_105 : i1
      %convert_element_type3A_107 = arith.extui %and3A_106 : i1 to i32
      %cond3A_108 = arith.constant 0 : i32
      %cond3A_109 = arith.cmpi ne, %convert_element_type3A_107, %cond3A_108 : i32
      scf.if %cond3A_109 {
        %mul3A_247 = arith.constant 128 : i32
        %mul3A_248 = arith.muli %add3A_98, %mul3A_247 : i32
        %dma_wait3A = arith.constant 1 : i32
        %dma_wait3A_249 = arith.constant 0 : i32
        %dma_wait3A_250 = arith.constant 0 : i32
        %dma_wait3A_251 = tpu.memref_slice %arg6[%dma_wait3A, %dma_wait3A_249, %dma_wait3A_250] : memref<4x128x128xf32, #tpu.memory_space<vmem>> -> memref<1x128x128xf32, #tpu.memory_space<vmem>>
        %dma_wait3A_252 = tpu.memref_squeeze %dma_wait3A_251 : memref<1x128x128xf32, #tpu.memory_space<vmem>> -> memref<128x128xf32, #tpu.memory_space<vmem>>
        %dma_wait3A_253 = tpu.memref_slice %arg5[%mul3A_248] : memref<5632xi32, #tpu.memory_space<vmem>> -> memref<128xi32, #tpu.memory_space<vmem>>
        %dma_wait3A_254 = arith.constant 0 : i32
        %dma_wait3A_255 = arith.constant 0 : i32
        %dma_wait3A_256 = tpu.memref_slice %arg2[%dma_wait3A_254, %dma_wait3A_255] : memref<6144x128xf32, #tpu.memory_space<hbm>> -> memref<6144x128xf32, #tpu.memory_space<hbm>>
        tpu.wait_indirect_dma semaphore(%arg8 : memref<!tpu.dma_semaphore, #tpu.memory_space<semaphore_mem>>) src(%dma_wait3A_256 : memref<6144x128xf32, #tpu.memory_space<hbm>>) dst(%dma_wait3A_252 : memref<128x128xf32, #tpu.memory_space<vmem>>)
      } else {
      }
      %add3A_110 = arith.constant 1 : i32
      %add3A_111 = arith.addi %mul3A_48, %add3A_110 : i32
      %mul3A_112 = arith.constant 128 : i32
      %mul3A_113 = arith.muli %add3A_111, %mul3A_112 : i32
      %add3A_114 = arith.addi %mul3A_2, %mul3A_113 : i32
      %add3A_115 = arith.constant 128 : i32
      %add3A_116 = arith.addi %add3A_114, %add3A_115 : i32
      %le3A_117 = arith.constant 180000 : i32
      %le3A_118 = arith.cmpi sle, %add3A_116, %le3A_117 : i32
      %convert_element_type3A_119 = arith.extui %le3A_118 : i1 to i32
      %cond3A_120 = arith.constant 0 : i32
      %cond3A_121 = arith.cmpi ne, %convert_element_type3A_119, %cond3A_120 : i32
      scf.if %cond3A_121 {
        %run_scoped3A = arith.constant 1 : i32
        "tpu.region"() ({
          %run_scoped3A_247 = tpu.sem_alloc : memref<!tpu.dma_semaphore, #tpu.memory_space<semaphore_mem>>
          %dma_start3A = arith.constant 0 : i32
          %dma_start3A_248 = arith.constant 0 : i32
          %dma_start3A_249 = tpu.memref_slice %arg6[%run_scoped3A, %dma_start3A, %dma_start3A_248] : memref<4x128x128xf32, #tpu.memory_space<vmem>> -> memref<1x128x128xf32, #tpu.memory_space<vmem>>
          %dma_start3A_250 = tpu.memref_squeeze %dma_start3A_249 : memref<1x128x128xf32, #tpu.memory_space<vmem>> -> memref<128x128xf32, #tpu.memory_space<vmem>>
          %dma_start3A_251 = arith.constant 0 : i32
          %dma_start3A_252 = tpu.memref_slice %arg4[%add3A_114, %dma_start3A_251] : memref<180000x128xf32, #tpu.memory_space<hbm>> -> memref<128x128xf32, #tpu.memory_space<hbm>>
          %dma_start3A_253 = arith.constant 0 : i32
          %dma_start3A_254 = tpu.memref_slice %arg4[%add3A_114, %dma_start3A_253] : memref<180000x128xf32, #tpu.memory_space<hbm>> -> memref<128x128xf32, #tpu.memory_space<hbm>>
          %dma_start3A_255 = arith.constant 0 : i32
          %dma_start3A_256 = arith.constant 0 : i32
          %dma_start3A_257 = tpu.memref_slice %arg6[%run_scoped3A, %dma_start3A_255, %dma_start3A_256] : memref<4x128x128xf32, #tpu.memory_space<vmem>> -> memref<1x128x128xf32, #tpu.memory_space<vmem>>
          %dma_start3A_258 = tpu.memref_squeeze %dma_start3A_257 : memref<1x128x128xf32, #tpu.memory_space<vmem>> -> memref<128x128xf32, #tpu.memory_space<vmem>>
          tpu.enqueue_dma source(%dma_start3A_258 : memref<128x128xf32, #tpu.memory_space<vmem>>) target(%dma_start3A_254 : memref<128x128xf32, #tpu.memory_space<hbm>>) target_semaphore(%run_scoped3A_247 : memref<!tpu.dma_semaphore, #tpu.memory_space<semaphore_mem>>)
          %dma_wait3A = arith.constant 0 : i32
          %dma_wait3A_259 = arith.constant 0 : i32
          %dma_wait3A_260 = tpu.memref_slice %arg6[%run_scoped3A, %dma_wait3A, %dma_wait3A_259] : memref<4x128x128xf32, #tpu.memory_space<vmem>> -> memref<1x128x128xf32, #tpu.memory_space<vmem>>
          %dma_wait3A_261 = tpu.memref_squeeze %dma_wait3A_260 : memref<1x128x128xf32, #tpu.memory_space<vmem>> -> memref<128x128xf32, #tpu.memory_space<vmem>>
          %dma_wait3A_262 = arith.constant 0 : i32
          %dma_wait3A_263 = tpu.memref_slice %arg4[%add3A_114, %dma_wait3A_262] : memref<180000x128xf32, #tpu.memory_space<hbm>> -> memref<128x128xf32, #tpu.memory_space<hbm>>
          %dma_wait3A_264 = arith.constant 0 : i32
          %dma_wait3A_265 = tpu.memref_slice %arg4[%add3A_114, %dma_wait3A_264] : memref<180000x128xf32, #tpu.memory_space<hbm>> -> memref<128x128xf32, #tpu.memory_space<hbm>>
          %dma_wait3A_266 = arith.constant 0 : i32
          %dma_wait3A_267 = arith.constant 0 : i32
          %dma_wait3A_268 = tpu.memref_slice %arg6[%run_scoped3A, %dma_wait3A_266, %dma_wait3A_267] : memref<4x128x128xf32, #tpu.memory_space<vmem>> -> memref<1x128x128xf32, #tpu.memory_space<vmem>>
          %dma_wait3A_269 = tpu.memref_squeeze %dma_wait3A_268 : memref<1x128x128xf32, #tpu.memory_space<vmem>> -> memref<128x128xf32, #tpu.memory_space<vmem>>
          tpu.wait_dma2 semaphore(%run_scoped3A_247 : memref<!tpu.dma_semaphore, #tpu.memory_space<semaphore_mem>>) src(%dma_wait3A_269 : memref<128x128xf32, #tpu.memory_space<vmem>>) dst(%dma_wait3A_265 : memref<128x128xf32, #tpu.memory_space<hbm>>)
          tpu.yield
        }) : () -> ()
      } else {
      }
      %lt3A_122 = arith.constant 180000 : i32
      %lt3A_123 = arith.cmpi slt, %add3A_114, %lt3A_122 : i32
      %add3A_124 = arith.constant 128 : i32
      %add3A_125 = arith.addi %add3A_114, %add3A_124 : i32
      %gt3A_126 = arith.constant 180000 : i32
      %gt3A_127 = arith.cmpi sgt, %add3A_125, %gt3A_126 : i32
      %and3A_128 = arith.andi %lt3A_123, %gt3A_127 : i1
      %convert_element_type3A_129 = arith.extui %and3A_128 : i1 to i32
      %cond3A_130 = arith.constant 0 : i32
      %cond3A_131 = arith.cmpi ne, %convert_element_type3A_129, %cond3A_130 : i32
      scf.if %cond3A_131 {
        %run_scoped3A = arith.constant 1 : i32
        "tpu.region"() ({
          %run_scoped3A_247 = tpu.sem_alloc : memref<!tpu.dma_semaphore, #tpu.memory_space<semaphore_mem>>
          %dma_start3A = arith.constant 0 : i32
          %dma_start3A_248 = arith.constant 0 : i32
          %dma_start3A_249 = tpu.memref_slice %arg6[%run_scoped3A, %dma_start3A, %dma_start3A_248] : memref<4x128x128xf32, #tpu.memory_space<vmem>> -> memref<1x128x128xf32, #tpu.memory_space<vmem>>
          %dma_start3A_250 = tpu.memref_squeeze %dma_start3A_249 : memref<1x128x128xf32, #tpu.memory_space<vmem>> -> memref<128x128xf32, #tpu.memory_space<vmem>>
          %dma_start3A_251 = arith.constant 0 : i32
          %dma_start3A_252 = arith.constant 0 : i32
          %dma_start3A_253 = tpu.memref_slice %dma_start3A_250[%dma_start3A_251, %dma_start3A_252] : memref<128x128xf32, #tpu.memory_space<vmem>> -> memref<32x128xf32, #tpu.memory_space<vmem>>
          %dma_start3A_254 = arith.constant 0 : i32
          %dma_start3A_255 = tpu.memref_slice %arg4[%add3A_114, %dma_start3A_254] : memref<180000x128xf32, #tpu.memory_space<hbm>> -> memref<32x128xf32, #tpu.memory_space<hbm>>
          %dma_start3A_256 = arith.constant 0 : i32
          %dma_start3A_257 = tpu.memref_slice %arg4[%add3A_114, %dma_start3A_256] : memref<180000x128xf32, #tpu.memory_space<hbm>> -> memref<32x128xf32, #tpu.memory_space<hbm>>
          %dma_start3A_258 = arith.constant 0 : i32
          %dma_start3A_259 = arith.constant 0 : i32
          %dma_start3A_260 = tpu.memref_slice %arg6[%run_scoped3A, %dma_start3A_258, %dma_start3A_259] : memref<4x128x128xf32, #tpu.memory_space<vmem>> -> memref<1x128x128xf32, #tpu.memory_space<vmem>>
          %dma_start3A_261 = tpu.memref_squeeze %dma_start3A_260 : memref<1x128x128xf32, #tpu.memory_space<vmem>> -> memref<128x128xf32, #tpu.memory_space<vmem>>
          %dma_start3A_262 = arith.constant 0 : i32
          %dma_start3A_263 = arith.constant 0 : i32
          %dma_start3A_264 = tpu.memref_slice %dma_start3A_261[%dma_start3A_262, %dma_start3A_263] : memref<128x128xf32, #tpu.memory_space<vmem>> -> memref<32x128xf32, #tpu.memory_space<vmem>>
          tpu.enqueue_dma source(%dma_start3A_264 : memref<32x128xf32, #tpu.memory_space<vmem>>) target(%dma_start3A_257 : memref<32x128xf32, #tpu.memory_space<hbm>>) target_semaphore(%run_scoped3A_247 : memref<!tpu.dma_semaphore, #tpu.memory_space<semaphore_mem>>)
          %dma_wait3A = arith.constant 0 : i32
          %dma_wait3A_265 = arith.constant 0 : i32
          %dma_wait3A_266 = tpu.memref_slice %arg6[%run_scoped3A, %dma_wait3A, %dma_wait3A_265] : memref<4x128x128xf32, #tpu.memory_space<vmem>> -> memref<1x128x128xf32, #tpu.memory_space<vmem>>
          %dma_wait3A_267 = tpu.memref_squeeze %dma_wait3A_266 : memref<1x128x128xf32, #tpu.memory_space<vmem>> -> memref<128x128xf32, #tpu.memory_space<vmem>>
          %dma_wait3A_268 = arith.constant 0 : i32
          %dma_wait3A_269 = arith.constant 0 : i32
          %dma_wait3A_270 = tpu.memref_slice %dma_wait3A_267[%dma_wait3A_268, %dma_wait3A_269] : memref<128x128xf32, #tpu.memory_space<vmem>> -> memref<32x128xf32, #tpu.memory_space<vmem>>
          %dma_wait3A_271 = arith.constant 0 : i32
          %dma_wait3A_272 = tpu.memref_slice %arg4[%add3A_114, %dma_wait3A_271] : memref<180000x128xf32, #tpu.memory_space<hbm>> -> memref<32x128xf32, #tpu.memory_space<hbm>>
          %dma_wait3A_273 = arith.constant 0 : i32
          %dma_wait3A_274 = tpu.memref_slice %arg4[%add3A_114, %dma_wait3A_273] : memref<180000x128xf32, #tpu.memory_space<hbm>> -> memref<32x128xf32, #tpu.memory_space<hbm>>
          %dma_wait3A_275 = arith.constant 0 : i32
          %dma_wait3A_276 = arith.constant 0 : i32
          %dma_wait3A_277 = tpu.memref_slice %arg6[%run_scoped3A, %dma_wait3A_275, %dma_wait3A_276] : memref<4x128x128xf32, #tpu.memory_space<vmem>> -> memref<1x128x128xf32, #tpu.memory_space<vmem>>
          %dma_wait3A_278 = tpu.memref_squeeze %dma_wait3A_277 : memref<1x128x128xf32, #tpu.memory_space<vmem>> -> memref<128x128xf32, #tpu.memory_space<vmem>>
          %dma_wait3A_279 = arith.constant 0 : i32
          %dma_wait3A_280 = arith.constant 0 : i32
          %dma_wait3A_281 = tpu.memref_slice %dma_wait3A_278[%dma_wait3A_279, %dma_wait3A_280] : memref<128x128xf32, #tpu.memory_space<vmem>> -> memref<32x128xf32, #tpu.memory_space<vmem>>
          tpu.wait_dma2 semaphore(%run_scoped3A_247 : memref<!tpu.dma_semaphore, #tpu.memory_space<semaphore_mem>>) src(%dma_wait3A_281 : memref<32x128xf32, #tpu.memory_space<vmem>>) dst(%dma_wait3A_274 : memref<32x128xf32, #tpu.memory_space<hbm>>)
          tpu.yield
        }) : () -> ()
      } else {
      }
      %add3A_132 = arith.constant 1 : i32
      %add3A_133 = arith.addi %mul3A_48, %add3A_132 : i32
      %add3A_134 = arith.constant 3 : i32
      %add3A_135 = arith.addi %add3A_133, %add3A_134 : i32
      %lt3A_136 = arith.constant 44 : i32
      %lt3A_137 = arith.cmpi slt, %add3A_135, %lt3A_136 : i32
      %mul3A_138 = arith.constant 128 : i32
      %mul3A_139 = arith.muli %add3A_135, %mul3A_138 : i32
      %add3A_140 = arith.addi %mul3A_2, %mul3A_139 : i32
      %lt3A_141 = arith.constant 180000 : i32
      %lt3A_142 = arith.cmpi slt, %add3A_140, %lt3A_141 : i32
      %and3A_143 = arith.andi %lt3A_137, %lt3A_142 : i1
      %convert_element_type3A_144 = arith.extui %and3A_143 : i1 to i32
      %cond3A_145 = arith.constant 0 : i32
      %cond3A_146 = arith.cmpi ne, %convert_element_type3A_144, %cond3A_145 : i32
      scf.if %cond3A_146 {
        %mul3A_247 = arith.constant 128 : i32
        %mul3A_248 = arith.muli %add3A_135, %mul3A_247 : i32
        %dma_start3A = arith.constant 0 : i32
        %dma_start3A_249 = arith.constant 0 : i32
        %dma_start3A_250 = arith.constant 0 : i32
        %dma_start3A_251 = tpu.memref_slice %arg6[%dma_start3A, %dma_start3A_249, %dma_start3A_250] : memref<4x128x128xf32, #tpu.memory_space<vmem>> -> memref<1x128x128xf32, #tpu.memory_space<vmem>>
        %dma_start3A_252 = tpu.memref_squeeze %dma_start3A_251 : memref<1x128x128xf32, #tpu.memory_space<vmem>> -> memref<128x128xf32, #tpu.memory_space<vmem>>
        %dma_start3A_253 = tpu.memref_slice %arg5[%mul3A_248] : memref<5632xi32, #tpu.memory_space<vmem>> -> memref<128xi32, #tpu.memory_space<vmem>>
        %dma_start3A_254 = arith.constant 0 : i32
        %dma_start3A_255 = arith.constant 0 : i32
        %dma_start3A_256 = tpu.memref_slice %arg2[%dma_start3A_254, %dma_start3A_255] : memref<6144x128xf32, #tpu.memory_space<hbm>> -> memref<6144x128xf32, #tpu.memory_space<hbm>>
        tpu.enqueue_indirect_dma source(%dma_start3A_256 : memref<6144x128xf32, #tpu.memory_space<hbm>>) target(%dma_start3A_252 : memref<128x128xf32, #tpu.memory_space<vmem>>) offsets(%dma_start3A_253 : memref<128xi32, #tpu.memory_space<vmem>>) semaphore(%arg7 : memref<!tpu.dma_semaphore, #tpu.memory_space<semaphore_mem>>)
      } else {
      }
      %add3A_147 = arith.constant 2 : i32
      %add3A_148 = arith.addi %mul3A_48, %add3A_147 : i32
      %lt3A_149 = arith.constant 44 : i32
      %lt3A_150 = arith.cmpi slt, %add3A_148, %lt3A_149 : i32
      %mul3A_151 = arith.constant 128 : i32
      %mul3A_152 = arith.muli %add3A_148, %mul3A_151 : i32
      %add3A_153 = arith.addi %mul3A_2, %mul3A_152 : i32
      %lt3A_154 = arith.constant 180000 : i32
      %lt3A_155 = arith.cmpi slt, %add3A_153, %lt3A_154 : i32
      %and3A_156 = arith.andi %lt3A_150, %lt3A_155 : i1
      %convert_element_type3A_157 = arith.extui %and3A_156 : i1 to i32
      %cond3A_158 = arith.constant 0 : i32
      %cond3A_159 = arith.cmpi ne, %convert_element_type3A_157, %cond3A_158 : i32
      scf.if %cond3A_159 {
        %mul3A_247 = arith.constant 128 : i32
        %mul3A_248 = arith.muli %add3A_148, %mul3A_247 : i32
        %dma_wait3A = arith.constant 2 : i32
        %dma_wait3A_249 = arith.constant 0 : i32
        %dma_wait3A_250 = arith.constant 0 : i32
        %dma_wait3A_251 = tpu.memref_slice %arg6[%dma_wait3A, %dma_wait3A_249, %dma_wait3A_250] : memref<4x128x128xf32, #tpu.memory_space<vmem>> -> memref<1x128x128xf32, #tpu.memory_space<vmem>>
        %dma_wait3A_252 = tpu.memref_squeeze %dma_wait3A_251 : memref<1x128x128xf32, #tpu.memory_space<vmem>> -> memref<128x128xf32, #tpu.memory_space<vmem>>
        %dma_wait3A_253 = tpu.memref_slice %arg5[%mul3A_248] : memref<5632xi32, #tpu.memory_space<vmem>> -> memref<128xi32, #tpu.memory_space<vmem>>
        %dma_wait3A_254 = arith.constant 0 : i32
        %dma_wait3A_255 = arith.constant 0 : i32
        %dma_wait3A_256 = tpu.memref_slice %arg2[%dma_wait3A_254, %dma_wait3A_255] : memref<6144x128xf32, #tpu.memory_space<hbm>> -> memref<6144x128xf32, #tpu.memory_space<hbm>>
        tpu.wait_indirect_dma semaphore(%arg9 : memref<!tpu.dma_semaphore, #tpu.memory_space<semaphore_mem>>) src(%dma_wait3A_256 : memref<6144x128xf32, #tpu.memory_space<hbm>>) dst(%dma_wait3A_252 : memref<128x128xf32, #tpu.memory_space<vmem>>)
      } else {
      }
      %add3A_160 = arith.constant 2 : i32
      %add3A_161 = arith.addi %mul3A_48, %add3A_160 : i32
      %mul3A_162 = arith.constant 128 : i32
      %mul3A_163 = arith.muli %add3A_161, %mul3A_162 : i32
      %add3A_164 = arith.addi %mul3A_2, %mul3A_163 : i32
      %add3A_165 = arith.constant 128 : i32
      %add3A_166 = arith.addi %add3A_164, %add3A_165 : i32
      %le3A_167 = arith.constant 180000 : i32
      %le3A_168 = arith.cmpi sle, %add3A_166, %le3A_167 : i32
      %convert_element_type3A_169 = arith.extui %le3A_168 : i1 to i32
      %cond3A_170 = arith.constant 0 : i32
      %cond3A_171 = arith.cmpi ne, %convert_element_type3A_169, %cond3A_170 : i32
      scf.if %cond3A_171 {
        %run_scoped3A = arith.constant 2 : i32
        "tpu.region"() ({
          %run_scoped3A_247 = tpu.sem_alloc : memref<!tpu.dma_semaphore, #tpu.memory_space<semaphore_mem>>
          %dma_start3A = arith.constant 0 : i32
          %dma_start3A_248 = arith.constant 0 : i32
          %dma_start3A_249 = tpu.memref_slice %arg6[%run_scoped3A, %dma_start3A, %dma_start3A_248] : memref<4x128x128xf32, #tpu.memory_space<vmem>> -> memref<1x128x128xf32, #tpu.memory_space<vmem>>
          %dma_start3A_250 = tpu.memref_squeeze %dma_start3A_249 : memref<1x128x128xf32, #tpu.memory_space<vmem>> -> memref<128x128xf32, #tpu.memory_space<vmem>>
          %dma_start3A_251 = arith.constant 0 : i32
          %dma_start3A_252 = tpu.memref_slice %arg4[%add3A_164, %dma_start3A_251] : memref<180000x128xf32, #tpu.memory_space<hbm>> -> memref<128x128xf32, #tpu.memory_space<hbm>>
          %dma_start3A_253 = arith.constant 0 : i32
          %dma_start3A_254 = tpu.memref_slice %arg4[%add3A_164, %dma_start3A_253] : memref<180000x128xf32, #tpu.memory_space<hbm>> -> memref<128x128xf32, #tpu.memory_space<hbm>>
          %dma_start3A_255 = arith.constant 0 : i32
          %dma_start3A_256 = arith.constant 0 : i32
          %dma_start3A_257 = tpu.memref_slice %arg6[%run_scoped3A, %dma_start3A_255, %dma_start3A_256] : memref<4x128x128xf32, #tpu.memory_space<vmem>> -> memref<1x128x128xf32, #tpu.memory_space<vmem>>
          %dma_start3A_258 = tpu.memref_squeeze %dma_start3A_257 : memref<1x128x128xf32, #tpu.memory_space<vmem>> -> memref<128x128xf32, #tpu.memory_space<vmem>>
          tpu.enqueue_dma source(%dma_start3A_258 : memref<128x128xf32, #tpu.memory_space<vmem>>) target(%dma_start3A_254 : memref<128x128xf32, #tpu.memory_space<hbm>>) target_semaphore(%run_scoped3A_247 : memref<!tpu.dma_semaphore, #tpu.memory_space<semaphore_mem>>)
          %dma_wait3A = arith.constant 0 : i32
          %dma_wait3A_259 = arith.constant 0 : i32
          %dma_wait3A_260 = tpu.memref_slice %arg6[%run_scoped3A, %dma_wait3A, %dma_wait3A_259] : memref<4x128x128xf32, #tpu.memory_space<vmem>> -> memref<1x128x128xf32, #tpu.memory_space<vmem>>
          %dma_wait3A_261 = tpu.memref_squeeze %dma_wait3A_260 : memref<1x128x128xf32, #tpu.memory_space<vmem>> -> memref<128x128xf32, #tpu.memory_space<vmem>>
          %dma_wait3A_262 = arith.constant 0 : i32
          %dma_wait3A_263 = tpu.memref_slice %arg4[%add3A_164, %dma_wait3A_262] : memref<180000x128xf32, #tpu.memory_space<hbm>> -> memref<128x128xf32, #tpu.memory_space<hbm>>
          %dma_wait3A_264 = arith.constant 0 : i32
          %dma_wait3A_265 = tpu.memref_slice %arg4[%add3A_164, %dma_wait3A_264] : memref<180000x128xf32, #tpu.memory_space<hbm>> -> memref<128x128xf32, #tpu.memory_space<hbm>>
          %dma_wait3A_266 = arith.constant 0 : i32
          %dma_wait3A_267 = arith.constant 0 : i32
          %dma_wait3A_268 = tpu.memref_slice %arg6[%run_scoped3A, %dma_wait3A_266, %dma_wait3A_267] : memref<4x128x128xf32, #tpu.memory_space<vmem>> -> memref<1x128x128xf32, #tpu.memory_space<vmem>>
          %dma_wait3A_269 = tpu.memref_squeeze %dma_wait3A_268 : memref<1x128x128xf32, #tpu.memory_space<vmem>> -> memref<128x128xf32, #tpu.memory_space<vmem>>
          tpu.wait_dma2 semaphore(%run_scoped3A_247 : memref<!tpu.dma_semaphore, #tpu.memory_space<semaphore_mem>>) src(%dma_wait3A_269 : memref<128x128xf32, #tpu.memory_space<vmem>>) dst(%dma_wait3A_265 : memref<128x128xf32, #tpu.memory_space<hbm>>)
          tpu.yield
        }) : () -> ()
      } else {
      }
      %lt3A_172 = arith.constant 180000 : i32
      %lt3A_173 = arith.cmpi slt, %add3A_164, %lt3A_172 : i32
      %add3A_174 = arith.constant 128 : i32
      %add3A_175 = arith.addi %add3A_164, %add3A_174 : i32
      %gt3A_176 = arith.constant 180000 : i32
      %gt3A_177 = arith.cmpi sgt, %add3A_175, %gt3A_176 : i32
      %and3A_178 = arith.andi %lt3A_173, %gt3A_177 : i1
      %convert_element_type3A_179 = arith.extui %and3A_178 : i1 to i32
      %cond3A_180 = arith.constant 0 : i32
      %cond3A_181 = arith.cmpi ne, %convert_element_type3A_179, %cond3A_180 : i32
      scf.if %cond3A_181 {
        %run_scoped3A = arith.constant 2 : i32
        "tpu.region"() ({
          %run_scoped3A_247 = tpu.sem_alloc : memref<!tpu.dma_semaphore, #tpu.memory_space<semaphore_mem>>
          %dma_start3A = arith.constant 0 : i32
          %dma_start3A_248 = arith.constant 0 : i32
          %dma_start3A_249 = tpu.memref_slice %arg6[%run_scoped3A, %dma_start3A, %dma_start3A_248] : memref<4x128x128xf32, #tpu.memory_space<vmem>> -> memref<1x128x128xf32, #tpu.memory_space<vmem>>
          %dma_start3A_250 = tpu.memref_squeeze %dma_start3A_249 : memref<1x128x128xf32, #tpu.memory_space<vmem>> -> memref<128x128xf32, #tpu.memory_space<vmem>>
          %dma_start3A_251 = arith.constant 0 : i32
          %dma_start3A_252 = arith.constant 0 : i32
          %dma_start3A_253 = tpu.memref_slice %dma_start3A_250[%dma_start3A_251, %dma_start3A_252] : memref<128x128xf32, #tpu.memory_space<vmem>> -> memref<32x128xf32, #tpu.memory_space<vmem>>
          %dma_start3A_254 = arith.constant 0 : i32
          %dma_start3A_255 = tpu.memref_slice %arg4[%add3A_164, %dma_start3A_254] : memref<180000x128xf32, #tpu.memory_space<hbm>> -> memref<32x128xf32, #tpu.memory_space<hbm>>
          %dma_start3A_256 = arith.constant 0 : i32
          %dma_start3A_257 = tpu.memref_slice %arg4[%add3A_164, %dma_start3A_256] : memref<180000x128xf32, #tpu.memory_space<hbm>> -> memref<32x128xf32, #tpu.memory_space<hbm>>
          %dma_start3A_258 = arith.constant 0 : i32
          %dma_start3A_259 = arith.constant 0 : i32
          %dma_start3A_260 = tpu.memref_slice %arg6[%run_scoped3A, %dma_start3A_258, %dma_start3A_259] : memref<4x128x128xf32, #tpu.memory_space<vmem>> -> memref<1x128x128xf32, #tpu.memory_space<vmem>>
          %dma_start3A_261 = tpu.memref_squeeze %dma_start3A_260 : memref<1x128x128xf32, #tpu.memory_space<vmem>> -> memref<128x128xf32, #tpu.memory_space<vmem>>
          %dma_start3A_262 = arith.constant 0 : i32
          %dma_start3A_263 = arith.constant 0 : i32
          %dma_start3A_264 = tpu.memref_slice %dma_start3A_261[%dma_start3A_262, %dma_start3A_263] : memref<128x128xf32, #tpu.memory_space<vmem>> -> memref<32x128xf32, #tpu.memory_space<vmem>>
          tpu.enqueue_dma source(%dma_start3A_264 : memref<32x128xf32, #tpu.memory_space<vmem>>) target(%dma_start3A_257 : memref<32x128xf32, #tpu.memory_space<hbm>>) target_semaphore(%run_scoped3A_247 : memref<!tpu.dma_semaphore, #tpu.memory_space<semaphore_mem>>)
          %dma_wait3A = arith.constant 0 : i32
          %dma_wait3A_265 = arith.constant 0 : i32
          %dma_wait3A_266 = tpu.memref_slice %arg6[%run_scoped3A, %dma_wait3A, %dma_wait3A_265] : memref<4x128x128xf32, #tpu.memory_space<vmem>> -> memref<1x128x128xf32, #tpu.memory_space<vmem>>
          %dma_wait3A_267 = tpu.memref_squeeze %dma_wait3A_266 : memref<1x128x128xf32, #tpu.memory_space<vmem>> -> memref<128x128xf32, #tpu.memory_space<vmem>>
          %dma_wait3A_268 = arith.constant 0 : i32
          %dma_wait3A_269 = arith.constant 0 : i32
          %dma_wait3A_270 = tpu.memref_slice %dma_wait3A_267[%dma_wait3A_268, %dma_wait3A_269] : memref<128x128xf32, #tpu.memory_space<vmem>> -> memref<32x128xf32, #tpu.memory_space<vmem>>
          %dma_wait3A_271 = arith.constant 0 : i32
          %dma_wait3A_272 = tpu.memref_slice %arg4[%add3A_164, %dma_wait3A_271] : memref<180000x128xf32, #tpu.memory_space<hbm>> -> memref<32x128xf32, #tpu.memory_space<hbm>>
          %dma_wait3A_273 = arith.constant 0 : i32
          %dma_wait3A_274 = tpu.memref_slice %arg4[%add3A_164, %dma_wait3A_273] : memref<180000x128xf32, #tpu.memory_space<hbm>> -> memref<32x128xf32, #tpu.memory_space<hbm>>
          %dma_wait3A_275 = arith.constant 0 : i32
          %dma_wait3A_276 = arith.constant 0 : i32
          %dma_wait3A_277 = tpu.memref_slice %arg6[%run_scoped3A, %dma_wait3A_275, %dma_wait3A_276] : memref<4x128x128xf32, #tpu.memory_space<vmem>> -> memref<1x128x128xf32, #tpu.memory_space<vmem>>
          %dma_wait3A_278 = tpu.memref_squeeze %dma_wait3A_277 : memref<1x128x128xf32, #tpu.memory_space<vmem>> -> memref<128x128xf32, #tpu.memory_space<vmem>>
          %dma_wait3A_279 = arith.constant 0 : i32
          %dma_wait3A_280 = arith.constant 0 : i32
          %dma_wait3A_281 = tpu.memref_slice %dma_wait3A_278[%dma_wait3A_279, %dma_wait3A_280] : memref<128x128xf32, #tpu.memory_space<vmem>> -> memref<32x128xf32, #tpu.memory_space<vmem>>
          tpu.wait_dma2 semaphore(%run_scoped3A_247 : memref<!tpu.dma_semaphore, #tpu.memory_space<semaphore_mem>>) src(%dma_wait3A_281 : memref<32x128xf32, #tpu.memory_space<vmem>>) dst(%dma_wait3A_274 : memref<32x128xf32, #tpu.memory_space<hbm>>)
          tpu.yield
        }) : () -> ()
      } else {
      }
      %add3A_182 = arith.constant 2 : i32
      %add3A_183 = arith.addi %mul3A_48, %add3A_182 : i32
      %add3A_184 = arith.constant 3 : i32
      %add3A_185 = arith.addi %add3A_183, %add3A_184 : i32
      %lt3A_186 = arith.constant 44 : i32
      %lt3A_187 = arith.cmpi slt, %add3A_185, %lt3A_186 : i32
      %mul3A_188 = arith.constant 128 : i32
      %mul3A_189 = arith.muli %add3A_185, %mul3A_188 : i32
      %add3A_190 = arith.addi %mul3A_2, %mul3A_189 : i32
      %lt3A_191 = arith.constant 180000 : i32
      %lt3A_192 = arith.cmpi slt, %add3A_190, %lt3A_191 : i32
      %and3A_193 = arith.andi %lt3A_187, %lt3A_192 : i1
      %convert_element_type3A_194 = arith.extui %and3A_193 : i1 to i32
      %cond3A_195 = arith.constant 0 : i32
      %cond3A_196 = arith.cmpi ne, %convert_element_type3A_194, %cond3A_195 : i32
      scf.if %cond3A_196 {
        %mul3A_247 = arith.constant 128 : i32
        %mul3A_248 = arith.muli %add3A_185, %mul3A_247 : i32
        %dma_start3A = arith.constant 1 : i32
        %dma_start3A_249 = arith.constant 0 : i32
        %dma_start3A_250 = arith.constant 0 : i32
        %dma_start3A_251 = tpu.memref_slice %arg6[%dma_start3A, %dma_start3A_249, %dma_start3A_250] : memref<4x128x128xf32, #tpu.memory_space<vmem>> -> memref<1x128x128xf32, #tpu.memory_space<vmem>>
        %dma_start3A_252 = tpu.memref_squeeze %dma_start3A_251 : memref<1x128x128xf32, #tpu.memory_space<vmem>> -> memref<128x128xf32, #tpu.memory_space<vmem>>
        %dma_start3A_253 = tpu.memref_slice %arg5[%mul3A_248] : memref<5632xi32, #tpu.memory_space<vmem>> -> memref<128xi32, #tpu.memory_space<vmem>>
        %dma_start3A_254 = arith.constant 0 : i32
        %dma_start3A_255 = arith.constant 0 : i32
        %dma_start3A_256 = tpu.memref_slice %arg2[%dma_start3A_254, %dma_start3A_255] : memref<6144x128xf32, #tpu.memory_space<hbm>> -> memref<6144x128xf32, #tpu.memory_space<hbm>>
        tpu.enqueue_indirect_dma source(%dma_start3A_256 : memref<6144x128xf32, #tpu.memory_space<hbm>>) target(%dma_start3A_252 : memref<128x128xf32, #tpu.memory_space<vmem>>) offsets(%dma_start3A_253 : memref<128xi32, #tpu.memory_space<vmem>>) semaphore(%arg8 : memref<!tpu.dma_semaphore, #tpu.memory_space<semaphore_mem>>)
      } else {
      }
      %add3A_197 = arith.constant 3 : i32
      %add3A_198 = arith.addi %mul3A_48, %add3A_197 : i32
      %lt3A_199 = arith.constant 44 : i32
      %lt3A_200 = arith.cmpi slt, %add3A_198, %lt3A_199 : i32
      %mul3A_201 = arith.constant 128 : i32
      %mul3A_202 = arith.muli %add3A_198, %mul3A_201 : i32
      %add3A_203 = arith.addi %mul3A_2, %mul3A_202 : i32
      %lt3A_204 = arith.constant 180000 : i32
      %lt3A_205 = arith.cmpi slt, %add3A_203, %lt3A_204 : i32
      %and3A_206 = arith.andi %lt3A_200, %lt3A_205 : i1
      %convert_element_type3A_207 = arith.extui %and3A_206 : i1 to i32
      %cond3A_208 = arith.constant 0 : i32
      %cond3A_209 = arith.cmpi ne, %convert_element_type3A_207, %cond3A_208 : i32
      scf.if %cond3A_209 {
        %mul3A_247 = arith.constant 128 : i32
        %mul3A_248 = arith.muli %add3A_198, %mul3A_247 : i32
        %dma_wait3A = arith.constant 3 : i32
        %dma_wait3A_249 = arith.constant 0 : i32
        %dma_wait3A_250 = arith.constant 0 : i32
        %dma_wait3A_251 = tpu.memref_slice %arg6[%dma_wait3A, %dma_wait3A_249, %dma_wait3A_250] : memref<4x128x128xf32, #tpu.memory_space<vmem>> -> memref<1x128x128xf32, #tpu.memory_space<vmem>>
        %dma_wait3A_252 = tpu.memref_squeeze %dma_wait3A_251 : memref<1x128x128xf32, #tpu.memory_space<vmem>> -> memref<128x128xf32, #tpu.memory_space<vmem>>
        %dma_wait3A_253 = tpu.memref_slice %arg5[%mul3A_248] : memref<5632xi32, #tpu.memory_space<vmem>> -> memref<128xi32, #tpu.memory_space<vmem>>
        %dma_wait3A_254 = arith.constant 0 : i32
        %dma_wait3A_255 = arith.constant 0 : i32
        %dma_wait3A_256 = tpu.memref_slice %arg2[%dma_wait3A_254, %dma_wait3A_255] : memref<6144x128xf32, #tpu.memory_space<hbm>> -> memref<6144x128xf32, #tpu.memory_space<hbm>>
        tpu.wait_indirect_dma semaphore(%arg10 : memref<!tpu.dma_semaphore, #tpu.memory_space<semaphore_mem>>) src(%dma_wait3A_256 : memref<6144x128xf32, #tpu.memory_space<hbm>>) dst(%dma_wait3A_252 : memref<128x128xf32, #tpu.memory_space<vmem>>)
      } else {
      }
      %add3A_210 = arith.constant 3 : i32
      %add3A_211 = arith.addi %mul3A_48, %add3A_210 : i32
      %mul3A_212 = arith.constant 128 : i32
      %mul3A_213 = arith.muli %add3A_211, %mul3A_212 : i32
      %add3A_214 = arith.addi %mul3A_2, %mul3A_213 : i32
      %add3A_215 = arith.constant 128 : i32
      %add3A_216 = arith.addi %add3A_214, %add3A_215 : i32
      %le3A_217 = arith.constant 180000 : i32
      %le3A_218 = arith.cmpi sle, %add3A_216, %le3A_217 : i32
      %convert_element_type3A_219 = arith.extui %le3A_218 : i1 to i32
      %cond3A_220 = arith.constant 0 : i32
      %cond3A_221 = arith.cmpi ne, %convert_element_type3A_219, %cond3A_220 : i32
      scf.if %cond3A_221 {
        %run_scoped3A = arith.constant 3 : i32
        "tpu.region"() ({
          %run_scoped3A_247 = tpu.sem_alloc : memref<!tpu.dma_semaphore, #tpu.memory_space<semaphore_mem>>
          %dma_start3A = arith.constant 0 : i32
          %dma_start3A_248 = arith.constant 0 : i32
          %dma_start3A_249 = tpu.memref_slice %arg6[%run_scoped3A, %dma_start3A, %dma_start3A_248] : memref<4x128x128xf32, #tpu.memory_space<vmem>> -> memref<1x128x128xf32, #tpu.memory_space<vmem>>
          %dma_start3A_250 = tpu.memref_squeeze %dma_start3A_249 : memref<1x128x128xf32, #tpu.memory_space<vmem>> -> memref<128x128xf32, #tpu.memory_space<vmem>>
          %dma_start3A_251 = arith.constant 0 : i32
          %dma_start3A_252 = tpu.memref_slice %arg4[%add3A_214, %dma_start3A_251] : memref<180000x128xf32, #tpu.memory_space<hbm>> -> memref<128x128xf32, #tpu.memory_space<hbm>>
          %dma_start3A_253 = arith.constant 0 : i32
          %dma_start3A_254 = tpu.memref_slice %arg4[%add3A_214, %dma_start3A_253] : memref<180000x128xf32, #tpu.memory_space<hbm>> -> memref<128x128xf32, #tpu.memory_space<hbm>>
          %dma_start3A_255 = arith.constant 0 : i32
          %dma_start3A_256 = arith.constant 0 : i32
          %dma_start3A_257 = tpu.memref_slice %arg6[%run_scoped3A, %dma_start3A_255, %dma_start3A_256] : memref<4x128x128xf32, #tpu.memory_space<vmem>> -> memref<1x128x128xf32, #tpu.memory_space<vmem>>
          %dma_start3A_258 = tpu.memref_squeeze %dma_start3A_257 : memref<1x128x128xf32, #tpu.memory_space<vmem>> -> memref<128x128xf32, #tpu.memory_space<vmem>>
          tpu.enqueue_dma source(%dma_start3A_258 : memref<128x128xf32, #tpu.memory_space<vmem>>) target(%dma_start3A_254 : memref<128x128xf32, #tpu.memory_space<hbm>>) target_semaphore(%run_scoped3A_247 : memref<!tpu.dma_semaphore, #tpu.memory_space<semaphore_mem>>)
          %dma_wait3A = arith.constant 0 : i32
          %dma_wait3A_259 = arith.constant 0 : i32
          %dma_wait3A_260 = tpu.memref_slice %arg6[%run_scoped3A, %dma_wait3A, %dma_wait3A_259] : memref<4x128x128xf32, #tpu.memory_space<vmem>> -> memref<1x128x128xf32, #tpu.memory_space<vmem>>
          %dma_wait3A_261 = tpu.memref_squeeze %dma_wait3A_260 : memref<1x128x128xf32, #tpu.memory_space<vmem>> -> memref<128x128xf32, #tpu.memory_space<vmem>>
          %dma_wait3A_262 = arith.constant 0 : i32
          %dma_wait3A_263 = tpu.memref_slice %arg4[%add3A_214, %dma_wait3A_262] : memref<180000x128xf32, #tpu.memory_space<hbm>> -> memref<128x128xf32, #tpu.memory_space<hbm>>
          %dma_wait3A_264 = arith.constant 0 : i32
          %dma_wait3A_265 = tpu.memref_slice %arg4[%add3A_214, %dma_wait3A_264] : memref<180000x128xf32, #tpu.memory_space<hbm>> -> memref<128x128xf32, #tpu.memory_space<hbm>>
          %dma_wait3A_266 = arith.constant 0 : i32
          %dma_wait3A_267 = arith.constant 0 : i32
          %dma_wait3A_268 = tpu.memref_slice %arg6[%run_scoped3A, %dma_wait3A_266, %dma_wait3A_267] : memref<4x128x128xf32, #tpu.memory_space<vmem>> -> memref<1x128x128xf32, #tpu.memory_space<vmem>>
          %dma_wait3A_269 = tpu.memref_squeeze %dma_wait3A_268 : memref<1x128x128xf32, #tpu.memory_space<vmem>> -> memref<128x128xf32, #tpu.memory_space<vmem>>
          tpu.wait_dma2 semaphore(%run_scoped3A_247 : memref<!tpu.dma_semaphore, #tpu.memory_space<semaphore_mem>>) src(%dma_wait3A_269 : memref<128x128xf32, #tpu.memory_space<vmem>>) dst(%dma_wait3A_265 : memref<128x128xf32, #tpu.memory_space<hbm>>)
          tpu.yield
        }) : () -> ()
      } else {
      }
      %lt3A_222 = arith.constant 180000 : i32
      %lt3A_223 = arith.cmpi slt, %add3A_214, %lt3A_222 : i32
      %add3A_224 = arith.constant 128 : i32
      %add3A_225 = arith.addi %add3A_214, %add3A_224 : i32
      %gt3A_226 = arith.constant 180000 : i32
      %gt3A_227 = arith.cmpi sgt, %add3A_225, %gt3A_226 : i32
      %and3A_228 = arith.andi %lt3A_223, %gt3A_227 : i1
      %convert_element_type3A_229 = arith.extui %and3A_228 : i1 to i32
      %cond3A_230 = arith.constant 0 : i32
      %cond3A_231 = arith.cmpi ne, %convert_element_type3A_229, %cond3A_230 : i32
      scf.if %cond3A_231 {
        %run_scoped3A = arith.constant 3 : i32
        "tpu.region"() ({
          %run_scoped3A_247 = tpu.sem_alloc : memref<!tpu.dma_semaphore, #tpu.memory_space<semaphore_mem>>
          %dma_start3A = arith.constant 0 : i32
          %dma_start3A_248 = arith.constant 0 : i32
          %dma_start3A_249 = tpu.memref_slice %arg6[%run_scoped3A, %dma_start3A, %dma_start3A_248] : memref<4x128x128xf32, #tpu.memory_space<vmem>> -> memref<1x128x128xf32, #tpu.memory_space<vmem>>
          %dma_start3A_250 = tpu.memref_squeeze %dma_start3A_249 : memref<1x128x128xf32, #tpu.memory_space<vmem>> -> memref<128x128xf32, #tpu.memory_space<vmem>>
          %dma_start3A_251 = arith.constant 0 : i32
          %dma_start3A_252 = arith.constant 0 : i32
          %dma_start3A_253 = tpu.memref_slice %dma_start3A_250[%dma_start3A_251, %dma_start3A_252] : memref<128x128xf32, #tpu.memory_space<vmem>> -> memref<32x128xf32, #tpu.memory_space<vmem>>
          %dma_start3A_254 = arith.constant 0 : i32
          %dma_start3A_255 = tpu.memref_slice %arg4[%add3A_214, %dma_start3A_254] : memref<180000x128xf32, #tpu.memory_space<hbm>> -> memref<32x128xf32, #tpu.memory_space<hbm>>
          %dma_start3A_256 = arith.constant 0 : i32
          %dma_start3A_257 = tpu.memref_slice %arg4[%add3A_214, %dma_start3A_256] : memref<180000x128xf32, #tpu.memory_space<hbm>> -> memref<32x128xf32, #tpu.memory_space<hbm>>
          %dma_start3A_258 = arith.constant 0 : i32
          %dma_start3A_259 = arith.constant 0 : i32
          %dma_start3A_260 = tpu.memref_slice %arg6[%run_scoped3A, %dma_start3A_258, %dma_start3A_259] : memref<4x128x128xf32, #tpu.memory_space<vmem>> -> memref<1x128x128xf32, #tpu.memory_space<vmem>>
          %dma_start3A_261 = tpu.memref_squeeze %dma_start3A_260 : memref<1x128x128xf32, #tpu.memory_space<vmem>> -> memref<128x128xf32, #tpu.memory_space<vmem>>
          %dma_start3A_262 = arith.constant 0 : i32
          %dma_start3A_263 = arith.constant 0 : i32
          %dma_start3A_264 = tpu.memref_slice %dma_start3A_261[%dma_start3A_262, %dma_start3A_263] : memref<128x128xf32, #tpu.memory_space<vmem>> -> memref<32x128xf32, #tpu.memory_space<vmem>>
          tpu.enqueue_dma source(%dma_start3A_264 : memref<32x128xf32, #tpu.memory_space<vmem>>) target(%dma_start3A_257 : memref<32x128xf32, #tpu.memory_space<hbm>>) target_semaphore(%run_scoped3A_247 : memref<!tpu.dma_semaphore, #tpu.memory_space<semaphore_mem>>)
          %dma_wait3A = arith.constant 0 : i32
          %dma_wait3A_265 = arith.constant 0 : i32
          %dma_wait3A_266 = tpu.memref_slice %arg6[%run_scoped3A, %dma_wait3A, %dma_wait3A_265] : memref<4x128x128xf32, #tpu.memory_space<vmem>> -> memref<1x128x128xf32, #tpu.memory_space<vmem>>
          %dma_wait3A_267 = tpu.memref_squeeze %dma_wait3A_266 : memref<1x128x128xf32, #tpu.memory_space<vmem>> -> memref<128x128xf32, #tpu.memory_space<vmem>>
          %dma_wait3A_268 = arith.constant 0 : i32
          %dma_wait3A_269 = arith.constant 0 : i32
          %dma_wait3A_270 = tpu.memref_slice %dma_wait3A_267[%dma_wait3A_268, %dma_wait3A_269] : memref<128x128xf32, #tpu.memory_space<vmem>> -> memref<32x128xf32, #tpu.memory_space<vmem>>
          %dma_wait3A_271 = arith.constant 0 : i32
          %dma_wait3A_272 = tpu.memref_slice %arg4[%add3A_214, %dma_wait3A_271] : memref<180000x128xf32, #tpu.memory_space<hbm>> -> memref<32x128xf32, #tpu.memory_space<hbm>>
          %dma_wait3A_273 = arith.constant 0 : i32
          %dma_wait3A_274 = tpu.memref_slice %arg4[%add3A_214, %dma_wait3A_273] : memref<180000x128xf32, #tpu.memory_space<hbm>> -> memref<32x128xf32, #tpu.memory_space<hbm>>
          %dma_wait3A_275 = arith.constant 0 : i32
          %dma_wait3A_276 = arith.constant 0 : i32
          %dma_wait3A_277 = tpu.memref_slice %arg6[%run_scoped3A, %dma_wait3A_275, %dma_wait3A_276] : memref<4x128x128xf32, #tpu.memory_space<vmem>> -> memref<1x128x128xf32, #tpu.memory_space<vmem>>
          %dma_wait3A_278 = tpu.memref_squeeze %dma_wait3A_277 : memref<1x128x128xf32, #tpu.memory_space<vmem>> -> memref<128x128xf32, #tpu.memory_space<vmem>>
          %dma_wait3A_279 = arith.constant 0 : i32
          %dma_wait3A_280 = arith.constant 0 : i32
          %dma_wait3A_281 = tpu.memref_slice %dma_wait3A_278[%dma_wait3A_279, %dma_wait3A_280] : memref<128x128xf32, #tpu.memory_space<vmem>> -> memref<32x128xf32, #tpu.memory_space<vmem>>
          tpu.wait_dma2 semaphore(%run_scoped3A_247 : memref<!tpu.dma_semaphore, #tpu.memory_space<semaphore_mem>>) src(%dma_wait3A_281 : memref<32x128xf32, #tpu.memory_space<vmem>>) dst(%dma_wait3A_274 : memref<32x128xf32, #tpu.memory_space<hbm>>)
          tpu.yield
        }) : () -> ()
      } else {
      }
      %add3A_232 = arith.constant 3 : i32
      %add3A_233 = arith.addi %mul3A_48, %add3A_232 : i32
      %add3A_234 = arith.constant 3 : i32
      %add3A_235 = arith.addi %add3A_233, %add3A_234 : i32
      %lt3A_236 = arith.constant 44 : i32
      %lt3A_237 = arith.cmpi slt, %add3A_235, %lt3A_236 : i32
      %mul3A_238 = arith.constant 128 : i32
      %mul3A_239 = arith.muli %add3A_235, %mul3A_238 : i32
      %add3A_240 = arith.addi %mul3A_2, %mul3A_239 : i32
      %lt3A_241 = arith.constant 180000 : i32
      %lt3A_242 = arith.cmpi slt, %add3A_240, %lt3A_241 : i32
      %and3A_243 = arith.andi %lt3A_237, %lt3A_242 : i1
      %convert_element_type3A_244 = arith.extui %and3A_243 : i1 to i32
      %cond3A_245 = arith.constant 0 : i32
      %cond3A_246 = arith.cmpi ne, %convert_element_type3A_244, %cond3A_245 : i32
      scf.if %cond3A_246 {
        %mul3A_247 = arith.constant 128 : i32
        %mul3A_248 = arith.muli %add3A_235, %mul3A_247 : i32
        %dma_start3A = arith.constant 2 : i32
        %dma_start3A_249 = arith.constant 0 : i32
        %dma_start3A_250 = arith.constant 0 : i32
        %dma_start3A_251 = tpu.memref_slice %arg6[%dma_start3A, %dma_start3A_249, %dma_start3A_250] : memref<4x128x128xf32, #tpu.memory_space<vmem>> -> memref<1x128x128xf32, #tpu.memory_space<vmem>>
        %dma_start3A_252 = tpu.memref_squeeze %dma_start3A_251 : memref<1x128x128xf32, #tpu.memory_space<vmem>> -> memref<128x128xf32, #tpu.memory_space<vmem>>
        %dma_start3A_253 = tpu.memref_slice %arg5[%mul3A_248] : memref<5632xi32, #tpu.memory_space<vmem>> -> memref<128xi32, #tpu.memory_space<vmem>>
        %dma_start3A_254 = arith.constant 0 : i32
        %dma_start3A_255 = arith.constant 0 : i32
        %dma_start3A_256 = tpu.memref_slice %arg2[%dma_start3A_254, %dma_start3A_255] : memref<6144x128xf32, #tpu.memory_space<hbm>> -> memref<6144x128xf32, #tpu.memory_space<hbm>>
        tpu.enqueue_indirect_dma source(%dma_start3A_256 : memref<6144x128xf32, #tpu.memory_space<hbm>>) target(%dma_start3A_252 : memref<128x128xf32, #tpu.memory_space<vmem>>) offsets(%dma_start3A_253 : memref<128xi32, #tpu.memory_space<vmem>>) semaphore(%arg9 : memref<!tpu.dma_semaphore, #tpu.memory_space<semaphore_mem>>)
      } else {
      }
    }
    %scan3A_45 = arith.constant 11 : i32
    return
  }
}

module attributes {stable_mosaic.version = 14 : i64} {
  func.func @_tables_body(%arg0: i32, %arg1: memref<1x2048x8xf32, #tpu.memory_space<vmem>>, %arg2: memref<1x8x128xf32, #tpu.memory_space<vmem>>, %arg3: memref<1x1x128xf32, #tpu.memory_space<vmem>>, %arg4: memref<1x128x128xf32, #tpu.memory_space<vmem>>, %arg5: memref<1x1x128xf32, #tpu.memory_space<vmem>>, %arg6: memref<128x128xf32, #tpu.memory_space<vmem>>, %arg7: memref<1x2048x128xf32, #tpu.memory_space<vmem>>) attributes {dimension_semantics = [#tpu.dimension_semantics<arbitrary>], iteration_bounds = array<i64: 3>, scalar_prefetch = 0 : i64, scratch_operands = 0 : i64, tpu.core_type = #tpu.core_type<tc>, window_params = [{transform_indices = @transform_0, window_bounds = array<i64: 1, 2048, 8>}, {transform_indices = @transform_1, window_bounds = array<i64: 1, 8, 128>}, {transform_indices = @transform_2, window_bounds = array<i64: 1, 1, 128>}, {transform_indices = @transform_3, window_bounds = array<i64: 1, 128, 128>}, {transform_indices = @transform_4, window_bounds = array<i64: 1, 1, 128>}, {pipeline_mode = #tpu.pipeline_mode<synchronous>, transform_indices = @transform_5, window_bounds = array<i64: 128, 128>}, {transform_indices = @transform_6, window_bounds = array<i64: 1, 2048, 128>}]} {
    %get3A = arith.constant 0 : index
    %get3A_0 = arith.constant 0 : index
    %get3A_1 = arith.constant 0 : index
    %get3A_2 = vector.load %arg1[%get3A, %get3A_0, %get3A_1] : memref<1x2048x8xf32, #tpu.memory_space<vmem>>, vector<1x2048x8xf32>
    %get3A_3 = vector.shape_cast %get3A_2 : vector<1x2048x8xf32> to vector<2048x8xf32>
    %get3A_4 = arith.constant 0 : index
    %get3A_5 = arith.constant 0 : index
    %get3A_6 = arith.constant 0 : index
    %get3A_7 = vector.load %arg2[%get3A_4, %get3A_5, %get3A_6] : memref<1x8x128xf32, #tpu.memory_space<vmem>>, vector<1x8x128xf32>
    %get3A_8 = vector.shape_cast %get3A_7 : vector<1x8x128xf32> to vector<8x128xf32>
    %convert_element_type3A = arith.truncf %get3A_3 : vector<2048x8xf32> to vector<2048x8xbf16>
    %convert_element_type3A_9 = arith.truncf %get3A_8 : vector<8x128xf32> to vector<8x128xbf16>
    %dot_general3A = arith.constant dense<0.000000e+00> : vector<2048x128xf32>
    %dot_general3A_10 = tpu.matmul %convert_element_type3A, %convert_element_type3A_9, %dot_general3A {dimension_numbers = #tpu.dot_dimension_numbers<[1], [0], [0], [1], [0, 0, 1, 1], [], []>, transpose_lhs_hint = false} : vector<2048x8xbf16>, vector<8x128xbf16>, vector<2048x128xf32> -> vector<2048x128xf32>
    %get3A_11 = arith.constant 0 : index
    %get3A_12 = arith.constant 0 : index
    %get3A_13 = arith.constant 0 : index
    %get3A_14 = vector.load %arg3[%get3A_11, %get3A_12, %get3A_13] : memref<1x1x128xf32, #tpu.memory_space<vmem>>, vector<1x1x128xf32>
    %get3A_15 = vector.shape_cast %get3A_14 : vector<1x1x128xf32> to vector<1x128xf32>
    %add3A = vector.broadcast %get3A_15 : vector<1x128xf32> to vector<2048x128xf32>
    %add3A_16 = arith.addf %dot_general3A_10, %add3A : vector<2048x128xf32>
    %reduce_sum3A = arith.constant dense<0.000000e+00> : vector<2048xf32>
    %reduce_sum3A_17 = vector.multi_reduction <add>, %add3A_16, %reduce_sum3A [1] : vector<2048x128xf32> to vector<2048xf32>
    %broadcast_in_dim3A = vector.shape_cast %reduce_sum3A_17 : vector<2048xf32> to vector<2048x1xf32>
    %div3A = arith.constant 1.280000e+02 : f32
    %div3A_18 = vector.broadcast %div3A : f32 to vector<2048x1xf32>
    %div3A_19 = arith.divf %broadcast_in_dim3A, %div3A_18 : vector<2048x1xf32>
    %jit3A = arith.constant 0 : i32
    %reduce_sum3A_20 = arith.constant dense<0.000000e+00> : vector<2048xf32>
    %reduce_sum3A_21 = vector.multi_reduction <add>, %add3A_16, %reduce_sum3A_20 [1] : vector<2048x128xf32> to vector<2048xf32>
    %broadcast_in_dim3A_22 = vector.shape_cast %reduce_sum3A_21 : vector<2048xf32> to vector<2048x1xf32>
    %div3A_23 = arith.constant 1.280000e+02 : f32
    %div3A_24 = vector.broadcast %div3A_23 : f32 to vector<2048x1xf32>
    %div3A_25 = arith.divf %broadcast_in_dim3A_22, %div3A_24 : vector<2048x1xf32>
    %sub3A = vector.broadcast %div3A_25 : vector<2048x1xf32> to vector<2048x128xf32>
    %sub3A_26 = arith.subf %add3A_16, %sub3A : vector<2048x128xf32>
    %square3A = arith.mulf %sub3A_26, %sub3A_26 : vector<2048x128xf32>
    %convert_element_type3A_27 = arith.sitofp %jit3A : i32 to f32
    %sub3A_28 = arith.constant 1.280000e+02 : f32
    %sub3A_29 = arith.subf %sub3A_28, %convert_element_type3A_27 : f32
    %reduce_sum3A_30 = arith.constant dense<0.000000e+00> : vector<2048xf32>
    %reduce_sum3A_31 = vector.multi_reduction <add>, %square3A, %reduce_sum3A_30 [1] : vector<2048x128xf32> to vector<2048xf32>
    %broadcast_in_dim3A_32 = vector.shape_cast %reduce_sum3A_31 : vector<2048xf32> to vector<2048x1xf32>
    %div3A_33 = vector.broadcast %sub3A_29 : f32 to vector<2048x1xf32>
    %div3A_34 = arith.divf %broadcast_in_dim3A_32, %div3A_33 : vector<2048x1xf32>
    %gt3A = arith.constant 0.000000e+00 : f32
    %gt3A_35 = arith.cmpf ogt, %sub3A_29, %gt3A : f32
    %jit3A_36 = arith.constant 0x7FC00000 : f32
    %broadcast_in_dim3A_37 = vector.broadcast %jit3A_36 : f32 to vector<2048x1xf32>
    %select_n3A = arith.select %gt3A_35, %div3A_34, %broadcast_in_dim3A_37 : vector<2048x1xf32>
    %sub3A_38 = vector.broadcast %div3A_19 : vector<2048x1xf32> to vector<2048x128xf32>
    %sub3A_39 = arith.subf %add3A_16, %sub3A_38 : vector<2048x128xf32>
    %add3A_40 = arith.constant 9.99999974E-6 : f32
    %add3A_41 = vector.broadcast %add3A_40 : f32 to vector<2048x1xf32>
    %add3A_42 = arith.addf %select_n3A, %add3A_41 : vector<2048x1xf32>
    %sqrt3A = math.sqrt %add3A_42 : vector<2048x1xf32>
    %div3A_43 = vector.broadcast %sqrt3A : vector<2048x1xf32> to vector<2048x128xf32>
    %div3A_44 = arith.divf %sub3A_39, %div3A_43 : vector<2048x128xf32>
    %max3A = arith.constant 0.000000e+00 : f32
    %max3A_45 = vector.broadcast %max3A : f32 to vector<2048x128xf32>
    %max3A_46 = arith.maximumf %div3A_44, %max3A_45 : vector<2048x128xf32>
    %get3A_47 = arith.constant 0 : index
    %get3A_48 = arith.constant 0 : index
    %get3A_49 = arith.constant 0 : index
    %get3A_50 = vector.load %arg4[%get3A_47, %get3A_48, %get3A_49] : memref<1x128x128xf32, #tpu.memory_space<vmem>>, vector<1x128x128xf32>
    %get3A_51 = vector.shape_cast %get3A_50 : vector<1x128x128xf32> to vector<128x128xf32>
    %convert_element_type3A_52 = arith.truncf %max3A_46 : vector<2048x128xf32> to vector<2048x128xbf16>
    %convert_element_type3A_53 = arith.truncf %get3A_51 : vector<128x128xf32> to vector<128x128xbf16>
    %dot_general3A_54 = arith.constant dense<0.000000e+00> : vector<2048x128xf32>
    %dot_general3A_55 = tpu.matmul %convert_element_type3A_52, %convert_element_type3A_53, %dot_general3A_54 {dimension_numbers = #tpu.dot_dimension_numbers<[1], [0], [0], [1], [0, 0, 1, 1], [], []>, transpose_lhs_hint = false} : vector<2048x128xbf16>, vector<128x128xbf16>, vector<2048x128xf32> -> vector<2048x128xf32>
    %get3A_56 = arith.constant 0 : index
    %get3A_57 = arith.constant 0 : index
    %get3A_58 = arith.constant 0 : index
    %get3A_59 = vector.load %arg5[%get3A_56, %get3A_57, %get3A_58] : memref<1x1x128xf32, #tpu.memory_space<vmem>>, vector<1x1x128xf32>
    %get3A_60 = vector.shape_cast %get3A_59 : vector<1x1x128xf32> to vector<1x128xf32>
    %add3A_61 = vector.broadcast %get3A_60 : vector<1x128xf32> to vector<2048x128xf32>
    %add3A_62 = arith.addf %dot_general3A_55, %add3A_61 : vector<2048x128xf32>
    %get3A_63 = arith.constant 0 : index
    %get3A_64 = arith.constant 0 : index
    %get3A_65 = vector.load %arg6[%get3A_63, %get3A_64] : memref<128x128xf32, #tpu.memory_space<vmem>>, vector<128x128xf32>
    %convert_element_type3A_66 = arith.truncf %add3A_62 : vector<2048x128xf32> to vector<2048x128xbf16>
    %convert_element_type3A_67 = arith.truncf %get3A_65 : vector<128x128xf32> to vector<128x128xbf16>
    %dot_general3A_68 = arith.constant dense<0.000000e+00> : vector<2048x128xf32>
    %dot_general3A_69 = tpu.matmul %convert_element_type3A_66, %convert_element_type3A_67, %dot_general3A_68 {dimension_numbers = #tpu.dot_dimension_numbers<[1], [0], [0], [1], [0, 0, 1, 1], [], []>, transpose_lhs_hint = false} : vector<2048x128xbf16>, vector<128x128xbf16>, vector<2048x128xf32> -> vector<2048x128xf32>
    %swap3A = arith.constant 0 : index
    %swap3A_70 = arith.constant 0 : index
    %swap3A_71 = arith.constant 0 : index
    %swap3A_72 = vector.load %arg7[%swap3A, %swap3A_70, %swap3A_71] : memref<1x2048x128xf32, #tpu.memory_space<vmem>>, vector<1x2048x128xf32>
    %swap3A_73 = vector.shape_cast %swap3A_72 : vector<1x2048x128xf32> to vector<2048x128xf32>
    %swap3A_74 = vector.shape_cast %dot_general3A_69 : vector<2048x128xf32> to vector<1x2048x128xf32>
    tpu.vector_store %arg7[%swap3A, %swap3A_70, %swap3A_71], %swap3A_74 {strides = array<i32>} : memref<1x2048x128xf32, #tpu.memory_space<vmem>>, vector<1x2048x128xf32>,
    return
  }
  func.func @transform_0(%arg0: i32) -> (i32, i32, i32) {
    %c0_i32 = arith.constant 0 : i32
    %c0_i32_0 = arith.constant 0 : i32
    %c0_i32_1 = arith.constant 0 : i32
    return %arg0, %c0_i32, %c0_i32_0 : i32, i32, i32
  }
  func.func @transform_1(%arg0: i32) -> (i32, i32, i32) {
    %c0_i32 = arith.constant 0 : i32
    %c0_i32_0 = arith.constant 0 : i32
    %c0_i32_1 = arith.constant 0 : i32
    return %arg0, %c0_i32, %c0_i32_0 : i32, i32, i32
  }
  func.func @transform_2(%arg0: i32) -> (i32, i32, i32) {
    %c0_i32 = arith.constant 0 : i32
    %c0_i32_0 = arith.constant 0 : i32
    %c0_i32_1 = arith.constant 0 : i32
    return %arg0, %c0_i32, %c0_i32_0 : i32, i32, i32
  }
  func.func @transform_3(%arg0: i32) -> (i32, i32, i32) {
    %c0_i32 = arith.constant 0 : i32
    %c0_i32_0 = arith.constant 0 : i32
    %c0_i32_1 = arith.constant 0 : i32
    return %arg0, %c0_i32, %c0_i32_0 : i32, i32, i32
  }
  func.func @transform_4(%arg0: i32) -> (i32, i32, i32) {
    %c0_i32 = arith.constant 0 : i32
    %c0_i32_0 = arith.constant 0 : i32
    %c0_i32_1 = arith.constant 0 : i32
    return %arg0, %c0_i32, %c0_i32_0 : i32, i32, i32
  }
  func.func @transform_5(%arg0: i32) -> (i32, i32) {
    %c0_i32 = arith.constant 0 : i32
    %c0_i32_0 = arith.constant 0 : i32
    %c0_i32_1 = arith.constant 0 : i32
    return %c0_i32, %c0_i32_0 : i32, i32
  }
  func.func @transform_6(%arg0: i32) -> (i32, i32, i32) {
    %c0_i32 = arith.constant 0 : i32
    %c0_i32_0 = arith.constant 0 : i32
    %c0_i32_1 = arith.constant 0 : i32
    return %arg0, %c0_i32, %c0_i32_0 : i32, i32, i32
  }
}

module attributes {stable_mosaic.version = 14 : i64} {
  func.func @_main_body(%arg0: i32, %arg1: memref<400x18xf32, #tpu.memory_space<vmem>>, %arg2: memref<400x18xf32, #tpu.memory_space<vmem>>, %arg3: memref<400x18xf32, #tpu.memory_space<vmem>>, %arg4: memref<400x18xf32, #tpu.memory_space<vmem>>, %arg5: memref<400x3xf32, #tpu.memory_space<vmem>>, %arg6: memref<400x3xf32, #tpu.memory_space<vmem>>, %arg7: memref<7200x128xf32, #tpu.memory_space<vmem>>, %arg8: memref<1x64xf32, #tpu.memory_space<vmem>>, %arg9: memref<1x64xf32, #tpu.memory_space<vmem>>, %arg10: memref<128x256xf32, #tpu.memory_space<vmem>>, %arg11: memref<128x256xf32, #tpu.memory_space<vmem>>, %arg12: memref<2x256xf32, #tpu.memory_space<vmem>>, %arg13: memref<1x256xf32, #tpu.memory_space<vmem>>, %arg14: memref<256x128xf32, #tpu.memory_space<vmem>>, %arg15: memref<1x128xf32, #tpu.memory_space<vmem>>, %arg16: memref<128x128xf32, #tpu.memory_space<vmem>>, %arg17: memref<1x128xf32, #tpu.memory_space<vmem>>, %arg18: memref<3x128xf32, #tpu.memory_space<vmem>>, %arg19: memref<1x128xf32, #tpu.memory_space<vmem>>, %arg20: memref<128x128xf32, #tpu.memory_space<vmem>>, %arg21: memref<1x128xf32, #tpu.memory_space<vmem>>, %arg22: memref<3x128xf32, #tpu.memory_space<vmem>>, %arg23: memref<128x128xf32, #tpu.memory_space<vmem>>, %arg24: memref<1x128xf32, #tpu.memory_space<vmem>>, %arg25: memref<128x128xf32, #tpu.memory_space<vmem>>, %arg26: memref<1x128xf32, #tpu.memory_space<vmem>>, %arg27: memref<400x18x128xf32, #tpu.memory_space<vmem>>) attributes {dimension_semantics = [#tpu.dimension_semantics<arbitrary>], iteration_bounds = array<i64: 25>, scalar_prefetch = 0 : i64, scratch_operands = 0 : i64, tpu.core_type = #tpu.core_type<tc>, window_params = [{transform_indices = @transform_0, window_bounds = array<i64: 400, 18>}, {transform_indices = @transform_1, window_bounds = array<i64: 400, 18>}, {transform_indices = @transform_2, window_bounds = array<i64: 400, 18>}, {transform_indices = @transform_3, window_bounds = array<i64: 400, 18>}, {transform_indices = @transform_4, window_bounds = array<i64: 400, 3>}, {transform_indices = @transform_5, window_bounds = array<i64: 400, 3>}, {transform_indices = @transform_6, window_bounds = array<i64: 7200, 128>}, {pipeline_mode = #tpu.pipeline_mode<synchronous>, transform_indices = @transform_7, window_bounds = array<i64: 1, 64>}, {pipeline_mode = #tpu.pipeline_mode<synchronous>, transform_indices = @transform_8, window_bounds = array<i64: 1, 64>}, {pipeline_mode = #tpu.pipeline_mode<synchronous>, transform_indices = @transform_9, window_bounds = array<i64: 128, 256>}, {pipeline_mode = #tpu.pipeline_mode<synchronous>, transform_indices = @transform_10, window_bounds = array<i64: 128, 256>}, {pipeline_mode = #tpu.pipeline_mode<synchronous>, transform_indices = @transform_11, window_bounds = array<i64: 2, 256>}, {pipeline_mode = #tpu.pipeline_mode<synchronous>, transform_indices = @transform_12, window_bounds = array<i64: 1, 256>}, {pipeline_mode = #tpu.pipeline_mode<synchronous>, transform_indices = @transform_13, window_bounds = array<i64: 256, 128>}, {pipeline_mode = #tpu.pipeline_mode<synchronous>, transform_indices = @transform_14, window_bounds = array<i64: 1, 128>}, {pipeline_mode = #tpu.pipeline_mode<synchronous>, transform_indices = @transform_15, window_bounds = array<i64: 128, 128>}, {pipeline_mode = #tpu.pipeline_mode<synchronous>, transform_indices = @transform_16, window_bounds = array<i64: 1, 128>}, {pipeline_mode = #tpu.pipeline_mode<synchronous>, transform_indices = @transform_17, window_bounds = array<i64: 3, 128>}, {pipeline_mode = #tpu.pipeline_mode<synchronous>, transform_indices = @transform_18, window_bounds = array<i64: 1, 128>}, {pipeline_mode = #tpu.pipeline_mode<synchronous>, transform_indices = @transform_19, window_bounds = array<i64: 128, 128>}, {pipeline_mode = #tpu.pipeline_mode<synchronous>, transform_indices = @transform_20, window_bounds = array<i64: 1, 128>}, {pipeline_mode = #tpu.pipeline_mode<synchronous>, transform_indices = @transform_21, window_bounds = array<i64: 3, 128>}, {pipeline_mode = #tpu.pipeline_mode<synchronous>, transform_indices = @transform_22, window_bounds = array<i64: 128, 128>}, {pipeline_mode = #tpu.pipeline_mode<synchronous>, transform_indices = @transform_23, window_bounds = array<i64: 1, 128>}, {pipeline_mode = #tpu.pipeline_mode<synchronous>, transform_indices = @transform_24, window_bounds = array<i64: 128, 128>}, {pipeline_mode = #tpu.pipeline_mode<synchronous>, transform_indices = @transform_25, window_bounds = array<i64: 1, 128>}, {transform_indices = @transform_26, window_bounds = array<i64: 400, 18, 128>}]} {
    %get3A = arith.constant 0 : index
    %get3A_0 = arith.constant 0 : index
    %get3A_1 = vector.load %arg1[%get3A, %get3A_0] : memref<400x18xf32, #tpu.memory_space<vmem>>, vector<400x18xf32>
    %get3A_2 = arith.constant 0 : index
    %get3A_3 = arith.constant 0 : index
    %get3A_4 = vector.load %arg2[%get3A_2, %get3A_3] : memref<400x18xf32, #tpu.memory_space<vmem>>, vector<400x18xf32>
    %slice3A = vector.extract_strided_slice %get3A_1 {offsets = [0, 0], sizes = [400, 1], strides = [1, 1]} : vector<400x18xf32> to vector<400x1xf32>
    %slice3A_5 = vector.extract_strided_slice %get3A_1 {offsets = [0, 0], sizes = [400, 17], strides = [1, 1]} : vector<400x18xf32> to vector<400x17xf32>
    %concatenate3A = tpu.concatenate %slice3A, %slice3A_5 in 1 : vector<400x1xf32>, vector<400x17xf32> -> vector<400x18xf32>
    %sub3A = arith.subf %get3A_1, %concatenate3A : vector<400x18xf32>
    %slice3A_6 = vector.extract_strided_slice %get3A_4 {offsets = [0, 0], sizes = [400, 1], strides = [1, 1]} : vector<400x18xf32> to vector<400x1xf32>
    %slice3A_7 = vector.extract_strided_slice %get3A_4 {offsets = [0, 0], sizes = [400, 17], strides = [1, 1]} : vector<400x18xf32> to vector<400x17xf32>
    %concatenate3A_8 = tpu.concatenate %slice3A_6, %slice3A_7 in 1 : vector<400x1xf32>, vector<400x17xf32> -> vector<400x18xf32>
    %sub3A_9 = arith.subf %get3A_4, %concatenate3A_8 : vector<400x18xf32>
    %get3A_10 = arith.constant 0 : index
    %get3A_11 = arith.constant 0 : index
    %get3A_12 = vector.load %arg3[%get3A_10, %get3A_11] : memref<400x18xf32, #tpu.memory_space<vmem>>, vector<400x18xf32>
    %get3A_13 = arith.constant 0 : index
    %get3A_14 = arith.constant 0 : index
    %get3A_15 = vector.load %arg4[%get3A_13, %get3A_14] : memref<400x18xf32, #tpu.memory_space<vmem>>, vector<400x18xf32>
    %mul3A = arith.mulf %sub3A, %sub3A : vector<400x18xf32>
    %mul3A_16 = arith.mulf %sub3A_9, %sub3A_9 : vector<400x18xf32>
    %add3A = arith.addf %mul3A, %mul3A_16 : vector<400x18xf32>
    %sqrt3A = math.sqrt %add3A : vector<400x18xf32>
    %mul3A_17 = arith.mulf %get3A_12, %sub3A_9 : vector<400x18xf32>
    %mul3A_18 = arith.mulf %get3A_15, %sub3A : vector<400x18xf32>
    %sub3A_19 = arith.subf %mul3A_17, %mul3A_18 : vector<400x18xf32>
    %mul3A_20 = arith.mulf %get3A_12, %sub3A : vector<400x18xf32>
    %mul3A_21 = arith.mulf %get3A_15, %sub3A_9 : vector<400x18xf32>
    %add3A_22 = arith.addf %mul3A_20, %mul3A_21 : vector<400x18xf32>
    %atan23A = math.atan2 %sub3A_19, %add3A_22 : vector<400x18xf32>
    %broadcast_in_dim3A = arith.constant 0.000000e+00 : f32
    %broadcast_in_dim3A_23 = vector.broadcast %broadcast_in_dim3A : f32 to vector<400x1xf32>
    %slice3A_24 = vector.extract_strided_slice %atan23A {offsets = [0, 1], sizes = [400, 17], strides = [1, 1]} : vector<400x18xf32> to vector<400x17xf32>
    %concatenate3A_25 = tpu.concatenate %broadcast_in_dim3A_23, %slice3A_24 in 1 : vector<400x1xf32>, vector<400x17xf32> -> vector<400x18xf32>
    %get3A_26 = arith.constant 0 : index
    %get3A_27 = arith.constant 0 : index
    %get3A_28 = vector.load %arg8[%get3A_26, %get3A_27] : memref<1x64xf32, #tpu.memory_space<vmem>>, vector<1x64xf32>
    %get3A_29 = arith.constant 0 : index
    %get3A_30 = arith.constant 0 : index
    %get3A_31 = vector.load %arg9[%get3A_29, %get3A_30] : memref<1x64xf32, #tpu.memory_space<vmem>>, vector<1x64xf32>
    %get3A_32 = arith.constant 0 : index
    %get3A_33 = arith.constant 0 : index
    %get3A_34 = vector.load %arg10[%get3A_32, %get3A_33] : memref<128x256xf32, #tpu.memory_space<vmem>>, vector<128x256xf32>
    %get3A_35 = arith.constant 0 : index
    %get3A_36 = arith.constant 0 : index
    %get3A_37 = vector.load %arg11[%get3A_35, %get3A_36] : memref<128x256xf32, #tpu.memory_space<vmem>>, vector<128x256xf32>
    %get3A_38 = arith.constant 0 : index
    %get3A_39 = arith.constant 0 : index
    %get3A_40 = vector.load %arg12[%get3A_38, %get3A_39] : memref<2x256xf32, #tpu.memory_space<vmem>>, vector<2x256xf32>
    %slice3A_41 = vector.extract_strided_slice %sqrt3A {offsets = [0, 0], sizes = [400, 1], strides = [1, 1]} : vector<400x18xf32> to vector<400x1xf32>
    %slice3A_42 = vector.extract_strided_slice %concatenate3A_25 {offsets = [0, 0], sizes = [400, 1], strides = [1, 1]} : vector<400x18xf32> to vector<400x1xf32>
    %mul3A_43 = vector.broadcast %slice3A_41 : vector<400x1xf32> to vector<400x64xf32>
    %mul3A_44 = vector.broadcast %get3A_28 : vector<1x64xf32> to vector<400x64xf32>
    %mul3A_45 = arith.mulf %mul3A_43, %mul3A_44 : vector<400x64xf32>
    %mul3A_46 = vector.broadcast %slice3A_42 : vector<400x1xf32> to vector<400x64xf32>
    %mul3A_47 = vector.broadcast %get3A_31 : vector<1x64xf32> to vector<400x64xf32>
    %mul3A_48 = arith.mulf %mul3A_46, %mul3A_47 : vector<400x64xf32>
    %concatenate3A_49 = tpu.concatenate %mul3A_45, %mul3A_48 in 1 : vector<400x64xf32>, vector<400x64xf32> -> vector<400x128xf32>
    %round3A = math.roundeven %concatenate3A_49 : vector<400x128xf32>
    %sub3A_50 = arith.subf %concatenate3A_49, %round3A : vector<400x128xf32>
    %mul3A_51 = arith.mulf %sub3A_50, %sub3A_50 : vector<400x128xf32>
    %mul3A_52 = arith.constant -21.2831936 : f32
    %mul3A_53 = vector.broadcast %mul3A_52 : f32 to vector<400x128xf32>
    %mul3A_54 = arith.mulf %mul3A_53, %mul3A_51 : vector<400x128xf32>
    %add3A_55 = arith.constant 58.9126472 : f32
    %add3A_56 = vector.broadcast %add3A_55 : f32 to vector<400x128xf32>
    %add3A_57 = arith.addf %mul3A_54, %add3A_56 : vector<400x128xf32>
    %mul3A_58 = arith.mulf %add3A_57, %mul3A_51 : vector<400x128xf32>
    %add3A_59 = arith.constant -85.2959899 : f32
    %add3A_60 = vector.broadcast %add3A_59 : f32 to vector<400x128xf32>
    %add3A_61 = arith.addf %mul3A_58, %add3A_60 : vector<400x128xf32>
    %mul3A_62 = arith.mulf %add3A_61, %mul3A_51 : vector<400x128xf32>
    %add3A_63 = arith.constant 64.9306182 : f32
    %add3A_64 = vector.broadcast %add3A_63 : f32 to vector<400x128xf32>
    %add3A_65 = arith.addf %mul3A_62, %add3A_64 : vector<400x128xf32>
    %mul3A_66 = arith.mulf %add3A_65, %mul3A_51 : vector<400x128xf32>
    %add3A_67 = arith.constant -19.7390347 : f32
    %add3A_68 = vector.broadcast %add3A_67 : f32 to vector<400x128xf32>
    %add3A_69 = arith.addf %mul3A_66, %add3A_68 : vector<400x128xf32>
    %mul3A_70 = arith.mulf %add3A_69, %mul3A_51 : vector<400x128xf32>
    %add3A_71 = arith.constant 0.999999523 : f32
    %add3A_72 = vector.broadcast %add3A_71 : f32 to vector<400x128xf32>
    %add3A_73 = arith.addf %mul3A_70, %add3A_72 : vector<400x128xf32>
    %mul3A_74 = arith.constant -12.3724947 : f32
    %mul3A_75 = vector.broadcast %mul3A_74 : f32 to vector<400x128xf32>
    %mul3A_76 = arith.mulf %mul3A_75, %mul3A_51 : vector<400x128xf32>
    %add3A_77 = arith.constant 41.269928 : f32
    %add3A_78 = vector.broadcast %add3A_77 : f32 to vector<400x128xf32>
    %add3A_79 = arith.addf %mul3A_76, %add3A_78 : vector<400x128xf32>
    %mul3A_80 = arith.mulf %add3A_79, %mul3A_51 : vector<400x128xf32>
    %add3A_81 = arith.constant -76.5949249 : f32
    %add3A_82 = vector.broadcast %add3A_81 : f32 to vector<400x128xf32>
    %add3A_83 = arith.addf %mul3A_80, %add3A_82 : vector<400x128xf32>
    %mul3A_84 = arith.mulf %add3A_83, %mul3A_51 : vector<400x128xf32>
    %add3A_85 = arith.constant 81.5976563 : f32
    %add3A_86 = vector.broadcast %add3A_85 : f32 to vector<400x128xf32>
    %add3A_87 = arith.addf %mul3A_84, %add3A_86 : vector<400x128xf32>
    %mul3A_88 = arith.mulf %add3A_87, %mul3A_51 : vector<400x128xf32>
    %add3A_89 = arith.constant -41.3414803 : f32
    %add3A_90 = vector.broadcast %add3A_89 : f32 to vector<400x128xf32>
    %add3A_91 = arith.addf %mul3A_88, %add3A_90 : vector<400x128xf32>
    %mul3A_92 = arith.mulf %add3A_91, %mul3A_51 : vector<400x128xf32>
    %add3A_93 = arith.constant 6.28318357 : f32
    %add3A_94 = vector.broadcast %add3A_93 : f32 to vector<400x128xf32>
    %add3A_95 = arith.addf %mul3A_92, %add3A_94 : vector<400x128xf32>
    %mul3A_96 = arith.mulf %add3A_95, %sub3A_50 : vector<400x128xf32>
    %concatenate3A_97 = tpu.concatenate %slice3A_41, %slice3A_42 in 1 : vector<400x1xf32>, vector<400x1xf32> -> vector<400x2xf32>
    %dot_general3A = arith.constant dense<0.000000e+00> : vector<400x256xf32>
    %dot_general3A_98 = tpu.matmul %concatenate3A_97, %get3A_40, %dot_general3A {dimension_numbers = #tpu.dot_dimension_numbers<[1], [0], [0], [1], [0, 0, 1, 1], [], []>, transpose_lhs_hint = false} : vector<400x2xf32>, vector<2x256xf32>, vector<400x256xf32> -> vector<400x256xf32>
    %convert_element_type3A = arith.truncf %add3A_73 : vector<400x128xf32> to vector<400x128xbf16>
    %convert_element_type3A_99 = arith.truncf %get3A_34 : vector<128x256xf32> to vector<128x256xbf16>
    %dot_general3A_100 = arith.constant dense<0.000000e+00> : vector<400x256xf32>
    %dot_general3A_101 = tpu.matmul %convert_element_type3A, %convert_element_type3A_99, %dot_general3A_100 {dimension_numbers = #tpu.dot_dimension_numbers<[1], [0], [0], [1], [0, 0, 1, 1], [], []>, transpose_lhs_hint = false} : vector<400x128xbf16>, vector<128x256xbf16>, vector<400x256xf32> -> vector<400x256xf32>
    %convert_element_type3A_102 = arith.truncf %mul3A_96 : vector<400x128xf32> to vector<400x128xbf16>
    %convert_element_type3A_103 = arith.truncf %get3A_37 : vector<128x256xf32> to vector<128x256xbf16>
    %dot_general3A_104 = arith.constant dense<0.000000e+00> : vector<400x256xf32>
    %dot_general3A_105 = tpu.matmul %convert_element_type3A_102, %convert_element_type3A_103, %dot_general3A_104 {dimension_numbers = #tpu.dot_dimension_numbers<[1], [0], [0], [1], [0, 0, 1, 1], [], []>, transpose_lhs_hint = false} : vector<400x128xbf16>, vector<128x256xbf16>, vector<400x256xf32> -> vector<400x256xf32>
    %add3A_106 = arith.addf %dot_general3A_101, %dot_general3A_105 : vector<400x256xf32>
    %add3A_107 = arith.addf %add3A_106, %dot_general3A_98 : vector<400x256xf32>
    %slice3A_108 = vector.extract_strided_slice %sqrt3A {offsets = [0, 1], sizes = [400, 1], strides = [1, 1]} : vector<400x18xf32> to vector<400x1xf32>
    %slice3A_109 = vector.extract_strided_slice %concatenate3A_25 {offsets = [0, 1], sizes = [400, 1], strides = [1, 1]} : vector<400x18xf32> to vector<400x1xf32>
    %mul3A_110 = vector.broadcast %slice3A_108 : vector<400x1xf32> to vector<400x64xf32>
    %mul3A_111 = vector.broadcast %get3A_28 : vector<1x64xf32> to vector<400x64xf32>
    %mul3A_112 = arith.mulf %mul3A_110, %mul3A_111 : vector<400x64xf32>
    %mul3A_113 = vector.broadcast %slice3A_109 : vector<400x1xf32> to vector<400x64xf32>
    %mul3A_114 = vector.broadcast %get3A_31 : vector<1x64xf32> to vector<400x64xf32>
    %mul3A_115 = arith.mulf %mul3A_113, %mul3A_114 : vector<400x64xf32>
    %concatenate3A_116 = tpu.concatenate %mul3A_112, %mul3A_115 in 1 : vector<400x64xf32>, vector<400x64xf32> -> vector<400x128xf32>
    %round3A_117 = math.roundeven %concatenate3A_116 : vector<400x128xf32>
    %sub3A_118 = arith.subf %concatenate3A_116, %round3A_117 : vector<400x128xf32>
    %mul3A_119 = arith.mulf %sub3A_118, %sub3A_118 : vector<400x128xf32>
    %mul3A_120 = arith.constant -21.2831936 : f32
    %mul3A_121 = vector.broadcast %mul3A_120 : f32 to vector<400x128xf32>
    %mul3A_122 = arith.mulf %mul3A_121, %mul3A_119 : vector<400x128xf32>
    %add3A_123 = arith.constant 58.9126472 : f32
    %add3A_124 = vector.broadcast %add3A_123 : f32 to vector<400x128xf32>
    %add3A_125 = arith.addf %mul3A_122, %add3A_124 : vector<400x128xf32>
    %mul3A_126 = arith.mulf %add3A_125, %mul3A_119 : vector<400x128xf32>
    %add3A_127 = arith.constant -85.2959899 : f32
    %add3A_128 = vector.broadcast %add3A_127 : f32 to vector<400x128xf32>
    %add3A_129 = arith.addf %mul3A_126, %add3A_128 : vector<400x128xf32>
    %mul3A_130 = arith.mulf %add3A_129, %mul3A_119 : vector<400x128xf32>
    %add3A_131 = arith.constant 64.9306182 : f32
    %add3A_132 = vector.broadcast %add3A_131 : f32 to vector<400x128xf32>
    %add3A_133 = arith.addf %mul3A_130, %add3A_132 : vector<400x128xf32>
    %mul3A_134 = arith.mulf %add3A_133, %mul3A_119 : vector<400x128xf32>
    %add3A_135 = arith.constant -19.7390347 : f32
    %add3A_136 = vector.broadcast %add3A_135 : f32 to vector<400x128xf32>
    %add3A_137 = arith.addf %mul3A_134, %add3A_136 : vector<400x128xf32>
    %mul3A_138 = arith.mulf %add3A_137, %mul3A_119 : vector<400x128xf32>
    %add3A_139 = arith.constant 0.999999523 : f32
    %add3A_140 = vector.broadcast %add3A_139 : f32 to vector<400x128xf32>
    %add3A_141 = arith.addf %mul3A_138, %add3A_140 : vector<400x128xf32>
    %mul3A_142 = arith.constant -12.3724947 : f32
    %mul3A_143 = vector.broadcast %mul3A_142 : f32 to vector<400x128xf32>
    %mul3A_144 = arith.mulf %mul3A_143, %mul3A_119 : vector<400x128xf32>
    %add3A_145 = arith.constant 41.269928 : f32
    %add3A_146 = vector.broadcast %add3A_145 : f32 to vector<400x128xf32>
    %add3A_147 = arith.addf %mul3A_144, %add3A_146 : vector<400x128xf32>
    %mul3A_148 = arith.mulf %add3A_147, %mul3A_119 : vector<400x128xf32>
    %add3A_149 = arith.constant -76.5949249 : f32
    %add3A_150 = vector.broadcast %add3A_149 : f32 to vector<400x128xf32>
    %add3A_151 = arith.addf %mul3A_148, %add3A_150 : vector<400x128xf32>
    %mul3A_152 = arith.mulf %add3A_151, %mul3A_119 : vector<400x128xf32>
    %add3A_153 = arith.constant 81.5976563 : f32
    %add3A_154 = vector.broadcast %add3A_153 : f32 to vector<400x128xf32>
    %add3A_155 = arith.addf %mul3A_152, %add3A_154 : vector<400x128xf32>
    %mul3A_156 = arith.mulf %add3A_155, %mul3A_119 : vector<400x128xf32>
    %add3A_157 = arith.constant -41.3414803 : f32
    %add3A_158 = vector.broadcast %add3A_157 : f32 to vector<400x128xf32>
    %add3A_159 = arith.addf %mul3A_156, %add3A_158 : vector<400x128xf32>
    %mul3A_160 = arith.mulf %add3A_159, %mul3A_119 : vector<400x128xf32>
    %add3A_161 = arith.constant 6.28318357 : f32
    %add3A_162 = vector.broadcast %add3A_161 : f32 to vector<400x128xf32>
    %add3A_163 = arith.addf %mul3A_160, %add3A_162 : vector<400x128xf32>
    %mul3A_164 = arith.mulf %add3A_163, %sub3A_118 : vector<400x128xf32>
    %concatenate3A_165 = tpu.concatenate %slice3A_108, %slice3A_109 in 1 : vector<400x1xf32>, vector<400x1xf32> -> vector<400x2xf32>
    %dot_general3A_166 = arith.constant dense<0.000000e+00> : vector<400x256xf32>
    %dot_general3A_167 = tpu.matmul %concatenate3A_165, %get3A_40, %dot_general3A_166 {dimension_numbers = #tpu.dot_dimension_numbers<[1], [0], [0], [1], [0, 0, 1, 1], [], []>, transpose_lhs_hint = false} : vector<400x2xf32>, vector<2x256xf32>, vector<400x256xf32> -> vector<400x256xf32>
    %convert_element_type3A_168 = arith.truncf %add3A_141 : vector<400x128xf32> to vector<400x128xbf16>
    %convert_element_type3A_169 = arith.truncf %get3A_34 : vector<128x256xf32> to vector<128x256xbf16>
    %dot_general3A_170 = arith.constant dense<0.000000e+00> : vector<400x256xf32>
    %dot_general3A_171 = tpu.matmul %convert_element_type3A_168, %convert_element_type3A_169, %dot_general3A_170 {dimension_numbers = #tpu.dot_dimension_numbers<[1], [0], [0], [1], [0, 0, 1, 1], [], []>, transpose_lhs_hint = false} : vector<400x128xbf16>, vector<128x256xbf16>, vector<400x256xf32> -> vector<400x256xf32>
    %convert_element_type3A_172 = arith.truncf %mul3A_164 : vector<400x128xf32> to vector<400x128xbf16>
    %convert_element_type3A_173 = arith.truncf %get3A_37 : vector<128x256xf32> to vector<128x256xbf16>
    %dot_general3A_174 = arith.constant dense<0.000000e+00> : vector<400x256xf32>
    %dot_general3A_175 = tpu.matmul %convert_element_type3A_172, %convert_element_type3A_173, %dot_general3A_174 {dimension_numbers = #tpu.dot_dimension_numbers<[1], [0], [0], [1], [0, 0, 1, 1], [], []>, transpose_lhs_hint = false} : vector<400x128xbf16>, vector<128x256xbf16>, vector<400x256xf32> -> vector<400x256xf32>
    %add3A_176 = arith.addf %dot_general3A_171, %dot_general3A_175 : vector<400x256xf32>
    %add3A_177 = arith.addf %add3A_176, %dot_general3A_167 : vector<400x256xf32>
    %slice3A_178 = vector.extract_strided_slice %sqrt3A {offsets = [0, 2], sizes = [400, 1], strides = [1, 1]} : vector<400x18xf32> to vector<400x1xf32>
    %slice3A_179 = vector.extract_strided_slice %concatenate3A_25 {offsets = [0, 2], sizes = [400, 1], strides = [1, 1]} : vector<400x18xf32> to vector<400x1xf32>
    %mul3A_180 = vector.broadcast %slice3A_178 : vector<400x1xf32> to vector<400x64xf32>
    %mul3A_181 = vector.broadcast %get3A_28 : vector<1x64xf32> to vector<400x64xf32>
    %mul3A_182 = arith.mulf %mul3A_180, %mul3A_181 : vector<400x64xf32>
    %mul3A_183 = vector.broadcast %slice3A_179 : vector<400x1xf32> to vector<400x64xf32>
    %mul3A_184 = vector.broadcast %get3A_31 : vector<1x64xf32> to vector<400x64xf32>
    %mul3A_185 = arith.mulf %mul3A_183, %mul3A_184 : vector<400x64xf32>
    %concatenate3A_186 = tpu.concatenate %mul3A_182, %mul3A_185 in 1 : vector<400x64xf32>, vector<400x64xf32> -> vector<400x128xf32>
    %round3A_187 = math.roundeven %concatenate3A_186 : vector<400x128xf32>
    %sub3A_188 = arith.subf %concatenate3A_186, %round3A_187 : vector<400x128xf32>
    %mul3A_189 = arith.mulf %sub3A_188, %sub3A_188 : vector<400x128xf32>
    %mul3A_190 = arith.constant -21.2831936 : f32
    %mul3A_191 = vector.broadcast %mul3A_190 : f32 to vector<400x128xf32>
    %mul3A_192 = arith.mulf %mul3A_191, %mul3A_189 : vector<400x128xf32>
    %add3A_193 = arith.constant 58.9126472 : f32
    %add3A_194 = vector.broadcast %add3A_193 : f32 to vector<400x128xf32>
    %add3A_195 = arith.addf %mul3A_192, %add3A_194 : vector<400x128xf32>
    %mul3A_196 = arith.mulf %add3A_195, %mul3A_189 : vector<400x128xf32>
    %add3A_197 = arith.constant -85.2959899 : f32
    %add3A_198 = vector.broadcast %add3A_197 : f32 to vector<400x128xf32>
    %add3A_199 = arith.addf %mul3A_196, %add3A_198 : vector<400x128xf32>
    %mul3A_200 = arith.mulf %add3A_199, %mul3A_189 : vector<400x128xf32>
    %add3A_201 = arith.constant 64.9306182 : f32
    %add3A_202 = vector.broadcast %add3A_201 : f32 to vector<400x128xf32>
    %add3A_203 = arith.addf %mul3A_200, %add3A_202 : vector<400x128xf32>
    %mul3A_204 = arith.mulf %add3A_203, %mul3A_189 : vector<400x128xf32>
    %add3A_205 = arith.constant -19.7390347 : f32
    %add3A_206 = vector.broadcast %add3A_205 : f32 to vector<400x128xf32>
    %add3A_207 = arith.addf %mul3A_204, %add3A_206 : vector<400x128xf32>
    %mul3A_208 = arith.mulf %add3A_207, %mul3A_189 : vector<400x128xf32>
    %add3A_209 = arith.constant 0.999999523 : f32
    %add3A_210 = vector.broadcast %add3A_209 : f32 to vector<400x128xf32>
    %add3A_211 = arith.addf %mul3A_208, %add3A_210 : vector<400x128xf32>
    %mul3A_212 = arith.constant -12.3724947 : f32
    %mul3A_213 = vector.broadcast %mul3A_212 : f32 to vector<400x128xf32>
    %mul3A_214 = arith.mulf %mul3A_213, %mul3A_189 : vector<400x128xf32>
    %add3A_215 = arith.constant 41.269928 : f32
    %add3A_216 = vector.broadcast %add3A_215 : f32 to vector<400x128xf32>
    %add3A_217 = arith.addf %mul3A_214, %add3A_216 : vector<400x128xf32>
    %mul3A_218 = arith.mulf %add3A_217, %mul3A_189 : vector<400x128xf32>
    %add3A_219 = arith.constant -76.5949249 : f32
    %add3A_220 = vector.broadcast %add3A_219 : f32 to vector<400x128xf32>
    %add3A_221 = arith.addf %mul3A_218, %add3A_220 : vector<400x128xf32>
    %mul3A_222 = arith.mulf %add3A_221, %mul3A_189 : vector<400x128xf32>
    %add3A_223 = arith.constant 81.5976563 : f32
    %add3A_224 = vector.broadcast %add3A_223 : f32 to vector<400x128xf32>
    %add3A_225 = arith.addf %mul3A_222, %add3A_224 : vector<400x128xf32>
    %mul3A_226 = arith.mulf %add3A_225, %mul3A_189 : vector<400x128xf32>
    %add3A_227 = arith.constant -41.3414803 : f32
    %add3A_228 = vector.broadcast %add3A_227 : f32 to vector<400x128xf32>
    %add3A_229 = arith.addf %mul3A_226, %add3A_228 : vector<400x128xf32>
    %mul3A_230 = arith.mulf %add3A_229, %mul3A_189 : vector<400x128xf32>
    %add3A_231 = arith.constant 6.28318357 : f32
    %add3A_232 = vector.broadcast %add3A_231 : f32 to vector<400x128xf32>
    %add3A_233 = arith.addf %mul3A_230, %add3A_232 : vector<400x128xf32>
    %mul3A_234 = arith.mulf %add3A_233, %sub3A_188 : vector<400x128xf32>
    %concatenate3A_235 = tpu.concatenate %slice3A_178, %slice3A_179 in 1 : vector<400x1xf32>, vector<400x1xf32> -> vector<400x2xf32>
    %dot_general3A_236 = arith.constant dense<0.000000e+00> : vector<400x256xf32>
    %dot_general3A_237 = tpu.matmul %concatenate3A_235, %get3A_40, %dot_general3A_236 {dimension_numbers = #tpu.dot_dimension_numbers<[1], [0], [0], [1], [0, 0, 1, 1], [], []>, transpose_lhs_hint = false} : vector<400x2xf32>, vector<2x256xf32>, vector<400x256xf32> -> vector<400x256xf32>
    %convert_element_type3A_238 = arith.truncf %add3A_211 : vector<400x128xf32> to vector<400x128xbf16>
    %convert_element_type3A_239 = arith.truncf %get3A_34 : vector<128x256xf32> to vector<128x256xbf16>
    %dot_general3A_240 = arith.constant dense<0.000000e+00> : vector<400x256xf32>
    %dot_general3A_241 = tpu.matmul %convert_element_type3A_238, %convert_element_type3A_239, %dot_general3A_240 {dimension_numbers = #tpu.dot_dimension_numbers<[1], [0], [0], [1], [0, 0, 1, 1], [], []>, transpose_lhs_hint = false} : vector<400x128xbf16>, vector<128x256xbf16>, vector<400x256xf32> -> vector<400x256xf32>
    %convert_element_type3A_242 = arith.truncf %mul3A_234 : vector<400x128xf32> to vector<400x128xbf16>
    %convert_element_type3A_243 = arith.truncf %get3A_37 : vector<128x256xf32> to vector<128x256xbf16>
    %dot_general3A_244 = arith.constant dense<0.000000e+00> : vector<400x256xf32>
    %dot_general3A_245 = tpu.matmul %convert_element_type3A_242, %convert_element_type3A_243, %dot_general3A_244 {dimension_numbers = #tpu.dot_dimension_numbers<[1], [0], [0], [1], [0, 0, 1, 1], [], []>, transpose_lhs_hint = false} : vector<400x128xbf16>, vector<128x256xbf16>, vector<400x256xf32> -> vector<400x256xf32>
    %add3A_246 = arith.addf %dot_general3A_241, %dot_general3A_245 : vector<400x256xf32>
    %add3A_247 = arith.addf %add3A_246, %dot_general3A_237 : vector<400x256xf32>
    %slice3A_248 = vector.extract_strided_slice %sqrt3A {offsets = [0, 3], sizes = [400, 1], strides = [1, 1]} : vector<400x18xf32> to vector<400x1xf32>
    %slice3A_249 = vector.extract_strided_slice %concatenate3A_25 {offsets = [0, 3], sizes = [400, 1], strides = [1, 1]} : vector<400x18xf32> to vector<400x1xf32>
    %mul3A_250 = vector.broadcast %slice3A_248 : vector<400x1xf32> to vector<400x64xf32>
    %mul3A_251 = vector.broadcast %get3A_28 : vector<1x64xf32> to vector<400x64xf32>
    %mul3A_252 = arith.mulf %mul3A_250, %mul3A_251 : vector<400x64xf32>
    %mul3A_253 = vector.broadcast %slice3A_249 : vector<400x1xf32> to vector<400x64xf32>
    %mul3A_254 = vector.broadcast %get3A_31 : vector<1x64xf32> to vector<400x64xf32>
    %mul3A_255 = arith.mulf %mul3A_253, %mul3A_254 : vector<400x64xf32>
    %concatenate3A_256 = tpu.concatenate %mul3A_252, %mul3A_255 in 1 : vector<400x64xf32>, vector<400x64xf32> -> vector<400x128xf32>
    %round3A_257 = math.roundeven %concatenate3A_256 : vector<400x128xf32>
    %sub3A_258 = arith.subf %concatenate3A_256, %round3A_257 : vector<400x128xf32>
    %mul3A_259 = arith.mulf %sub3A_258, %sub3A_258 : vector<400x128xf32>
    %mul3A_260 = arith.constant -21.2831936 : f32
    %mul3A_261 = vector.broadcast %mul3A_260 : f32 to vector<400x128xf32>
    %mul3A_262 = arith.mulf %mul3A_261, %mul3A_259 : vector<400x128xf32>
    %add3A_263 = arith.constant 58.9126472 : f32
    %add3A_264 = vector.broadcast %add3A_263 : f32 to vector<400x128xf32>
    %add3A_265 = arith.addf %mul3A_262, %add3A_264 : vector<400x128xf32>
    %mul3A_266 = arith.mulf %add3A_265, %mul3A_259 : vector<400x128xf32>
    %add3A_267 = arith.constant -85.2959899 : f32
    %add3A_268 = vector.broadcast %add3A_267 : f32 to vector<400x128xf32>
    %add3A_269 = arith.addf %mul3A_266, %add3A_268 : vector<400x128xf32>
    %mul3A_270 = arith.mulf %add3A_269, %mul3A_259 : vector<400x128xf32>
    %add3A_271 = arith.constant 64.9306182 : f32
    %add3A_272 = vector.broadcast %add3A_271 : f32 to vector<400x128xf32>
    %add3A_273 = arith.addf %mul3A_270, %add3A_272 : vector<400x128xf32>
    %mul3A_274 = arith.mulf %add3A_273, %mul3A_259 : vector<400x128xf32>
    %add3A_275 = arith.constant -19.7390347 : f32
    %add3A_276 = vector.broadcast %add3A_275 : f32 to vector<400x128xf32>
    %add3A_277 = arith.addf %mul3A_274, %add3A_276 : vector<400x128xf32>
    %mul3A_278 = arith.mulf %add3A_277, %mul3A_259 : vector<400x128xf32>
    %add3A_279 = arith.constant 0.999999523 : f32
    %add3A_280 = vector.broadcast %add3A_279 : f32 to vector<400x128xf32>
    %add3A_281 = arith.addf %mul3A_278, %add3A_280 : vector<400x128xf32>
    %mul3A_282 = arith.constant -12.3724947 : f32
    %mul3A_283 = vector.broadcast %mul3A_282 : f32 to vector<400x128xf32>
    %mul3A_284 = arith.mulf %mul3A_283, %mul3A_259 : vector<400x128xf32>
    %add3A_285 = arith.constant 41.269928 : f32
    %add3A_286 = vector.broadcast %add3A_285 : f32 to vector<400x128xf32>
    %add3A_287 = arith.addf %mul3A_284, %add3A_286 : vector<400x128xf32>
    %mul3A_288 = arith.mulf %add3A_287, %mul3A_259 : vector<400x128xf32>
    %add3A_289 = arith.constant -76.5949249 : f32
    %add3A_290 = vector.broadcast %add3A_289 : f32 to vector<400x128xf32>
    %add3A_291 = arith.addf %mul3A_288, %add3A_290 : vector<400x128xf32>
    %mul3A_292 = arith.mulf %add3A_291, %mul3A_259 : vector<400x128xf32>
    %add3A_293 = arith.constant 81.5976563 : f32
    %add3A_294 = vector.broadcast %add3A_293 : f32 to vector<400x128xf32>
    %add3A_295 = arith.addf %mul3A_292, %add3A_294 : vector<400x128xf32>
    %mul3A_296 = arith.mulf %add3A_295, %mul3A_259 : vector<400x128xf32>
    %add3A_297 = arith.constant -41.3414803 : f32
    %add3A_298 = vector.broadcast %add3A_297 : f32 to vector<400x128xf32>
    %add3A_299 = arith.addf %mul3A_296, %add3A_298 : vector<400x128xf32>
    %mul3A_300 = arith.mulf %add3A_299, %mul3A_259 : vector<400x128xf32>
    %add3A_301 = arith.constant 6.28318357 : f32
    %add3A_302 = vector.broadcast %add3A_301 : f32 to vector<400x128xf32>
    %add3A_303 = arith.addf %mul3A_300, %add3A_302 : vector<400x128xf32>
    %mul3A_304 = arith.mulf %add3A_303, %sub3A_258 : vector<400x128xf32>
    %concatenate3A_305 = tpu.concatenate %slice3A_248, %slice3A_249 in 1 : vector<400x1xf32>, vector<400x1xf32> -> vector<400x2xf32>
    %dot_general3A_306 = arith.constant dense<0.000000e+00> : vector<400x256xf32>
    %dot_general3A_307 = tpu.matmul %concatenate3A_305, %get3A_40, %dot_general3A_306 {dimension_numbers = #tpu.dot_dimension_numbers<[1], [0], [0], [1], [0, 0, 1, 1], [], []>, transpose_lhs_hint = false} : vector<400x2xf32>, vector<2x256xf32>, vector<400x256xf32> -> vector<400x256xf32>
    %convert_element_type3A_308 = arith.truncf %add3A_281 : vector<400x128xf32> to vector<400x128xbf16>
    %convert_element_type3A_309 = arith.truncf %get3A_34 : vector<128x256xf32> to vector<128x256xbf16>
    %dot_general3A_310 = arith.constant dense<0.000000e+00> : vector<400x256xf32>
    %dot_general3A_311 = tpu.matmul %convert_element_type3A_308, %convert_element_type3A_309, %dot_general3A_310 {dimension_numbers = #tpu.dot_dimension_numbers<[1], [0], [0], [1], [0, 0, 1, 1], [], []>, transpose_lhs_hint = false} : vector<400x128xbf16>, vector<128x256xbf16>, vector<400x256xf32> -> vector<400x256xf32>
    %convert_element_type3A_312 = arith.truncf %mul3A_304 : vector<400x128xf32> to vector<400x128xbf16>
    %convert_element_type3A_313 = arith.truncf %get3A_37 : vector<128x256xf32> to vector<128x256xbf16>
    %dot_general3A_314 = arith.constant dense<0.000000e+00> : vector<400x256xf32>
    %dot_general3A_315 = tpu.matmul %convert_element_type3A_312, %convert_element_type3A_313, %dot_general3A_314 {dimension_numbers = #tpu.dot_dimension_numbers<[1], [0], [0], [1], [0, 0, 1, 1], [], []>, transpose_lhs_hint = false} : vector<400x128xbf16>, vector<128x256xbf16>, vector<400x256xf32> -> vector<400x256xf32>
    %add3A_316 = arith.addf %dot_general3A_311, %dot_general3A_315 : vector<400x256xf32>
    %add3A_317 = arith.addf %add3A_316, %dot_general3A_307 : vector<400x256xf32>
    %slice3A_318 = vector.extract_strided_slice %sqrt3A {offsets = [0, 4], sizes = [400, 1], strides = [1, 1]} : vector<400x18xf32> to vector<400x1xf32>
    %slice3A_319 = vector.extract_strided_slice %concatenate3A_25 {offsets = [0, 4], sizes = [400, 1], strides = [1, 1]} : vector<400x18xf32> to vector<400x1xf32>
    %mul3A_320 = vector.broadcast %slice3A_318 : vector<400x1xf32> to vector<400x64xf32>
    %mul3A_321 = vector.broadcast %get3A_28 : vector<1x64xf32> to vector<400x64xf32>
    %mul3A_322 = arith.mulf %mul3A_320, %mul3A_321 : vector<400x64xf32>
    %mul3A_323 = vector.broadcast %slice3A_319 : vector<400x1xf32> to vector<400x64xf32>
    %mul3A_324 = vector.broadcast %get3A_31 : vector<1x64xf32> to vector<400x64xf32>
    %mul3A_325 = arith.mulf %mul3A_323, %mul3A_324 : vector<400x64xf32>
    %concatenate3A_326 = tpu.concatenate %mul3A_322, %mul3A_325 in 1 : vector<400x64xf32>, vector<400x64xf32> -> vector<400x128xf32>
    %round3A_327 = math.roundeven %concatenate3A_326 : vector<400x128xf32>
    %sub3A_328 = arith.subf %concatenate3A_326, %round3A_327 : vector<400x128xf32>
    %mul3A_329 = arith.mulf %sub3A_328, %sub3A_328 : vector<400x128xf32>
    %mul3A_330 = arith.constant -21.2831936 : f32
    %mul3A_331 = vector.broadcast %mul3A_330 : f32 to vector<400x128xf32>
    %mul3A_332 = arith.mulf %mul3A_331, %mul3A_329 : vector<400x128xf32>
    %add3A_333 = arith.constant 58.9126472 : f32
    %add3A_334 = vector.broadcast %add3A_333 : f32 to vector<400x128xf32>
    %add3A_335 = arith.addf %mul3A_332, %add3A_334 : vector<400x128xf32>
    %mul3A_336 = arith.mulf %add3A_335, %mul3A_329 : vector<400x128xf32>
    %add3A_337 = arith.constant -85.2959899 : f32
    %add3A_338 = vector.broadcast %add3A_337 : f32 to vector<400x128xf32>
    %add3A_339 = arith.addf %mul3A_336, %add3A_338 : vector<400x128xf32>
    %mul3A_340 = arith.mulf %add3A_339, %mul3A_329 : vector<400x128xf32>
    %add3A_341 = arith.constant 64.9306182 : f32
    %add3A_342 = vector.broadcast %add3A_341 : f32 to vector<400x128xf32>
    %add3A_343 = arith.addf %mul3A_340, %add3A_342 : vector<400x128xf32>
    %mul3A_344 = arith.mulf %add3A_343, %mul3A_329 : vector<400x128xf32>
    %add3A_345 = arith.constant -19.7390347 : f32
    %add3A_346 = vector.broadcast %add3A_345 : f32 to vector<400x128xf32>
    %add3A_347 = arith.addf %mul3A_344, %add3A_346 : vector<400x128xf32>
    %mul3A_348 = arith.mulf %add3A_347, %mul3A_329 : vector<400x128xf32>
    %add3A_349 = arith.constant 0.999999523 : f32
    %add3A_350 = vector.broadcast %add3A_349 : f32 to vector<400x128xf32>
    %add3A_351 = arith.addf %mul3A_348, %add3A_350 : vector<400x128xf32>
    %mul3A_352 = arith.constant -12.3724947 : f32
    %mul3A_353 = vector.broadcast %mul3A_352 : f32 to vector<400x128xf32>
    %mul3A_354 = arith.mulf %mul3A_353, %mul3A_329 : vector<400x128xf32>
    %add3A_355 = arith.constant 41.269928 : f32
    %add3A_356 = vector.broadcast %add3A_355 : f32 to vector<400x128xf32>
    %add3A_357 = arith.addf %mul3A_354, %add3A_356 : vector<400x128xf32>
    %mul3A_358 = arith.mulf %add3A_357, %mul3A_329 : vector<400x128xf32>
    %add3A_359 = arith.constant -76.5949249 : f32
    %add3A_360 = vector.broadcast %add3A_359 : f32 to vector<400x128xf32>
    %add3A_361 = arith.addf %mul3A_358, %add3A_360 : vector<400x128xf32>
    %mul3A_362 = arith.mulf %add3A_361, %mul3A_329 : vector<400x128xf32>
    %add3A_363 = arith.constant 81.5976563 : f32
    %add3A_364 = vector.broadcast %add3A_363 : f32 to vector<400x128xf32>
    %add3A_365 = arith.addf %mul3A_362, %add3A_364 : vector<400x128xf32>
    %mul3A_366 = arith.mulf %add3A_365, %mul3A_329 : vector<400x128xf32>
    %add3A_367 = arith.constant -41.3414803 : f32
    %add3A_368 = vector.broadcast %add3A_367 : f32 to vector<400x128xf32>
    %add3A_369 = arith.addf %mul3A_366, %add3A_368 : vector<400x128xf32>
    %mul3A_370 = arith.mulf %add3A_369, %mul3A_329 : vector<400x128xf32>
    %add3A_371 = arith.constant 6.28318357 : f32
    %add3A_372 = vector.broadcast %add3A_371 : f32 to vector<400x128xf32>
    %add3A_373 = arith.addf %mul3A_370, %add3A_372 : vector<400x128xf32>
    %mul3A_374 = arith.mulf %add3A_373, %sub3A_328 : vector<400x128xf32>
    %concatenate3A_375 = tpu.concatenate %slice3A_318, %slice3A_319 in 1 : vector<400x1xf32>, vector<400x1xf32> -> vector<400x2xf32>
    %dot_general3A_376 = arith.constant dense<0.000000e+00> : vector<400x256xf32>
    %dot_general3A_377 = tpu.matmul %concatenate3A_375, %get3A_40, %dot_general3A_376 {dimension_numbers = #tpu.dot_dimension_numbers<[1], [0], [0], [1], [0, 0, 1, 1], [], []>, transpose_lhs_hint = false} : vector<400x2xf32>, vector<2x256xf32>, vector<400x256xf32> -> vector<400x256xf32>
    %convert_element_type3A_378 = arith.truncf %add3A_351 : vector<400x128xf32> to vector<400x128xbf16>
    %convert_element_type3A_379 = arith.truncf %get3A_34 : vector<128x256xf32> to vector<128x256xbf16>
    %dot_general3A_380 = arith.constant dense<0.000000e+00> : vector<400x256xf32>
    %dot_general3A_381 = tpu.matmul %convert_element_type3A_378, %convert_element_type3A_379, %dot_general3A_380 {dimension_numbers = #tpu.dot_dimension_numbers<[1], [0], [0], [1], [0, 0, 1, 1], [], []>, transpose_lhs_hint = false} : vector<400x128xbf16>, vector<128x256xbf16>, vector<400x256xf32> -> vector<400x256xf32>
    %convert_element_type3A_382 = arith.truncf %mul3A_374 : vector<400x128xf32> to vector<400x128xbf16>
    %convert_element_type3A_383 = arith.truncf %get3A_37 : vector<128x256xf32> to vector<128x256xbf16>
    %dot_general3A_384 = arith.constant dense<0.000000e+00> : vector<400x256xf32>
    %dot_general3A_385 = tpu.matmul %convert_element_type3A_382, %convert_element_type3A_383, %dot_general3A_384 {dimension_numbers = #tpu.dot_dimension_numbers<[1], [0], [0], [1], [0, 0, 1, 1], [], []>, transpose_lhs_hint = false} : vector<400x128xbf16>, vector<128x256xbf16>, vector<400x256xf32> -> vector<400x256xf32>
    %add3A_386 = arith.addf %dot_general3A_381, %dot_general3A_385 : vector<400x256xf32>
    %add3A_387 = arith.addf %add3A_386, %dot_general3A_377 : vector<400x256xf32>
    %slice3A_388 = vector.extract_strided_slice %sqrt3A {offsets = [0, 5], sizes = [400, 1], strides = [1, 1]} : vector<400x18xf32> to vector<400x1xf32>
    %slice3A_389 = vector.extract_strided_slice %concatenate3A_25 {offsets = [0, 5], sizes = [400, 1], strides = [1, 1]} : vector<400x18xf32> to vector<400x1xf32>
    %mul3A_390 = vector.broadcast %slice3A_388 : vector<400x1xf32> to vector<400x64xf32>
    %mul3A_391 = vector.broadcast %get3A_28 : vector<1x64xf32> to vector<400x64xf32>
    %mul3A_392 = arith.mulf %mul3A_390, %mul3A_391 : vector<400x64xf32>
    %mul3A_393 = vector.broadcast %slice3A_389 : vector<400x1xf32> to vector<400x64xf32>
    %mul3A_394 = vector.broadcast %get3A_31 : vector<1x64xf32> to vector<400x64xf32>
    %mul3A_395 = arith.mulf %mul3A_393, %mul3A_394 : vector<400x64xf32>
    %concatenate3A_396 = tpu.concatenate %mul3A_392, %mul3A_395 in 1 : vector<400x64xf32>, vector<400x64xf32> -> vector<400x128xf32>
    %round3A_397 = math.roundeven %concatenate3A_396 : vector<400x128xf32>
    %sub3A_398 = arith.subf %concatenate3A_396, %round3A_397 : vector<400x128xf32>
    %mul3A_399 = arith.mulf %sub3A_398, %sub3A_398 : vector<400x128xf32>
    %mul3A_400 = arith.constant -21.2831936 : f32
    %mul3A_401 = vector.broadcast %mul3A_400 : f32 to vector<400x128xf32>
    %mul3A_402 = arith.mulf %mul3A_401, %mul3A_399 : vector<400x128xf32>
    %add3A_403 = arith.constant 58.9126472 : f32
    %add3A_404 = vector.broadcast %add3A_403 : f32 to vector<400x128xf32>
    %add3A_405 = arith.addf %mul3A_402, %add3A_404 : vector<400x128xf32>
    %mul3A_406 = arith.mulf %add3A_405, %mul3A_399 : vector<400x128xf32>
    %add3A_407 = arith.constant -85.2959899 : f32
    %add3A_408 = vector.broadcast %add3A_407 : f32 to vector<400x128xf32>
    %add3A_409 = arith.addf %mul3A_406, %add3A_408 : vector<400x128xf32>
    %mul3A_410 = arith.mulf %add3A_409, %mul3A_399 : vector<400x128xf32>
    %add3A_411 = arith.constant 64.9306182 : f32
    %add3A_412 = vector.broadcast %add3A_411 : f32 to vector<400x128xf32>
    %add3A_413 = arith.addf %mul3A_410, %add3A_412 : vector<400x128xf32>
    %mul3A_414 = arith.mulf %add3A_413, %mul3A_399 : vector<400x128xf32>
    %add3A_415 = arith.constant -19.7390347 : f32
    %add3A_416 = vector.broadcast %add3A_415 : f32 to vector<400x128xf32>
    %add3A_417 = arith.addf %mul3A_414, %add3A_416 : vector<400x128xf32>
    %mul3A_418 = arith.mulf %add3A_417, %mul3A_399 : vector<400x128xf32>
    %add3A_419 = arith.constant 0.999999523 : f32
    %add3A_420 = vector.broadcast %add3A_419 : f32 to vector<400x128xf32>
    %add3A_421 = arith.addf %mul3A_418, %add3A_420 : vector<400x128xf32>
    %mul3A_422 = arith.constant -12.3724947 : f32
    %mul3A_423 = vector.broadcast %mul3A_422 : f32 to vector<400x128xf32>
    %mul3A_424 = arith.mulf %mul3A_423, %mul3A_399 : vector<400x128xf32>
    %add3A_425 = arith.constant 41.269928 : f32
    %add3A_426 = vector.broadcast %add3A_425 : f32 to vector<400x128xf32>
    %add3A_427 = arith.addf %mul3A_424, %add3A_426 : vector<400x128xf32>
    %mul3A_428 = arith.mulf %add3A_427, %mul3A_399 : vector<400x128xf32>
    %add3A_429 = arith.constant -76.5949249 : f32
    %add3A_430 = vector.broadcast %add3A_429 : f32 to vector<400x128xf32>
    %add3A_431 = arith.addf %mul3A_428, %add3A_430 : vector<400x128xf32>
    %mul3A_432 = arith.mulf %add3A_431, %mul3A_399 : vector<400x128xf32>
    %add3A_433 = arith.constant 81.5976563 : f32
    %add3A_434 = vector.broadcast %add3A_433 : f32 to vector<400x128xf32>
    %add3A_435 = arith.addf %mul3A_432, %add3A_434 : vector<400x128xf32>
    %mul3A_436 = arith.mulf %add3A_435, %mul3A_399 : vector<400x128xf32>
    %add3A_437 = arith.constant -41.3414803 : f32
    %add3A_438 = vector.broadcast %add3A_437 : f32 to vector<400x128xf32>
    %add3A_439 = arith.addf %mul3A_436, %add3A_438 : vector<400x128xf32>
    %mul3A_440 = arith.mulf %add3A_439, %mul3A_399 : vector<400x128xf32>
    %add3A_441 = arith.constant 6.28318357 : f32
    %add3A_442 = vector.broadcast %add3A_441 : f32 to vector<400x128xf32>
    %add3A_443 = arith.addf %mul3A_440, %add3A_442 : vector<400x128xf32>
    %mul3A_444 = arith.mulf %add3A_443, %sub3A_398 : vector<400x128xf32>
    %concatenate3A_445 = tpu.concatenate %slice3A_388, %slice3A_389 in 1 : vector<400x1xf32>, vector<400x1xf32> -> vector<400x2xf32>
    %dot_general3A_446 = arith.constant dense<0.000000e+00> : vector<400x256xf32>
    %dot_general3A_447 = tpu.matmul %concatenate3A_445, %get3A_40, %dot_general3A_446 {dimension_numbers = #tpu.dot_dimension_numbers<[1], [0], [0], [1], [0, 0, 1, 1], [], []>, transpose_lhs_hint = false} : vector<400x2xf32>, vector<2x256xf32>, vector<400x256xf32> -> vector<400x256xf32>
    %convert_element_type3A_448 = arith.truncf %add3A_421 : vector<400x128xf32> to vector<400x128xbf16>
    %convert_element_type3A_449 = arith.truncf %get3A_34 : vector<128x256xf32> to vector<128x256xbf16>
    %dot_general3A_450 = arith.constant dense<0.000000e+00> : vector<400x256xf32>
    %dot_general3A_451 = tpu.matmul %convert_element_type3A_448, %convert_element_type3A_449, %dot_general3A_450 {dimension_numbers = #tpu.dot_dimension_numbers<[1], [0], [0], [1], [0, 0, 1, 1], [], []>, transpose_lhs_hint = false} : vector<400x128xbf16>, vector<128x256xbf16>, vector<400x256xf32> -> vector<400x256xf32>
    %convert_element_type3A_452 = arith.truncf %mul3A_444 : vector<400x128xf32> to vector<400x128xbf16>
    %convert_element_type3A_453 = arith.truncf %get3A_37 : vector<128x256xf32> to vector<128x256xbf16>
    %dot_general3A_454 = arith.constant dense<0.000000e+00> : vector<400x256xf32>
    %dot_general3A_455 = tpu.matmul %convert_element_type3A_452, %convert_element_type3A_453, %dot_general3A_454 {dimension_numbers = #tpu.dot_dimension_numbers<[1], [0], [0], [1], [0, 0, 1, 1], [], []>, transpose_lhs_hint = false} : vector<400x128xbf16>, vector<128x256xbf16>, vector<400x256xf32> -> vector<400x256xf32>
    %add3A_456 = arith.addf %dot_general3A_451, %dot_general3A_455 : vector<400x256xf32>
    %add3A_457 = arith.addf %add3A_456, %dot_general3A_447 : vector<400x256xf32>
    %slice3A_458 = vector.extract_strided_slice %sqrt3A {offsets = [0, 6], sizes = [400, 1], strides = [1, 1]} : vector<400x18xf32> to vector<400x1xf32>
    %slice3A_459 = vector.extract_strided_slice %concatenate3A_25 {offsets = [0, 6], sizes = [400, 1], strides = [1, 1]} : vector<400x18xf32> to vector<400x1xf32>
    %mul3A_460 = vector.broadcast %slice3A_458 : vector<400x1xf32> to vector<400x64xf32>
    %mul3A_461 = vector.broadcast %get3A_28 : vector<1x64xf32> to vector<400x64xf32>
    %mul3A_462 = arith.mulf %mul3A_460, %mul3A_461 : vector<400x64xf32>
    %mul3A_463 = vector.broadcast %slice3A_459 : vector<400x1xf32> to vector<400x64xf32>
    %mul3A_464 = vector.broadcast %get3A_31 : vector<1x64xf32> to vector<400x64xf32>
    %mul3A_465 = arith.mulf %mul3A_463, %mul3A_464 : vector<400x64xf32>
    %concatenate3A_466 = tpu.concatenate %mul3A_462, %mul3A_465 in 1 : vector<400x64xf32>, vector<400x64xf32> -> vector<400x128xf32>
    %round3A_467 = math.roundeven %concatenate3A_466 : vector<400x128xf32>
    %sub3A_468 = arith.subf %concatenate3A_466, %round3A_467 : vector<400x128xf32>
    %mul3A_469 = arith.mulf %sub3A_468, %sub3A_468 : vector<400x128xf32>
    %mul3A_470 = arith.constant -21.2831936 : f32
    %mul3A_471 = vector.broadcast %mul3A_470 : f32 to vector<400x128xf32>
    %mul3A_472 = arith.mulf %mul3A_471, %mul3A_469 : vector<400x128xf32>
    %add3A_473 = arith.constant 58.9126472 : f32
    %add3A_474 = vector.broadcast %add3A_473 : f32 to vector<400x128xf32>
    %add3A_475 = arith.addf %mul3A_472, %add3A_474 : vector<400x128xf32>
    %mul3A_476 = arith.mulf %add3A_475, %mul3A_469 : vector<400x128xf32>
    %add3A_477 = arith.constant -85.2959899 : f32
    %add3A_478 = vector.broadcast %add3A_477 : f32 to vector<400x128xf32>
    %add3A_479 = arith.addf %mul3A_476, %add3A_478 : vector<400x128xf32>
    %mul3A_480 = arith.mulf %add3A_479, %mul3A_469 : vector<400x128xf32>
    %add3A_481 = arith.constant 64.9306182 : f32
    %add3A_482 = vector.broadcast %add3A_481 : f32 to vector<400x128xf32>
    %add3A_483 = arith.addf %mul3A_480, %add3A_482 : vector<400x128xf32>
    %mul3A_484 = arith.mulf %add3A_483, %mul3A_469 : vector<400x128xf32>
    %add3A_485 = arith.constant -19.7390347 : f32
    %add3A_486 = vector.broadcast %add3A_485 : f32 to vector<400x128xf32>
    %add3A_487 = arith.addf %mul3A_484, %add3A_486 : vector<400x128xf32>
    %mul3A_488 = arith.mulf %add3A_487, %mul3A_469 : vector<400x128xf32>
    %add3A_489 = arith.constant 0.999999523 : f32
    %add3A_490 = vector.broadcast %add3A_489 : f32 to vector<400x128xf32>
    %add3A_491 = arith.addf %mul3A_488, %add3A_490 : vector<400x128xf32>
    %mul3A_492 = arith.constant -12.3724947 : f32
    %mul3A_493 = vector.broadcast %mul3A_492 : f32 to vector<400x128xf32>
    %mul3A_494 = arith.mulf %mul3A_493, %mul3A_469 : vector<400x128xf32>
    %add3A_495 = arith.constant 41.269928 : f32
    %add3A_496 = vector.broadcast %add3A_495 : f32 to vector<400x128xf32>
    %add3A_497 = arith.addf %mul3A_494, %add3A_496 : vector<400x128xf32>
    %mul3A_498 = arith.mulf %add3A_497, %mul3A_469 : vector<400x128xf32>
    %add3A_499 = arith.constant -76.5949249 : f32
    %add3A_500 = vector.broadcast %add3A_499 : f32 to vector<400x128xf32>
    %add3A_501 = arith.addf %mul3A_498, %add3A_500 : vector<400x128xf32>
    %mul3A_502 = arith.mulf %add3A_501, %mul3A_469 : vector<400x128xf32>
    %add3A_503 = arith.constant 81.5976563 : f32
    %add3A_504 = vector.broadcast %add3A_503 : f32 to vector<400x128xf32>
    %add3A_505 = arith.addf %mul3A_502, %add3A_504 : vector<400x128xf32>
    %mul3A_506 = arith.mulf %add3A_505, %mul3A_469 : vector<400x128xf32>
    %add3A_507 = arith.constant -41.3414803 : f32
    %add3A_508 = vector.broadcast %add3A_507 : f32 to vector<400x128xf32>
    %add3A_509 = arith.addf %mul3A_506, %add3A_508 : vector<400x128xf32>
    %mul3A_510 = arith.mulf %add3A_509, %mul3A_469 : vector<400x128xf32>
    %add3A_511 = arith.constant 6.28318357 : f32
    %add3A_512 = vector.broadcast %add3A_511 : f32 to vector<400x128xf32>
    %add3A_513 = arith.addf %mul3A_510, %add3A_512 : vector<400x128xf32>
    %mul3A_514 = arith.mulf %add3A_513, %sub3A_468 : vector<400x128xf32>
    %concatenate3A_515 = tpu.concatenate %slice3A_458, %slice3A_459 in 1 : vector<400x1xf32>, vector<400x1xf32> -> vector<400x2xf32>
    %dot_general3A_516 = arith.constant dense<0.000000e+00> : vector<400x256xf32>
    %dot_general3A_517 = tpu.matmul %concatenate3A_515, %get3A_40, %dot_general3A_516 {dimension_numbers = #tpu.dot_dimension_numbers<[1], [0], [0], [1], [0, 0, 1, 1], [], []>, transpose_lhs_hint = false} : vector<400x2xf32>, vector<2x256xf32>, vector<400x256xf32> -> vector<400x256xf32>
    %convert_element_type3A_518 = arith.truncf %add3A_491 : vector<400x128xf32> to vector<400x128xbf16>
    %convert_element_type3A_519 = arith.truncf %get3A_34 : vector<128x256xf32> to vector<128x256xbf16>
    %dot_general3A_520 = arith.constant dense<0.000000e+00> : vector<400x256xf32>
    %dot_general3A_521 = tpu.matmul %convert_element_type3A_518, %convert_element_type3A_519, %dot_general3A_520 {dimension_numbers = #tpu.dot_dimension_numbers<[1], [0], [0], [1], [0, 0, 1, 1], [], []>, transpose_lhs_hint = false} : vector<400x128xbf16>, vector<128x256xbf16>, vector<400x256xf32> -> vector<400x256xf32>
    %convert_element_type3A_522 = arith.truncf %mul3A_514 : vector<400x128xf32> to vector<400x128xbf16>
    %convert_element_type3A_523 = arith.truncf %get3A_37 : vector<128x256xf32> to vector<128x256xbf16>
    %dot_general3A_524 = arith.constant dense<0.000000e+00> : vector<400x256xf32>
    %dot_general3A_525 = tpu.matmul %convert_element_type3A_522, %convert_element_type3A_523, %dot_general3A_524 {dimension_numbers = #tpu.dot_dimension_numbers<[1], [0], [0], [1], [0, 0, 1, 1], [], []>, transpose_lhs_hint = false} : vector<400x128xbf16>, vector<128x256xbf16>, vector<400x256xf32> -> vector<400x256xf32>
    %add3A_526 = arith.addf %dot_general3A_521, %dot_general3A_525 : vector<400x256xf32>
    %add3A_527 = arith.addf %add3A_526, %dot_general3A_517 : vector<400x256xf32>
    %slice3A_528 = vector.extract_strided_slice %sqrt3A {offsets = [0, 7], sizes = [400, 1], strides = [1, 1]} : vector<400x18xf32> to vector<400x1xf32>
    %slice3A_529 = vector.extract_strided_slice %concatenate3A_25 {offsets = [0, 7], sizes = [400, 1], strides = [1, 1]} : vector<400x18xf32> to vector<400x1xf32>
    %mul3A_530 = vector.broadcast %slice3A_528 : vector<400x1xf32> to vector<400x64xf32>
    %mul3A_531 = vector.broadcast %get3A_28 : vector<1x64xf32> to vector<400x64xf32>
    %mul3A_532 = arith.mulf %mul3A_530, %mul3A_531 : vector<400x64xf32>
    %mul3A_533 = vector.broadcast %slice3A_529 : vector<400x1xf32> to vector<400x64xf32>
    %mul3A_534 = vector.broadcast %get3A_31 : vector<1x64xf32> to vector<400x64xf32>
    %mul3A_535 = arith.mulf %mul3A_533, %mul3A_534 : vector<400x64xf32>
    %concatenate3A_536 = tpu.concatenate %mul3A_532, %mul3A_535 in 1 : vector<400x64xf32>, vector<400x64xf32> -> vector<400x128xf32>
    %round3A_537 = math.roundeven %concatenate3A_536 : vector<400x128xf32>
    %sub3A_538 = arith.subf %concatenate3A_536, %round3A_537 : vector<400x128xf32>
    %mul3A_539 = arith.mulf %sub3A_538, %sub3A_538 : vector<400x128xf32>
    %mul3A_540 = arith.constant -21.2831936 : f32
    %mul3A_541 = vector.broadcast %mul3A_540 : f32 to vector<400x128xf32>
    %mul3A_542 = arith.mulf %mul3A_541, %mul3A_539 : vector<400x128xf32>
    %add3A_543 = arith.constant 58.9126472 : f32
    %add3A_544 = vector.broadcast %add3A_543 : f32 to vector<400x128xf32>
    %add3A_545 = arith.addf %mul3A_542, %add3A_544 : vector<400x128xf32>
    %mul3A_546 = arith.mulf %add3A_545, %mul3A_539 : vector<400x128xf32>
    %add3A_547 = arith.constant -85.2959899 : f32
    %add3A_548 = vector.broadcast %add3A_547 : f32 to vector<400x128xf32>
    %add3A_549 = arith.addf %mul3A_546, %add3A_548 : vector<400x128xf32>
    %mul3A_550 = arith.mulf %add3A_549, %mul3A_539 : vector<400x128xf32>
    %add3A_551 = arith.constant 64.9306182 : f32
    %add3A_552 = vector.broadcast %add3A_551 : f32 to vector<400x128xf32>
    %add3A_553 = arith.addf %mul3A_550, %add3A_552 : vector<400x128xf32>
    %mul3A_554 = arith.mulf %add3A_553, %mul3A_539 : vector<400x128xf32>
    %add3A_555 = arith.constant -19.7390347 : f32
    %add3A_556 = vector.broadcast %add3A_555 : f32 to vector<400x128xf32>
    %add3A_557 = arith.addf %mul3A_554, %add3A_556 : vector<400x128xf32>
    %mul3A_558 = arith.mulf %add3A_557, %mul3A_539 : vector<400x128xf32>
    %add3A_559 = arith.constant 0.999999523 : f32
    %add3A_560 = vector.broadcast %add3A_559 : f32 to vector<400x128xf32>
    %add3A_561 = arith.addf %mul3A_558, %add3A_560 : vector<400x128xf32>
    %mul3A_562 = arith.constant -12.3724947 : f32
    %mul3A_563 = vector.broadcast %mul3A_562 : f32 to vector<400x128xf32>
    %mul3A_564 = arith.mulf %mul3A_563, %mul3A_539 : vector<400x128xf32>
    %add3A_565 = arith.constant 41.269928 : f32
    %add3A_566 = vector.broadcast %add3A_565 : f32 to vector<400x128xf32>
    %add3A_567 = arith.addf %mul3A_564, %add3A_566 : vector<400x128xf32>
    %mul3A_568 = arith.mulf %add3A_567, %mul3A_539 : vector<400x128xf32>
    %add3A_569 = arith.constant -76.5949249 : f32
    %add3A_570 = vector.broadcast %add3A_569 : f32 to vector<400x128xf32>
    %add3A_571 = arith.addf %mul3A_568, %add3A_570 : vector<400x128xf32>
    %mul3A_572 = arith.mulf %add3A_571, %mul3A_539 : vector<400x128xf32>
    %add3A_573 = arith.constant 81.5976563 : f32
    %add3A_574 = vector.broadcast %add3A_573 : f32 to vector<400x128xf32>
    %add3A_575 = arith.addf %mul3A_572, %add3A_574 : vector<400x128xf32>
    %mul3A_576 = arith.mulf %add3A_575, %mul3A_539 : vector<400x128xf32>
    %add3A_577 = arith.constant -41.3414803 : f32
    %add3A_578 = vector.broadcast %add3A_577 : f32 to vector<400x128xf32>
    %add3A_579 = arith.addf %mul3A_576, %add3A_578 : vector<400x128xf32>
    %mul3A_580 = arith.mulf %add3A_579, %mul3A_539 : vector<400x128xf32>
    %add3A_581 = arith.constant 6.28318357 : f32
    %add3A_582 = vector.broadcast %add3A_581 : f32 to vector<400x128xf32>
    %add3A_583 = arith.addf %mul3A_580, %add3A_582 : vector<400x128xf32>
    %mul3A_584 = arith.mulf %add3A_583, %sub3A_538 : vector<400x128xf32>
    %concatenate3A_585 = tpu.concatenate %slice3A_528, %slice3A_529 in 1 : vector<400x1xf32>, vector<400x1xf32> -> vector<400x2xf32>
    %dot_general3A_586 = arith.constant dense<0.000000e+00> : vector<400x256xf32>
    %dot_general3A_587 = tpu.matmul %concatenate3A_585, %get3A_40, %dot_general3A_586 {dimension_numbers = #tpu.dot_dimension_numbers<[1], [0], [0], [1], [0, 0, 1, 1], [], []>, transpose_lhs_hint = false} : vector<400x2xf32>, vector<2x256xf32>, vector<400x256xf32> -> vector<400x256xf32>
    %convert_element_type3A_588 = arith.truncf %add3A_561 : vector<400x128xf32> to vector<400x128xbf16>
    %convert_element_type3A_589 = arith.truncf %get3A_34 : vector<128x256xf32> to vector<128x256xbf16>
    %dot_general3A_590 = arith.constant dense<0.000000e+00> : vector<400x256xf32>
    %dot_general3A_591 = tpu.matmul %convert_element_type3A_588, %convert_element_type3A_589, %dot_general3A_590 {dimension_numbers = #tpu.dot_dimension_numbers<[1], [0], [0], [1], [0, 0, 1, 1], [], []>, transpose_lhs_hint = false} : vector<400x128xbf16>, vector<128x256xbf16>, vector<400x256xf32> -> vector<400x256xf32>
    %convert_element_type3A_592 = arith.truncf %mul3A_584 : vector<400x128xf32> to vector<400x128xbf16>
    %convert_element_type3A_593 = arith.truncf %get3A_37 : vector<128x256xf32> to vector<128x256xbf16>
    %dot_general3A_594 = arith.constant dense<0.000000e+00> : vector<400x256xf32>
    %dot_general3A_595 = tpu.matmul %convert_element_type3A_592, %convert_element_type3A_593, %dot_general3A_594 {dimension_numbers = #tpu.dot_dimension_numbers<[1], [0], [0], [1], [0, 0, 1, 1], [], []>, transpose_lhs_hint = false} : vector<400x128xbf16>, vector<128x256xbf16>, vector<400x256xf32> -> vector<400x256xf32>
    %add3A_596 = arith.addf %dot_general3A_591, %dot_general3A_595 : vector<400x256xf32>
    %add3A_597 = arith.addf %add3A_596, %dot_general3A_587 : vector<400x256xf32>
    %slice3A_598 = vector.extract_strided_slice %sqrt3A {offsets = [0, 8], sizes = [400, 1], strides = [1, 1]} : vector<400x18xf32> to vector<400x1xf32>
    %slice3A_599 = vector.extract_strided_slice %concatenate3A_25 {offsets = [0, 8], sizes = [400, 1], strides = [1, 1]} : vector<400x18xf32> to vector<400x1xf32>
    %mul3A_600 = vector.broadcast %slice3A_598 : vector<400x1xf32> to vector<400x64xf32>
    %mul3A_601 = vector.broadcast %get3A_28 : vector<1x64xf32> to vector<400x64xf32>
    %mul3A_602 = arith.mulf %mul3A_600, %mul3A_601 : vector<400x64xf32>
    %mul3A_603 = vector.broadcast %slice3A_599 : vector<400x1xf32> to vector<400x64xf32>
    %mul3A_604 = vector.broadcast %get3A_31 : vector<1x64xf32> to vector<400x64xf32>
    %mul3A_605 = arith.mulf %mul3A_603, %mul3A_604 : vector<400x64xf32>
    %concatenate3A_606 = tpu.concatenate %mul3A_602, %mul3A_605 in 1 : vector<400x64xf32>, vector<400x64xf32> -> vector<400x128xf32>
    %round3A_607 = math.roundeven %concatenate3A_606 : vector<400x128xf32>
    %sub3A_608 = arith.subf %concatenate3A_606, %round3A_607 : vector<400x128xf32>
    %mul3A_609 = arith.mulf %sub3A_608, %sub3A_608 : vector<400x128xf32>
    %mul3A_610 = arith.constant -21.2831936 : f32
    %mul3A_611 = vector.broadcast %mul3A_610 : f32 to vector<400x128xf32>
    %mul3A_612 = arith.mulf %mul3A_611, %mul3A_609 : vector<400x128xf32>
    %add3A_613 = arith.constant 58.9126472 : f32
    %add3A_614 = vector.broadcast %add3A_613 : f32 to vector<400x128xf32>
    %add3A_615 = arith.addf %mul3A_612, %add3A_614 : vector<400x128xf32>
    %mul3A_616 = arith.mulf %add3A_615, %mul3A_609 : vector<400x128xf32>
    %add3A_617 = arith.constant -85.2959899 : f32
    %add3A_618 = vector.broadcast %add3A_617 : f32 to vector<400x128xf32>
    %add3A_619 = arith.addf %mul3A_616, %add3A_618 : vector<400x128xf32>
    %mul3A_620 = arith.mulf %add3A_619, %mul3A_609 : vector<400x128xf32>
    %add3A_621 = arith.constant 64.9306182 : f32
    %add3A_622 = vector.broadcast %add3A_621 : f32 to vector<400x128xf32>
    %add3A_623 = arith.addf %mul3A_620, %add3A_622 : vector<400x128xf32>
    %mul3A_624 = arith.mulf %add3A_623, %mul3A_609 : vector<400x128xf32>
    %add3A_625 = arith.constant -19.7390347 : f32
    %add3A_626 = vector.broadcast %add3A_625 : f32 to vector<400x128xf32>
    %add3A_627 = arith.addf %mul3A_624, %add3A_626 : vector<400x128xf32>
    %mul3A_628 = arith.mulf %add3A_627, %mul3A_609 : vector<400x128xf32>
    %add3A_629 = arith.constant 0.999999523 : f32
    %add3A_630 = vector.broadcast %add3A_629 : f32 to vector<400x128xf32>
    %add3A_631 = arith.addf %mul3A_628, %add3A_630 : vector<400x128xf32>
    %mul3A_632 = arith.constant -12.3724947 : f32
    %mul3A_633 = vector.broadcast %mul3A_632 : f32 to vector<400x128xf32>
    %mul3A_634 = arith.mulf %mul3A_633, %mul3A_609 : vector<400x128xf32>
    %add3A_635 = arith.constant 41.269928 : f32
    %add3A_636 = vector.broadcast %add3A_635 : f32 to vector<400x128xf32>
    %add3A_637 = arith.addf %mul3A_634, %add3A_636 : vector<400x128xf32>
    %mul3A_638 = arith.mulf %add3A_637, %mul3A_609 : vector<400x128xf32>
    %add3A_639 = arith.constant -76.5949249 : f32
    %add3A_640 = vector.broadcast %add3A_639 : f32 to vector<400x128xf32>
    %add3A_641 = arith.addf %mul3A_638, %add3A_640 : vector<400x128xf32>
    %mul3A_642 = arith.mulf %add3A_641, %mul3A_609 : vector<400x128xf32>
    %add3A_643 = arith.constant 81.5976563 : f32
    %add3A_644 = vector.broadcast %add3A_643 : f32 to vector<400x128xf32>
    %add3A_645 = arith.addf %mul3A_642, %add3A_644 : vector<400x128xf32>
    %mul3A_646 = arith.mulf %add3A_645, %mul3A_609 : vector<400x128xf32>
    %add3A_647 = arith.constant -41.3414803 : f32
    %add3A_648 = vector.broadcast %add3A_647 : f32 to vector<400x128xf32>
    %add3A_649 = arith.addf %mul3A_646, %add3A_648 : vector<400x128xf32>
    %mul3A_650 = arith.mulf %add3A_649, %mul3A_609 : vector<400x128xf32>
    %add3A_651 = arith.constant 6.28318357 : f32
    %add3A_652 = vector.broadcast %add3A_651 : f32 to vector<400x128xf32>
    %add3A_653 = arith.addf %mul3A_650, %add3A_652 : vector<400x128xf32>
    %mul3A_654 = arith.mulf %add3A_653, %sub3A_608 : vector<400x128xf32>
    %concatenate3A_655 = tpu.concatenate %slice3A_598, %slice3A_599 in 1 : vector<400x1xf32>, vector<400x1xf32> -> vector<400x2xf32>
    %dot_general3A_656 = arith.constant dense<0.000000e+00> : vector<400x256xf32>
    %dot_general3A_657 = tpu.matmul %concatenate3A_655, %get3A_40, %dot_general3A_656 {dimension_numbers = #tpu.dot_dimension_numbers<[1], [0], [0], [1], [0, 0, 1, 1], [], []>, transpose_lhs_hint = false} : vector<400x2xf32>, vector<2x256xf32>, vector<400x256xf32> -> vector<400x256xf32>
    %convert_element_type3A_658 = arith.truncf %add3A_631 : vector<400x128xf32> to vector<400x128xbf16>
    %convert_element_type3A_659 = arith.truncf %get3A_34 : vector<128x256xf32> to vector<128x256xbf16>
    %dot_general3A_660 = arith.constant dense<0.000000e+00> : vector<400x256xf32>
    %dot_general3A_661 = tpu.matmul %convert_element_type3A_658, %convert_element_type3A_659, %dot_general3A_660 {dimension_numbers = #tpu.dot_dimension_numbers<[1], [0], [0], [1], [0, 0, 1, 1], [], []>, transpose_lhs_hint = false} : vector<400x128xbf16>, vector<128x256xbf16>, vector<400x256xf32> -> vector<400x256xf32>
    %convert_element_type3A_662 = arith.truncf %mul3A_654 : vector<400x128xf32> to vector<400x128xbf16>
    %convert_element_type3A_663 = arith.truncf %get3A_37 : vector<128x256xf32> to vector<128x256xbf16>
    %dot_general3A_664 = arith.constant dense<0.000000e+00> : vector<400x256xf32>
    %dot_general3A_665 = tpu.matmul %convert_element_type3A_662, %convert_element_type3A_663, %dot_general3A_664 {dimension_numbers = #tpu.dot_dimension_numbers<[1], [0], [0], [1], [0, 0, 1, 1], [], []>, transpose_lhs_hint = false} : vector<400x128xbf16>, vector<128x256xbf16>, vector<400x256xf32> -> vector<400x256xf32>
    %add3A_666 = arith.addf %dot_general3A_661, %dot_general3A_665 : vector<400x256xf32>
    %add3A_667 = arith.addf %add3A_666, %dot_general3A_657 : vector<400x256xf32>
    %slice3A_668 = vector.extract_strided_slice %sqrt3A {offsets = [0, 9], sizes = [400, 1], strides = [1, 1]} : vector<400x18xf32> to vector<400x1xf32>
    %slice3A_669 = vector.extract_strided_slice %concatenate3A_25 {offsets = [0, 9], sizes = [400, 1], strides = [1, 1]} : vector<400x18xf32> to vector<400x1xf32>
    %mul3A_670 = vector.broadcast %slice3A_668 : vector<400x1xf32> to vector<400x64xf32>
    %mul3A_671 = vector.broadcast %get3A_28 : vector<1x64xf32> to vector<400x64xf32>
    %mul3A_672 = arith.mulf %mul3A_670, %mul3A_671 : vector<400x64xf32>
    %mul3A_673 = vector.broadcast %slice3A_669 : vector<400x1xf32> to vector<400x64xf32>
    %mul3A_674 = vector.broadcast %get3A_31 : vector<1x64xf32> to vector<400x64xf32>
    %mul3A_675 = arith.mulf %mul3A_673, %mul3A_674 : vector<400x64xf32>
    %concatenate3A_676 = tpu.concatenate %mul3A_672, %mul3A_675 in 1 : vector<400x64xf32>, vector<400x64xf32> -> vector<400x128xf32>
    %round3A_677 = math.roundeven %concatenate3A_676 : vector<400x128xf32>
    %sub3A_678 = arith.subf %concatenate3A_676, %round3A_677 : vector<400x128xf32>
    %mul3A_679 = arith.mulf %sub3A_678, %sub3A_678 : vector<400x128xf32>
    %mul3A_680 = arith.constant -21.2831936 : f32
    %mul3A_681 = vector.broadcast %mul3A_680 : f32 to vector<400x128xf32>
    %mul3A_682 = arith.mulf %mul3A_681, %mul3A_679 : vector<400x128xf32>
    %add3A_683 = arith.constant 58.9126472 : f32
    %add3A_684 = vector.broadcast %add3A_683 : f32 to vector<400x128xf32>
    %add3A_685 = arith.addf %mul3A_682, %add3A_684 : vector<400x128xf32>
    %mul3A_686 = arith.mulf %add3A_685, %mul3A_679 : vector<400x128xf32>
    %add3A_687 = arith.constant -85.2959899 : f32
    %add3A_688 = vector.broadcast %add3A_687 : f32 to vector<400x128xf32>
    %add3A_689 = arith.addf %mul3A_686, %add3A_688 : vector<400x128xf32>
    %mul3A_690 = arith.mulf %add3A_689, %mul3A_679 : vector<400x128xf32>
    %add3A_691 = arith.constant 64.9306182 : f32
    %add3A_692 = vector.broadcast %add3A_691 : f32 to vector<400x128xf32>
    %add3A_693 = arith.addf %mul3A_690, %add3A_692 : vector<400x128xf32>
    %mul3A_694 = arith.mulf %add3A_693, %mul3A_679 : vector<400x128xf32>
    %add3A_695 = arith.constant -19.7390347 : f32
    %add3A_696 = vector.broadcast %add3A_695 : f32 to vector<400x128xf32>
    %add3A_697 = arith.addf %mul3A_694, %add3A_696 : vector<400x128xf32>
    %mul3A_698 = arith.mulf %add3A_697, %mul3A_679 : vector<400x128xf32>
    %add3A_699 = arith.constant 0.999999523 : f32
    %add3A_700 = vector.broadcast %add3A_699 : f32 to vector<400x128xf32>
    %add3A_701 = arith.addf %mul3A_698, %add3A_700 : vector<400x128xf32>
    %mul3A_702 = arith.constant -12.3724947 : f32
    %mul3A_703 = vector.broadcast %mul3A_702 : f32 to vector<400x128xf32>
    %mul3A_704 = arith.mulf %mul3A_703, %mul3A_679 : vector<400x128xf32>
    %add3A_705 = arith.constant 41.269928 : f32
    %add3A_706 = vector.broadcast %add3A_705 : f32 to vector<400x128xf32>
    %add3A_707 = arith.addf %mul3A_704, %add3A_706 : vector<400x128xf32>
    %mul3A_708 = arith.mulf %add3A_707, %mul3A_679 : vector<400x128xf32>
    %add3A_709 = arith.constant -76.5949249 : f32
    %add3A_710 = vector.broadcast %add3A_709 : f32 to vector<400x128xf32>
    %add3A_711 = arith.addf %mul3A_708, %add3A_710 : vector<400x128xf32>
    %mul3A_712 = arith.mulf %add3A_711, %mul3A_679 : vector<400x128xf32>
    %add3A_713 = arith.constant 81.5976563 : f32
    %add3A_714 = vector.broadcast %add3A_713 : f32 to vector<400x128xf32>
    %add3A_715 = arith.addf %mul3A_712, %add3A_714 : vector<400x128xf32>
    %mul3A_716 = arith.mulf %add3A_715, %mul3A_679 : vector<400x128xf32>
    %add3A_717 = arith.constant -41.3414803 : f32
    %add3A_718 = vector.broadcast %add3A_717 : f32 to vector<400x128xf32>
    %add3A_719 = arith.addf %mul3A_716, %add3A_718 : vector<400x128xf32>
    %mul3A_720 = arith.mulf %add3A_719, %mul3A_679 : vector<400x128xf32>
    %add3A_721 = arith.constant 6.28318357 : f32
    %add3A_722 = vector.broadcast %add3A_721 : f32 to vector<400x128xf32>
    %add3A_723 = arith.addf %mul3A_720, %add3A_722 : vector<400x128xf32>
    %mul3A_724 = arith.mulf %add3A_723, %sub3A_678 : vector<400x128xf32>
    %concatenate3A_725 = tpu.concatenate %slice3A_668, %slice3A_669 in 1 : vector<400x1xf32>, vector<400x1xf32> -> vector<400x2xf32>
    %dot_general3A_726 = arith.constant dense<0.000000e+00> : vector<400x256xf32>
    %dot_general3A_727 = tpu.matmul %concatenate3A_725, %get3A_40, %dot_general3A_726 {dimension_numbers = #tpu.dot_dimension_numbers<[1], [0], [0], [1], [0, 0, 1, 1], [], []>, transpose_lhs_hint = false} : vector<400x2xf32>, vector<2x256xf32>, vector<400x256xf32> -> vector<400x256xf32>
    %convert_element_type3A_728 = arith.truncf %add3A_701 : vector<400x128xf32> to vector<400x128xbf16>
    %convert_element_type3A_729 = arith.truncf %get3A_34 : vector<128x256xf32> to vector<128x256xbf16>
    %dot_general3A_730 = arith.constant dense<0.000000e+00> : vector<400x256xf32>
    %dot_general3A_731 = tpu.matmul %convert_element_type3A_728, %convert_element_type3A_729, %dot_general3A_730 {dimension_numbers = #tpu.dot_dimension_numbers<[1], [0], [0], [1], [0, 0, 1, 1], [], []>, transpose_lhs_hint = false} : vector<400x128xbf16>, vector<128x256xbf16>, vector<400x256xf32> -> vector<400x256xf32>
    %convert_element_type3A_732 = arith.truncf %mul3A_724 : vector<400x128xf32> to vector<400x128xbf16>
    %convert_element_type3A_733 = arith.truncf %get3A_37 : vector<128x256xf32> to vector<128x256xbf16>
    %dot_general3A_734 = arith.constant dense<0.000000e+00> : vector<400x256xf32>
    %dot_general3A_735 = tpu.matmul %convert_element_type3A_732, %convert_element_type3A_733, %dot_general3A_734 {dimension_numbers = #tpu.dot_dimension_numbers<[1], [0], [0], [1], [0, 0, 1, 1], [], []>, transpose_lhs_hint = false} : vector<400x128xbf16>, vector<128x256xbf16>, vector<400x256xf32> -> vector<400x256xf32>
    %add3A_736 = arith.addf %dot_general3A_731, %dot_general3A_735 : vector<400x256xf32>
    %add3A_737 = arith.addf %add3A_736, %dot_general3A_727 : vector<400x256xf32>
    %slice3A_738 = vector.extract_strided_slice %sqrt3A {offsets = [0, 10], sizes = [400, 1], strides = [1, 1]} : vector<400x18xf32> to vector<400x1xf32>
    %slice3A_739 = vector.extract_strided_slice %concatenate3A_25 {offsets = [0, 10], sizes = [400, 1], strides = [1, 1]} : vector<400x18xf32> to vector<400x1xf32>
    %mul3A_740 = vector.broadcast %slice3A_738 : vector<400x1xf32> to vector<400x64xf32>
    %mul3A_741 = vector.broadcast %get3A_28 : vector<1x64xf32> to vector<400x64xf32>
    %mul3A_742 = arith.mulf %mul3A_740, %mul3A_741 : vector<400x64xf32>
    %mul3A_743 = vector.broadcast %slice3A_739 : vector<400x1xf32> to vector<400x64xf32>
    %mul3A_744 = vector.broadcast %get3A_31 : vector<1x64xf32> to vector<400x64xf32>
    %mul3A_745 = arith.mulf %mul3A_743, %mul3A_744 : vector<400x64xf32>
    %concatenate3A_746 = tpu.concatenate %mul3A_742, %mul3A_745 in 1 : vector<400x64xf32>, vector<400x64xf32> -> vector<400x128xf32>
    %round3A_747 = math.roundeven %concatenate3A_746 : vector<400x128xf32>
    %sub3A_748 = arith.subf %concatenate3A_746, %round3A_747 : vector<400x128xf32>
    %mul3A_749 = arith.mulf %sub3A_748, %sub3A_748 : vector<400x128xf32>
    %mul3A_750 = arith.constant -21.2831936 : f32
    %mul3A_751 = vector.broadcast %mul3A_750 : f32 to vector<400x128xf32>
    %mul3A_752 = arith.mulf %mul3A_751, %mul3A_749 : vector<400x128xf32>
    %add3A_753 = arith.constant 58.9126472 : f32
    %add3A_754 = vector.broadcast %add3A_753 : f32 to vector<400x128xf32>
    %add3A_755 = arith.addf %mul3A_752, %add3A_754 : vector<400x128xf32>
    %mul3A_756 = arith.mulf %add3A_755, %mul3A_749 : vector<400x128xf32>
    %add3A_757 = arith.constant -85.2959899 : f32
    %add3A_758 = vector.broadcast %add3A_757 : f32 to vector<400x128xf32>
    %add3A_759 = arith.addf %mul3A_756, %add3A_758 : vector<400x128xf32>
    %mul3A_760 = arith.mulf %add3A_759, %mul3A_749 : vector<400x128xf32>
    %add3A_761 = arith.constant 64.9306182 : f32
    %add3A_762 = vector.broadcast %add3A_761 : f32 to vector<400x128xf32>
    %add3A_763 = arith.addf %mul3A_760, %add3A_762 : vector<400x128xf32>
    %mul3A_764 = arith.mulf %add3A_763, %mul3A_749 : vector<400x128xf32>
    %add3A_765 = arith.constant -19.7390347 : f32
    %add3A_766 = vector.broadcast %add3A_765 : f32 to vector<400x128xf32>
    %add3A_767 = arith.addf %mul3A_764, %add3A_766 : vector<400x128xf32>
    %mul3A_768 = arith.mulf %add3A_767, %mul3A_749 : vector<400x128xf32>
    %add3A_769 = arith.constant 0.999999523 : f32
    %add3A_770 = vector.broadcast %add3A_769 : f32 to vector<400x128xf32>
    %add3A_771 = arith.addf %mul3A_768, %add3A_770 : vector<400x128xf32>
    %mul3A_772 = arith.constant -12.3724947 : f32
    %mul3A_773 = vector.broadcast %mul3A_772 : f32 to vector<400x128xf32>
    %mul3A_774 = arith.mulf %mul3A_773, %mul3A_749 : vector<400x128xf32>
    %add3A_775 = arith.constant 41.269928 : f32
    %add3A_776 = vector.broadcast %add3A_775 : f32 to vector<400x128xf32>
    %add3A_777 = arith.addf %mul3A_774, %add3A_776 : vector<400x128xf32>
    %mul3A_778 = arith.mulf %add3A_777, %mul3A_749 : vector<400x128xf32>
    %add3A_779 = arith.constant -76.5949249 : f32
    %add3A_780 = vector.broadcast %add3A_779 : f32 to vector<400x128xf32>
    %add3A_781 = arith.addf %mul3A_778, %add3A_780 : vector<400x128xf32>
    %mul3A_782 = arith.mulf %add3A_781, %mul3A_749 : vector<400x128xf32>
    %add3A_783 = arith.constant 81.5976563 : f32
    %add3A_784 = vector.broadcast %add3A_783 : f32 to vector<400x128xf32>
    %add3A_785 = arith.addf %mul3A_782, %add3A_784 : vector<400x128xf32>
    %mul3A_786 = arith.mulf %add3A_785, %mul3A_749 : vector<400x128xf32>
    %add3A_787 = arith.constant -41.3414803 : f32
    %add3A_788 = vector.broadcast %add3A_787 : f32 to vector<400x128xf32>
    %add3A_789 = arith.addf %mul3A_786, %add3A_788 : vector<400x128xf32>
    %mul3A_790 = arith.mulf %add3A_789, %mul3A_749 : vector<400x128xf32>
    %add3A_791 = arith.constant 6.28318357 : f32
    %add3A_792 = vector.broadcast %add3A_791 : f32 to vector<400x128xf32>
    %add3A_793 = arith.addf %mul3A_790, %add3A_792 : vector<400x128xf32>
    %mul3A_794 = arith.mulf %add3A_793, %sub3A_748 : vector<400x128xf32>
    %concatenate3A_795 = tpu.concatenate %slice3A_738, %slice3A_739 in 1 : vector<400x1xf32>, vector<400x1xf32> -> vector<400x2xf32>
    %dot_general3A_796 = arith.constant dense<0.000000e+00> : vector<400x256xf32>
    %dot_general3A_797 = tpu.matmul %concatenate3A_795, %get3A_40, %dot_general3A_796 {dimension_numbers = #tpu.dot_dimension_numbers<[1], [0], [0], [1], [0, 0, 1, 1], [], []>, transpose_lhs_hint = false} : vector<400x2xf32>, vector<2x256xf32>, vector<400x256xf32> -> vector<400x256xf32>
    %convert_element_type3A_798 = arith.truncf %add3A_771 : vector<400x128xf32> to vector<400x128xbf16>
    %convert_element_type3A_799 = arith.truncf %get3A_34 : vector<128x256xf32> to vector<128x256xbf16>
    %dot_general3A_800 = arith.constant dense<0.000000e+00> : vector<400x256xf32>
    %dot_general3A_801 = tpu.matmul %convert_element_type3A_798, %convert_element_type3A_799, %dot_general3A_800 {dimension_numbers = #tpu.dot_dimension_numbers<[1], [0], [0], [1], [0, 0, 1, 1], [], []>, transpose_lhs_hint = false} : vector<400x128xbf16>, vector<128x256xbf16>, vector<400x256xf32> -> vector<400x256xf32>
    %convert_element_type3A_802 = arith.truncf %mul3A_794 : vector<400x128xf32> to vector<400x128xbf16>
    %convert_element_type3A_803 = arith.truncf %get3A_37 : vector<128x256xf32> to vector<128x256xbf16>
    %dot_general3A_804 = arith.constant dense<0.000000e+00> : vector<400x256xf32>
    %dot_general3A_805 = tpu.matmul %convert_element_type3A_802, %convert_element_type3A_803, %dot_general3A_804 {dimension_numbers = #tpu.dot_dimension_numbers<[1], [0], [0], [1], [0, 0, 1, 1], [], []>, transpose_lhs_hint = false} : vector<400x128xbf16>, vector<128x256xbf16>, vector<400x256xf32> -> vector<400x256xf32>
    %add3A_806 = arith.addf %dot_general3A_801, %dot_general3A_805 : vector<400x256xf32>
    %add3A_807 = arith.addf %add3A_806, %dot_general3A_797 : vector<400x256xf32>
    %slice3A_808 = vector.extract_strided_slice %sqrt3A {offsets = [0, 11], sizes = [400, 1], strides = [1, 1]} : vector<400x18xf32> to vector<400x1xf32>
    %slice3A_809 = vector.extract_strided_slice %concatenate3A_25 {offsets = [0, 11], sizes = [400, 1], strides = [1, 1]} : vector<400x18xf32> to vector<400x1xf32>
    %mul3A_810 = vector.broadcast %slice3A_808 : vector<400x1xf32> to vector<400x64xf32>
    %mul3A_811 = vector.broadcast %get3A_28 : vector<1x64xf32> to vector<400x64xf32>
    %mul3A_812 = arith.mulf %mul3A_810, %mul3A_811 : vector<400x64xf32>
    %mul3A_813 = vector.broadcast %slice3A_809 : vector<400x1xf32> to vector<400x64xf32>
    %mul3A_814 = vector.broadcast %get3A_31 : vector<1x64xf32> to vector<400x64xf32>
    %mul3A_815 = arith.mulf %mul3A_813, %mul3A_814 : vector<400x64xf32>
    %concatenate3A_816 = tpu.concatenate %mul3A_812, %mul3A_815 in 1 : vector<400x64xf32>, vector<400x64xf32> -> vector<400x128xf32>
    %round3A_817 = math.roundeven %concatenate3A_816 : vector<400x128xf32>
    %sub3A_818 = arith.subf %concatenate3A_816, %round3A_817 : vector<400x128xf32>
    %mul3A_819 = arith.mulf %sub3A_818, %sub3A_818 : vector<400x128xf32>
    %mul3A_820 = arith.constant -21.2831936 : f32
    %mul3A_821 = vector.broadcast %mul3A_820 : f32 to vector<400x128xf32>
    %mul3A_822 = arith.mulf %mul3A_821, %mul3A_819 : vector<400x128xf32>
    %add3A_823 = arith.constant 58.9126472 : f32
    %add3A_824 = vector.broadcast %add3A_823 : f32 to vector<400x128xf32>
    %add3A_825 = arith.addf %mul3A_822, %add3A_824 : vector<400x128xf32>
    %mul3A_826 = arith.mulf %add3A_825, %mul3A_819 : vector<400x128xf32>
    %add3A_827 = arith.constant -85.2959899 : f32
    %add3A_828 = vector.broadcast %add3A_827 : f32 to vector<400x128xf32>
    %add3A_829 = arith.addf %mul3A_826, %add3A_828 : vector<400x128xf32>
    %mul3A_830 = arith.mulf %add3A_829, %mul3A_819 : vector<400x128xf32>
    %add3A_831 = arith.constant 64.9306182 : f32
    %add3A_832 = vector.broadcast %add3A_831 : f32 to vector<400x128xf32>
    %add3A_833 = arith.addf %mul3A_830, %add3A_832 : vector<400x128xf32>
    %mul3A_834 = arith.mulf %add3A_833, %mul3A_819 : vector<400x128xf32>
    %add3A_835 = arith.constant -19.7390347 : f32
    %add3A_836 = vector.broadcast %add3A_835 : f32 to vector<400x128xf32>
    %add3A_837 = arith.addf %mul3A_834, %add3A_836 : vector<400x128xf32>
    %mul3A_838 = arith.mulf %add3A_837, %mul3A_819 : vector<400x128xf32>
    %add3A_839 = arith.constant 0.999999523 : f32
    %add3A_840 = vector.broadcast %add3A_839 : f32 to vector<400x128xf32>
    %add3A_841 = arith.addf %mul3A_838, %add3A_840 : vector<400x128xf32>
    %mul3A_842 = arith.constant -12.3724947 : f32
    %mul3A_843 = vector.broadcast %mul3A_842 : f32 to vector<400x128xf32>
    %mul3A_844 = arith.mulf %mul3A_843, %mul3A_819 : vector<400x128xf32>
    %add3A_845 = arith.constant 41.269928 : f32
    %add3A_846 = vector.broadcast %add3A_845 : f32 to vector<400x128xf32>
    %add3A_847 = arith.addf %mul3A_844, %add3A_846 : vector<400x128xf32>
    %mul3A_848 = arith.mulf %add3A_847, %mul3A_819 : vector<400x128xf32>
    %add3A_849 = arith.constant -76.5949249 : f32
    %add3A_850 = vector.broadcast %add3A_849 : f32 to vector<400x128xf32>
    %add3A_851 = arith.addf %mul3A_848, %add3A_850 : vector<400x128xf32>
    %mul3A_852 = arith.mulf %add3A_851, %mul3A_819 : vector<400x128xf32>
    %add3A_853 = arith.constant 81.5976563 : f32
    %add3A_854 = vector.broadcast %add3A_853 : f32 to vector<400x128xf32>
    %add3A_855 = arith.addf %mul3A_852, %add3A_854 : vector<400x128xf32>
    %mul3A_856 = arith.mulf %add3A_855, %mul3A_819 : vector<400x128xf32>
    %add3A_857 = arith.constant -41.3414803 : f32
    %add3A_858 = vector.broadcast %add3A_857 : f32 to vector<400x128xf32>
    %add3A_859 = arith.addf %mul3A_856, %add3A_858 : vector<400x128xf32>
    %mul3A_860 = arith.mulf %add3A_859, %mul3A_819 : vector<400x128xf32>
    %add3A_861 = arith.constant 6.28318357 : f32
    %add3A_862 = vector.broadcast %add3A_861 : f32 to vector<400x128xf32>
    %add3A_863 = arith.addf %mul3A_860, %add3A_862 : vector<400x128xf32>
    %mul3A_864 = arith.mulf %add3A_863, %sub3A_818 : vector<400x128xf32>
    %concatenate3A_865 = tpu.concatenate %slice3A_808, %slice3A_809 in 1 : vector<400x1xf32>, vector<400x1xf32> -> vector<400x2xf32>
    %dot_general3A_866 = arith.constant dense<0.000000e+00> : vector<400x256xf32>
    %dot_general3A_867 = tpu.matmul %concatenate3A_865, %get3A_40, %dot_general3A_866 {dimension_numbers = #tpu.dot_dimension_numbers<[1], [0], [0], [1], [0, 0, 1, 1], [], []>, transpose_lhs_hint = false} : vector<400x2xf32>, vector<2x256xf32>, vector<400x256xf32> -> vector<400x256xf32>
    %convert_element_type3A_868 = arith.truncf %add3A_841 : vector<400x128xf32> to vector<400x128xbf16>
    %convert_element_type3A_869 = arith.truncf %get3A_34 : vector<128x256xf32> to vector<128x256xbf16>
    %dot_general3A_870 = arith.constant dense<0.000000e+00> : vector<400x256xf32>
    %dot_general3A_871 = tpu.matmul %convert_element_type3A_868, %convert_element_type3A_869, %dot_general3A_870 {dimension_numbers = #tpu.dot_dimension_numbers<[1], [0], [0], [1], [0, 0, 1, 1], [], []>, transpose_lhs_hint = false} : vector<400x128xbf16>, vector<128x256xbf16>, vector<400x256xf32> -> vector<400x256xf32>
    %convert_element_type3A_872 = arith.truncf %mul3A_864 : vector<400x128xf32> to vector<400x128xbf16>
    %convert_element_type3A_873 = arith.truncf %get3A_37 : vector<128x256xf32> to vector<128x256xbf16>
    %dot_general3A_874 = arith.constant dense<0.000000e+00> : vector<400x256xf32>
    %dot_general3A_875 = tpu.matmul %convert_element_type3A_872, %convert_element_type3A_873, %dot_general3A_874 {dimension_numbers = #tpu.dot_dimension_numbers<[1], [0], [0], [1], [0, 0, 1, 1], [], []>, transpose_lhs_hint = false} : vector<400x128xbf16>, vector<128x256xbf16>, vector<400x256xf32> -> vector<400x256xf32>
    %add3A_876 = arith.addf %dot_general3A_871, %dot_general3A_875 : vector<400x256xf32>
    %add3A_877 = arith.addf %add3A_876, %dot_general3A_867 : vector<400x256xf32>
    %slice3A_878 = vector.extract_strided_slice %sqrt3A {offsets = [0, 12], sizes = [400, 1], strides = [1, 1]} : vector<400x18xf32> to vector<400x1xf32>
    %slice3A_879 = vector.extract_strided_slice %concatenate3A_25 {offsets = [0, 12], sizes = [400, 1], strides = [1, 1]} : vector<400x18xf32> to vector<400x1xf32>
    %mul3A_880 = vector.broadcast %slice3A_878 : vector<400x1xf32> to vector<400x64xf32>
    %mul3A_881 = vector.broadcast %get3A_28 : vector<1x64xf32> to vector<400x64xf32>
    %mul3A_882 = arith.mulf %mul3A_880, %mul3A_881 : vector<400x64xf32>
    %mul3A_883 = vector.broadcast %slice3A_879 : vector<400x1xf32> to vector<400x64xf32>
    %mul3A_884 = vector.broadcast %get3A_31 : vector<1x64xf32> to vector<400x64xf32>
    %mul3A_885 = arith.mulf %mul3A_883, %mul3A_884 : vector<400x64xf32>
    %concatenate3A_886 = tpu.concatenate %mul3A_882, %mul3A_885 in 1 : vector<400x64xf32>, vector<400x64xf32> -> vector<400x128xf32>
    %round3A_887 = math.roundeven %concatenate3A_886 : vector<400x128xf32>
    %sub3A_888 = arith.subf %concatenate3A_886, %round3A_887 : vector<400x128xf32>
    %mul3A_889 = arith.mulf %sub3A_888, %sub3A_888 : vector<400x128xf32>
    %mul3A_890 = arith.constant -21.2831936 : f32
    %mul3A_891 = vector.broadcast %mul3A_890 : f32 to vector<400x128xf32>
    %mul3A_892 = arith.mulf %mul3A_891, %mul3A_889 : vector<400x128xf32>
    %add3A_893 = arith.constant 58.9126472 : f32
    %add3A_894 = vector.broadcast %add3A_893 : f32 to vector<400x128xf32>
    %add3A_895 = arith.addf %mul3A_892, %add3A_894 : vector<400x128xf32>
    %mul3A_896 = arith.mulf %add3A_895, %mul3A_889 : vector<400x128xf32>
    %add3A_897 = arith.constant -85.2959899 : f32
    %add3A_898 = vector.broadcast %add3A_897 : f32 to vector<400x128xf32>
    %add3A_899 = arith.addf %mul3A_896, %add3A_898 : vector<400x128xf32>
    %mul3A_900 = arith.mulf %add3A_899, %mul3A_889 : vector<400x128xf32>
    %add3A_901 = arith.constant 64.9306182 : f32
    %add3A_902 = vector.broadcast %add3A_901 : f32 to vector<400x128xf32>
    %add3A_903 = arith.addf %mul3A_900, %add3A_902 : vector<400x128xf32>
    %mul3A_904 = arith.mulf %add3A_903, %mul3A_889 : vector<400x128xf32>
    %add3A_905 = arith.constant -19.7390347 : f32
    %add3A_906 = vector.broadcast %add3A_905 : f32 to vector<400x128xf32>
    %add3A_907 = arith.addf %mul3A_904, %add3A_906 : vector<400x128xf32>
    %mul3A_908 = arith.mulf %add3A_907, %mul3A_889 : vector<400x128xf32>
    %add3A_909 = arith.constant 0.999999523 : f32
    %add3A_910 = vector.broadcast %add3A_909 : f32 to vector<400x128xf32>
    %add3A_911 = arith.addf %mul3A_908, %add3A_910 : vector<400x128xf32>
    %mul3A_912 = arith.constant -12.3724947 : f32
    %mul3A_913 = vector.broadcast %mul3A_912 : f32 to vector<400x128xf32>
    %mul3A_914 = arith.mulf %mul3A_913, %mul3A_889 : vector<400x128xf32>
    %add3A_915 = arith.constant 41.269928 : f32
    %add3A_916 = vector.broadcast %add3A_915 : f32 to vector<400x128xf32>
    %add3A_917 = arith.addf %mul3A_914, %add3A_916 : vector<400x128xf32>
    %mul3A_918 = arith.mulf %add3A_917, %mul3A_889 : vector<400x128xf32>
    %add3A_919 = arith.constant -76.5949249 : f32
    %add3A_920 = vector.broadcast %add3A_919 : f32 to vector<400x128xf32>
    %add3A_921 = arith.addf %mul3A_918, %add3A_920 : vector<400x128xf32>
    %mul3A_922 = arith.mulf %add3A_921, %mul3A_889 : vector<400x128xf32>
    %add3A_923 = arith.constant 81.5976563 : f32
    %add3A_924 = vector.broadcast %add3A_923 : f32 to vector<400x128xf32>
    %add3A_925 = arith.addf %mul3A_922, %add3A_924 : vector<400x128xf32>
    %mul3A_926 = arith.mulf %add3A_925, %mul3A_889 : vector<400x128xf32>
    %add3A_927 = arith.constant -41.3414803 : f32
    %add3A_928 = vector.broadcast %add3A_927 : f32 to vector<400x128xf32>
    %add3A_929 = arith.addf %mul3A_926, %add3A_928 : vector<400x128xf32>
    %mul3A_930 = arith.mulf %add3A_929, %mul3A_889 : vector<400x128xf32>
    %add3A_931 = arith.constant 6.28318357 : f32
    %add3A_932 = vector.broadcast %add3A_931 : f32 to vector<400x128xf32>
    %add3A_933 = arith.addf %mul3A_930, %add3A_932 : vector<400x128xf32>
    %mul3A_934 = arith.mulf %add3A_933, %sub3A_888 : vector<400x128xf32>
    %concatenate3A_935 = tpu.concatenate %slice3A_878, %slice3A_879 in 1 : vector<400x1xf32>, vector<400x1xf32> -> vector<400x2xf32>
    %dot_general3A_936 = arith.constant dense<0.000000e+00> : vector<400x256xf32>
    %dot_general3A_937 = tpu.matmul %concatenate3A_935, %get3A_40, %dot_general3A_936 {dimension_numbers = #tpu.dot_dimension_numbers<[1], [0], [0], [1], [0, 0, 1, 1], [], []>, transpose_lhs_hint = false} : vector<400x2xf32>, vector<2x256xf32>, vector<400x256xf32> -> vector<400x256xf32>
    %convert_element_type3A_938 = arith.truncf %add3A_911 : vector<400x128xf32> to vector<400x128xbf16>
    %convert_element_type3A_939 = arith.truncf %get3A_34 : vector<128x256xf32> to vector<128x256xbf16>
    %dot_general3A_940 = arith.constant dense<0.000000e+00> : vector<400x256xf32>
    %dot_general3A_941 = tpu.matmul %convert_element_type3A_938, %convert_element_type3A_939, %dot_general3A_940 {dimension_numbers = #tpu.dot_dimension_numbers<[1], [0], [0], [1], [0, 0, 1, 1], [], []>, transpose_lhs_hint = false} : vector<400x128xbf16>, vector<128x256xbf16>, vector<400x256xf32> -> vector<400x256xf32>
    %convert_element_type3A_942 = arith.truncf %mul3A_934 : vector<400x128xf32> to vector<400x128xbf16>
    %convert_element_type3A_943 = arith.truncf %get3A_37 : vector<128x256xf32> to vector<128x256xbf16>
    %dot_general3A_944 = arith.constant dense<0.000000e+00> : vector<400x256xf32>
    %dot_general3A_945 = tpu.matmul %convert_element_type3A_942, %convert_element_type3A_943, %dot_general3A_944 {dimension_numbers = #tpu.dot_dimension_numbers<[1], [0], [0], [1], [0, 0, 1, 1], [], []>, transpose_lhs_hint = false} : vector<400x128xbf16>, vector<128x256xbf16>, vector<400x256xf32> -> vector<400x256xf32>
    %add3A_946 = arith.addf %dot_general3A_941, %dot_general3A_945 : vector<400x256xf32>
    %add3A_947 = arith.addf %add3A_946, %dot_general3A_937 : vector<400x256xf32>
    %slice3A_948 = vector.extract_strided_slice %sqrt3A {offsets = [0, 13], sizes = [400, 1], strides = [1, 1]} : vector<400x18xf32> to vector<400x1xf32>
    %slice3A_949 = vector.extract_strided_slice %concatenate3A_25 {offsets = [0, 13], sizes = [400, 1], strides = [1, 1]} : vector<400x18xf32> to vector<400x1xf32>
    %mul3A_950 = vector.broadcast %slice3A_948 : vector<400x1xf32> to vector<400x64xf32>
    %mul3A_951 = vector.broadcast %get3A_28 : vector<1x64xf32> to vector<400x64xf32>
    %mul3A_952 = arith.mulf %mul3A_950, %mul3A_951 : vector<400x64xf32>
    %mul3A_953 = vector.broadcast %slice3A_949 : vector<400x1xf32> to vector<400x64xf32>
    %mul3A_954 = vector.broadcast %get3A_31 : vector<1x64xf32> to vector<400x64xf32>
    %mul3A_955 = arith.mulf %mul3A_953, %mul3A_954 : vector<400x64xf32>
    %concatenate3A_956 = tpu.concatenate %mul3A_952, %mul3A_955 in 1 : vector<400x64xf32>, vector<400x64xf32> -> vector<400x128xf32>
    %round3A_957 = math.roundeven %concatenate3A_956 : vector<400x128xf32>
    %sub3A_958 = arith.subf %concatenate3A_956, %round3A_957 : vector<400x128xf32>
    %mul3A_959 = arith.mulf %sub3A_958, %sub3A_958 : vector<400x128xf32>
    %mul3A_960 = arith.constant -21.2831936 : f32
    %mul3A_961 = vector.broadcast %mul3A_960 : f32 to vector<400x128xf32>
    %mul3A_962 = arith.mulf %mul3A_961, %mul3A_959 : vector<400x128xf32>
    %add3A_963 = arith.constant 58.9126472 : f32
    %add3A_964 = vector.broadcast %add3A_963 : f32 to vector<400x128xf32>
    %add3A_965 = arith.addf %mul3A_962, %add3A_964 : vector<400x128xf32>
    %mul3A_966 = arith.mulf %add3A_965, %mul3A_959 : vector<400x128xf32>
    %add3A_967 = arith.constant -85.2959899 : f32
    %add3A_968 = vector.broadcast %add3A_967 : f32 to vector<400x128xf32>
    %add3A_969 = arith.addf %mul3A_966, %add3A_968 : vector<400x128xf32>
    %mul3A_970 = arith.mulf %add3A_969, %mul3A_959 : vector<400x128xf32>
    %add3A_971 = arith.constant 64.9306182 : f32
    %add3A_972 = vector.broadcast %add3A_971 : f32 to vector<400x128xf32>
    %add3A_973 = arith.addf %mul3A_970, %add3A_972 : vector<400x128xf32>
    %mul3A_974 = arith.mulf %add3A_973, %mul3A_959 : vector<400x128xf32>
    %add3A_975 = arith.constant -19.7390347 : f32
    %add3A_976 = vector.broadcast %add3A_975 : f32 to vector<400x128xf32>
    %add3A_977 = arith.addf %mul3A_974, %add3A_976 : vector<400x128xf32>
    %mul3A_978 = arith.mulf %add3A_977, %mul3A_959 : vector<400x128xf32>
    %add3A_979 = arith.constant 0.999999523 : f32
    %add3A_980 = vector.broadcast %add3A_979 : f32 to vector<400x128xf32>
    %add3A_981 = arith.addf %mul3A_978, %add3A_980 : vector<400x128xf32>
    %mul3A_982 = arith.constant -12.3724947 : f32
    %mul3A_983 = vector.broadcast %mul3A_982 : f32 to vector<400x128xf32>
    %mul3A_984 = arith.mulf %mul3A_983, %mul3A_959 : vector<400x128xf32>
    %add3A_985 = arith.constant 41.269928 : f32
    %add3A_986 = vector.broadcast %add3A_985 : f32 to vector<400x128xf32>
    %add3A_987 = arith.addf %mul3A_984, %add3A_986 : vector<400x128xf32>
    %mul3A_988 = arith.mulf %add3A_987, %mul3A_959 : vector<400x128xf32>
    %add3A_989 = arith.constant -76.5949249 : f32
    %add3A_990 = vector.broadcast %add3A_989 : f32 to vector<400x128xf32>
    %add3A_991 = arith.addf %mul3A_988, %add3A_990 : vector<400x128xf32>
    %mul3A_992 = arith.mulf %add3A_991, %mul3A_959 : vector<400x128xf32>
    %add3A_993 = arith.constant 81.5976563 : f32
    %add3A_994 = vector.broadcast %add3A_993 : f32 to vector<400x128xf32>
    %add3A_995 = arith.addf %mul3A_992, %add3A_994 : vector<400x128xf32>
    %mul3A_996 = arith.mulf %add3A_995, %mul3A_959 : vector<400x128xf32>
    %add3A_997 = arith.constant -41.3414803 : f32
    %add3A_998 = vector.broadcast %add3A_997 : f32 to vector<400x128xf32>
    %add3A_999 = arith.addf %mul3A_996, %add3A_998 : vector<400x128xf32>
    %mul3A_1000 = arith.mulf %add3A_999, %mul3A_959 : vector<400x128xf32>
    %add3A_1001 = arith.constant 6.28318357 : f32
    %add3A_1002 = vector.broadcast %add3A_1001 : f32 to vector<400x128xf32>
    %add3A_1003 = arith.addf %mul3A_1000, %add3A_1002 : vector<400x128xf32>
    %mul3A_1004 = arith.mulf %add3A_1003, %sub3A_958 : vector<400x128xf32>
    %concatenate3A_1005 = tpu.concatenate %slice3A_948, %slice3A_949 in 1 : vector<400x1xf32>, vector<400x1xf32> -> vector<400x2xf32>
    %dot_general3A_1006 = arith.constant dense<0.000000e+00> : vector<400x256xf32>
    %dot_general3A_1007 = tpu.matmul %concatenate3A_1005, %get3A_40, %dot_general3A_1006 {dimension_numbers = #tpu.dot_dimension_numbers<[1], [0], [0], [1], [0, 0, 1, 1], [], []>, transpose_lhs_hint = false} : vector<400x2xf32>, vector<2x256xf32>, vector<400x256xf32> -> vector<400x256xf32>
    %convert_element_type3A_1008 = arith.truncf %add3A_981 : vector<400x128xf32> to vector<400x128xbf16>
    %convert_element_type3A_1009 = arith.truncf %get3A_34 : vector<128x256xf32> to vector<128x256xbf16>
    %dot_general3A_1010 = arith.constant dense<0.000000e+00> : vector<400x256xf32>
    %dot_general3A_1011 = tpu.matmul %convert_element_type3A_1008, %convert_element_type3A_1009, %dot_general3A_1010 {dimension_numbers = #tpu.dot_dimension_numbers<[1], [0], [0], [1], [0, 0, 1, 1], [], []>, transpose_lhs_hint = false} : vector<400x128xbf16>, vector<128x256xbf16>, vector<400x256xf32> -> vector<400x256xf32>
    %convert_element_type3A_1012 = arith.truncf %mul3A_1004 : vector<400x128xf32> to vector<400x128xbf16>
    %convert_element_type3A_1013 = arith.truncf %get3A_37 : vector<128x256xf32> to vector<128x256xbf16>
    %dot_general3A_1014 = arith.constant dense<0.000000e+00> : vector<400x256xf32>
    %dot_general3A_1015 = tpu.matmul %convert_element_type3A_1012, %convert_element_type3A_1013, %dot_general3A_1014 {dimension_numbers = #tpu.dot_dimension_numbers<[1], [0], [0], [1], [0, 0, 1, 1], [], []>, transpose_lhs_hint = false} : vector<400x128xbf16>, vector<128x256xbf16>, vector<400x256xf32> -> vector<400x256xf32>
    %add3A_1016 = arith.addf %dot_general3A_1011, %dot_general3A_1015 : vector<400x256xf32>
    %add3A_1017 = arith.addf %add3A_1016, %dot_general3A_1007 : vector<400x256xf32>
    %slice3A_1018 = vector.extract_strided_slice %sqrt3A {offsets = [0, 14], sizes = [400, 1], strides = [1, 1]} : vector<400x18xf32> to vector<400x1xf32>
    %slice3A_1019 = vector.extract_strided_slice %concatenate3A_25 {offsets = [0, 14], sizes = [400, 1], strides = [1, 1]} : vector<400x18xf32> to vector<400x1xf32>
    %mul3A_1020 = vector.broadcast %slice3A_1018 : vector<400x1xf32> to vector<400x64xf32>
    %mul3A_1021 = vector.broadcast %get3A_28 : vector<1x64xf32> to vector<400x64xf32>
    %mul3A_1022 = arith.mulf %mul3A_1020, %mul3A_1021 : vector<400x64xf32>
    %mul3A_1023 = vector.broadcast %slice3A_1019 : vector<400x1xf32> to vector<400x64xf32>
    %mul3A_1024 = vector.broadcast %get3A_31 : vector<1x64xf32> to vector<400x64xf32>
    %mul3A_1025 = arith.mulf %mul3A_1023, %mul3A_1024 : vector<400x64xf32>
    %concatenate3A_1026 = tpu.concatenate %mul3A_1022, %mul3A_1025 in 1 : vector<400x64xf32>, vector<400x64xf32> -> vector<400x128xf32>
    %round3A_1027 = math.roundeven %concatenate3A_1026 : vector<400x128xf32>
    %sub3A_1028 = arith.subf %concatenate3A_1026, %round3A_1027 : vector<400x128xf32>
    %mul3A_1029 = arith.mulf %sub3A_1028, %sub3A_1028 : vector<400x128xf32>
    %mul3A_1030 = arith.constant -21.2831936 : f32
    %mul3A_1031 = vector.broadcast %mul3A_1030 : f32 to vector<400x128xf32>
    %mul3A_1032 = arith.mulf %mul3A_1031, %mul3A_1029 : vector<400x128xf32>
    %add3A_1033 = arith.constant 58.9126472 : f32
    %add3A_1034 = vector.broadcast %add3A_1033 : f32 to vector<400x128xf32>
    %add3A_1035 = arith.addf %mul3A_1032, %add3A_1034 : vector<400x128xf32>
    %mul3A_1036 = arith.mulf %add3A_1035, %mul3A_1029 : vector<400x128xf32>
    %add3A_1037 = arith.constant -85.2959899 : f32
    %add3A_1038 = vector.broadcast %add3A_1037 : f32 to vector<400x128xf32>
    %add3A_1039 = arith.addf %mul3A_1036, %add3A_1038 : vector<400x128xf32>
    %mul3A_1040 = arith.mulf %add3A_1039, %mul3A_1029 : vector<400x128xf32>
    %add3A_1041 = arith.constant 64.9306182 : f32
    %add3A_1042 = vector.broadcast %add3A_1041 : f32 to vector<400x128xf32>
    %add3A_1043 = arith.addf %mul3A_1040, %add3A_1042 : vector<400x128xf32>
    %mul3A_1044 = arith.mulf %add3A_1043, %mul3A_1029 : vector<400x128xf32>
    %add3A_1045 = arith.constant -19.7390347 : f32
    %add3A_1046 = vector.broadcast %add3A_1045 : f32 to vector<400x128xf32>
    %add3A_1047 = arith.addf %mul3A_1044, %add3A_1046 : vector<400x128xf32>
    %mul3A_1048 = arith.mulf %add3A_1047, %mul3A_1029 : vector<400x128xf32>
    %add3A_1049 = arith.constant 0.999999523 : f32
    %add3A_1050 = vector.broadcast %add3A_1049 : f32 to vector<400x128xf32>
    %add3A_1051 = arith.addf %mul3A_1048, %add3A_1050 : vector<400x128xf32>
    %mul3A_1052 = arith.constant -12.3724947 : f32
    %mul3A_1053 = vector.broadcast %mul3A_1052 : f32 to vector<400x128xf32>
    %mul3A_1054 = arith.mulf %mul3A_1053, %mul3A_1029 : vector<400x128xf32>
    %add3A_1055 = arith.constant 41.269928 : f32
    %add3A_1056 = vector.broadcast %add3A_1055 : f32 to vector<400x128xf32>
    %add3A_1057 = arith.addf %mul3A_1054, %add3A_1056 : vector<400x128xf32>
    %mul3A_1058 = arith.mulf %add3A_1057, %mul3A_1029 : vector<400x128xf32>
    %add3A_1059 = arith.constant -76.5949249 : f32
    %add3A_1060 = vector.broadcast %add3A_1059 : f32 to vector<400x128xf32>
    %add3A_1061 = arith.addf %mul3A_1058, %add3A_1060 : vector<400x128xf32>
    %mul3A_1062 = arith.mulf %add3A_1061, %mul3A_1029 : vector<400x128xf32>
    %add3A_1063 = arith.constant 81.5976563 : f32
    %add3A_1064 = vector.broadcast %add3A_1063 : f32 to vector<400x128xf32>
    %add3A_1065 = arith.addf %mul3A_1062, %add3A_1064 : vector<400x128xf32>
    %mul3A_1066 = arith.mulf %add3A_1065, %mul3A_1029 : vector<400x128xf32>
    %add3A_1067 = arith.constant -41.3414803 : f32
    %add3A_1068 = vector.broadcast %add3A_1067 : f32 to vector<400x128xf32>
    %add3A_1069 = arith.addf %mul3A_1066, %add3A_1068 : vector<400x128xf32>
    %mul3A_1070 = arith.mulf %add3A_1069, %mul3A_1029 : vector<400x128xf32>
    %add3A_1071 = arith.constant 6.28318357 : f32
    %add3A_1072 = vector.broadcast %add3A_1071 : f32 to vector<400x128xf32>
    %add3A_1073 = arith.addf %mul3A_1070, %add3A_1072 : vector<400x128xf32>
    %mul3A_1074 = arith.mulf %add3A_1073, %sub3A_1028 : vector<400x128xf32>
    %concatenate3A_1075 = tpu.concatenate %slice3A_1018, %slice3A_1019 in 1 : vector<400x1xf32>, vector<400x1xf32> -> vector<400x2xf32>
    %dot_general3A_1076 = arith.constant dense<0.000000e+00> : vector<400x256xf32>
    %dot_general3A_1077 = tpu.matmul %concatenate3A_1075, %get3A_40, %dot_general3A_1076 {dimension_numbers = #tpu.dot_dimension_numbers<[1], [0], [0], [1], [0, 0, 1, 1], [], []>, transpose_lhs_hint = false} : vector<400x2xf32>, vector<2x256xf32>, vector<400x256xf32> -> vector<400x256xf32>
    %convert_element_type3A_1078 = arith.truncf %add3A_1051 : vector<400x128xf32> to vector<400x128xbf16>
    %convert_element_type3A_1079 = arith.truncf %get3A_34 : vector<128x256xf32> to vector<128x256xbf16>
    %dot_general3A_1080 = arith.constant dense<0.000000e+00> : vector<400x256xf32>
    %dot_general3A_1081 = tpu.matmul %convert_element_type3A_1078, %convert_element_type3A_1079, %dot_general3A_1080 {dimension_numbers = #tpu.dot_dimension_numbers<[1], [0], [0], [1], [0, 0, 1, 1], [], []>, transpose_lhs_hint = false} : vector<400x128xbf16>, vector<128x256xbf16>, vector<400x256xf32> -> vector<400x256xf32>
    %convert_element_type3A_1082 = arith.truncf %mul3A_1074 : vector<400x128xf32> to vector<400x128xbf16>
    %convert_element_type3A_1083 = arith.truncf %get3A_37 : vector<128x256xf32> to vector<128x256xbf16>
    %dot_general3A_1084 = arith.constant dense<0.000000e+00> : vector<400x256xf32>
    %dot_general3A_1085 = tpu.matmul %convert_element_type3A_1082, %convert_element_type3A_1083, %dot_general3A_1084 {dimension_numbers = #tpu.dot_dimension_numbers<[1], [0], [0], [1], [0, 0, 1, 1], [], []>, transpose_lhs_hint = false} : vector<400x128xbf16>, vector<128x256xbf16>, vector<400x256xf32> -> vector<400x256xf32>
    %add3A_1086 = arith.addf %dot_general3A_1081, %dot_general3A_1085 : vector<400x256xf32>
    %add3A_1087 = arith.addf %add3A_1086, %dot_general3A_1077 : vector<400x256xf32>
    %slice3A_1088 = vector.extract_strided_slice %sqrt3A {offsets = [0, 15], sizes = [400, 1], strides = [1, 1]} : vector<400x18xf32> to vector<400x1xf32>
    %slice3A_1089 = vector.extract_strided_slice %concatenate3A_25 {offsets = [0, 15], sizes = [400, 1], strides = [1, 1]} : vector<400x18xf32> to vector<400x1xf32>
    %mul3A_1090 = vector.broadcast %slice3A_1088 : vector<400x1xf32> to vector<400x64xf32>
    %mul3A_1091 = vector.broadcast %get3A_28 : vector<1x64xf32> to vector<400x64xf32>
    %mul3A_1092 = arith.mulf %mul3A_1090, %mul3A_1091 : vector<400x64xf32>
    %mul3A_1093 = vector.broadcast %slice3A_1089 : vector<400x1xf32> to vector<400x64xf32>
    %mul3A_1094 = vector.broadcast %get3A_31 : vector<1x64xf32> to vector<400x64xf32>
    %mul3A_1095 = arith.mulf %mul3A_1093, %mul3A_1094 : vector<400x64xf32>
    %concatenate3A_1096 = tpu.concatenate %mul3A_1092, %mul3A_1095 in 1 : vector<400x64xf32>, vector<400x64xf32> -> vector<400x128xf32>
    %round3A_1097 = math.roundeven %concatenate3A_1096 : vector<400x128xf32>
    %sub3A_1098 = arith.subf %concatenate3A_1096, %round3A_1097 : vector<400x128xf32>
    %mul3A_1099 = arith.mulf %sub3A_1098, %sub3A_1098 : vector<400x128xf32>
    %mul3A_1100 = arith.constant -21.2831936 : f32
    %mul3A_1101 = vector.broadcast %mul3A_1100 : f32 to vector<400x128xf32>
    %mul3A_1102 = arith.mulf %mul3A_1101, %mul3A_1099 : vector<400x128xf32>
    %add3A_1103 = arith.constant 58.9126472 : f32
    %add3A_1104 = vector.broadcast %add3A_1103 : f32 to vector<400x128xf32>
    %add3A_1105 = arith.addf %mul3A_1102, %add3A_1104 : vector<400x128xf32>
    %mul3A_1106 = arith.mulf %add3A_1105, %mul3A_1099 : vector<400x128xf32>
    %add3A_1107 = arith.constant -85.2959899 : f32
    %add3A_1108 = vector.broadcast %add3A_1107 : f32 to vector<400x128xf32>
    %add3A_1109 = arith.addf %mul3A_1106, %add3A_1108 : vector<400x128xf32>
    %mul3A_1110 = arith.mulf %add3A_1109, %mul3A_1099 : vector<400x128xf32>
    %add3A_1111 = arith.constant 64.9306182 : f32
    %add3A_1112 = vector.broadcast %add3A_1111 : f32 to vector<400x128xf32>
    %add3A_1113 = arith.addf %mul3A_1110, %add3A_1112 : vector<400x128xf32>
    %mul3A_1114 = arith.mulf %add3A_1113, %mul3A_1099 : vector<400x128xf32>
    %add3A_1115 = arith.constant -19.7390347 : f32
    %add3A_1116 = vector.broadcast %add3A_1115 : f32 to vector<400x128xf32>
    %add3A_1117 = arith.addf %mul3A_1114, %add3A_1116 : vector<400x128xf32>
    %mul3A_1118 = arith.mulf %add3A_1117, %mul3A_1099 : vector<400x128xf32>
    %add3A_1119 = arith.constant 0.999999523 : f32
    %add3A_1120 = vector.broadcast %add3A_1119 : f32 to vector<400x128xf32>
    %add3A_1121 = arith.addf %mul3A_1118, %add3A_1120 : vector<400x128xf32>
    %mul3A_1122 = arith.constant -12.3724947 : f32
    %mul3A_1123 = vector.broadcast %mul3A_1122 : f32 to vector<400x128xf32>
    %mul3A_1124 = arith.mulf %mul3A_1123, %mul3A_1099 : vector<400x128xf32>
    %add3A_1125 = arith.constant 41.269928 : f32
    %add3A_1126 = vector.broadcast %add3A_1125 : f32 to vector<400x128xf32>
    %add3A_1127 = arith.addf %mul3A_1124, %add3A_1126 : vector<400x128xf32>
    %mul3A_1128 = arith.mulf %add3A_1127, %mul3A_1099 : vector<400x128xf32>
    %add3A_1129 = arith.constant -76.5949249 : f32
    %add3A_1130 = vector.broadcast %add3A_1129 : f32 to vector<400x128xf32>
    %add3A_1131 = arith.addf %mul3A_1128, %add3A_1130 : vector<400x128xf32>
    %mul3A_1132 = arith.mulf %add3A_1131, %mul3A_1099 : vector<400x128xf32>
    %add3A_1133 = arith.constant 81.5976563 : f32
    %add3A_1134 = vector.broadcast %add3A_1133 : f32 to vector<400x128xf32>
    %add3A_1135 = arith.addf %mul3A_1132, %add3A_1134 : vector<400x128xf32>
    %mul3A_1136 = arith.mulf %add3A_1135, %mul3A_1099 : vector<400x128xf32>
    %add3A_1137 = arith.constant -41.3414803 : f32
    %add3A_1138 = vector.broadcast %add3A_1137 : f32 to vector<400x128xf32>
    %add3A_1139 = arith.addf %mul3A_1136, %add3A_1138 : vector<400x128xf32>
    %mul3A_1140 = arith.mulf %add3A_1139, %mul3A_1099 : vector<400x128xf32>
    %add3A_1141 = arith.constant 6.28318357 : f32
    %add3A_1142 = vector.broadcast %add3A_1141 : f32 to vector<400x128xf32>
    %add3A_1143 = arith.addf %mul3A_1140, %add3A_1142 : vector<400x128xf32>
    %mul3A_1144 = arith.mulf %add3A_1143, %sub3A_1098 : vector<400x128xf32>
    %concatenate3A_1145 = tpu.concatenate %slice3A_1088, %slice3A_1089 in 1 : vector<400x1xf32>, vector<400x1xf32> -> vector<400x2xf32>
    %dot_general3A_1146 = arith.constant dense<0.000000e+00> : vector<400x256xf32>
    %dot_general3A_1147 = tpu.matmul %concatenate3A_1145, %get3A_40, %dot_general3A_1146 {dimension_numbers = #tpu.dot_dimension_numbers<[1], [0], [0], [1], [0, 0, 1, 1], [], []>, transpose_lhs_hint = false} : vector<400x2xf32>, vector<2x256xf32>, vector<400x256xf32> -> vector<400x256xf32>
    %convert_element_type3A_1148 = arith.truncf %add3A_1121 : vector<400x128xf32> to vector<400x128xbf16>
    %convert_element_type3A_1149 = arith.truncf %get3A_34 : vector<128x256xf32> to vector<128x256xbf16>
    %dot_general3A_1150 = arith.constant dense<0.000000e+00> : vector<400x256xf32>
    %dot_general3A_1151 = tpu.matmul %convert_element_type3A_1148, %convert_element_type3A_1149, %dot_general3A_1150 {dimension_numbers = #tpu.dot_dimension_numbers<[1], [0], [0], [1], [0, 0, 1, 1], [], []>, transpose_lhs_hint = false} : vector<400x128xbf16>, vector<128x256xbf16>, vector<400x256xf32> -> vector<400x256xf32>
    %convert_element_type3A_1152 = arith.truncf %mul3A_1144 : vector<400x128xf32> to vector<400x128xbf16>
    %convert_element_type3A_1153 = arith.truncf %get3A_37 : vector<128x256xf32> to vector<128x256xbf16>
    %dot_general3A_1154 = arith.constant dense<0.000000e+00> : vector<400x256xf32>
    %dot_general3A_1155 = tpu.matmul %convert_element_type3A_1152, %convert_element_type3A_1153, %dot_general3A_1154 {dimension_numbers = #tpu.dot_dimension_numbers<[1], [0], [0], [1], [0, 0, 1, 1], [], []>, transpose_lhs_hint = false} : vector<400x128xbf16>, vector<128x256xbf16>, vector<400x256xf32> -> vector<400x256xf32>
    %add3A_1156 = arith.addf %dot_general3A_1151, %dot_general3A_1155 : vector<400x256xf32>
    %add3A_1157 = arith.addf %add3A_1156, %dot_general3A_1147 : vector<400x256xf32>
    %slice3A_1158 = vector.extract_strided_slice %sqrt3A {offsets = [0, 16], sizes = [400, 1], strides = [1, 1]} : vector<400x18xf32> to vector<400x1xf32>
    %slice3A_1159 = vector.extract_strided_slice %concatenate3A_25 {offsets = [0, 16], sizes = [400, 1], strides = [1, 1]} : vector<400x18xf32> to vector<400x1xf32>
    %mul3A_1160 = vector.broadcast %slice3A_1158 : vector<400x1xf32> to vector<400x64xf32>
    %mul3A_1161 = vector.broadcast %get3A_28 : vector<1x64xf32> to vector<400x64xf32>
    %mul3A_1162 = arith.mulf %mul3A_1160, %mul3A_1161 : vector<400x64xf32>
    %mul3A_1163 = vector.broadcast %slice3A_1159 : vector<400x1xf32> to vector<400x64xf32>
    %mul3A_1164 = vector.broadcast %get3A_31 : vector<1x64xf32> to vector<400x64xf32>
    %mul3A_1165 = arith.mulf %mul3A_1163, %mul3A_1164 : vector<400x64xf32>
    %concatenate3A_1166 = tpu.concatenate %mul3A_1162, %mul3A_1165 in 1 : vector<400x64xf32>, vector<400x64xf32> -> vector<400x128xf32>
    %round3A_1167 = math.roundeven %concatenate3A_1166 : vector<400x128xf32>
    %sub3A_1168 = arith.subf %concatenate3A_1166, %round3A_1167 : vector<400x128xf32>
    %mul3A_1169 = arith.mulf %sub3A_1168, %sub3A_1168 : vector<400x128xf32>
    %mul3A_1170 = arith.constant -21.2831936 : f32
    %mul3A_1171 = vector.broadcast %mul3A_1170 : f32 to vector<400x128xf32>
    %mul3A_1172 = arith.mulf %mul3A_1171, %mul3A_1169 : vector<400x128xf32>
    %add3A_1173 = arith.constant 58.9126472 : f32
    %add3A_1174 = vector.broadcast %add3A_1173 : f32 to vector<400x128xf32>
    %add3A_1175 = arith.addf %mul3A_1172, %add3A_1174 : vector<400x128xf32>
    %mul3A_1176 = arith.mulf %add3A_1175, %mul3A_1169 : vector<400x128xf32>
    %add3A_1177 = arith.constant -85.2959899 : f32
    %add3A_1178 = vector.broadcast %add3A_1177 : f32 to vector<400x128xf32>
    %add3A_1179 = arith.addf %mul3A_1176, %add3A_1178 : vector<400x128xf32>
    %mul3A_1180 = arith.mulf %add3A_1179, %mul3A_1169 : vector<400x128xf32>
    %add3A_1181 = arith.constant 64.9306182 : f32
    %add3A_1182 = vector.broadcast %add3A_1181 : f32 to vector<400x128xf32>
    %add3A_1183 = arith.addf %mul3A_1180, %add3A_1182 : vector<400x128xf32>
    %mul3A_1184 = arith.mulf %add3A_1183, %mul3A_1169 : vector<400x128xf32>
    %add3A_1185 = arith.constant -19.7390347 : f32
    %add3A_1186 = vector.broadcast %add3A_1185 : f32 to vector<400x128xf32>
    %add3A_1187 = arith.addf %mul3A_1184, %add3A_1186 : vector<400x128xf32>
    %mul3A_1188 = arith.mulf %add3A_1187, %mul3A_1169 : vector<400x128xf32>
    %add3A_1189 = arith.constant 0.999999523 : f32
    %add3A_1190 = vector.broadcast %add3A_1189 : f32 to vector<400x128xf32>
    %add3A_1191 = arith.addf %mul3A_1188, %add3A_1190 : vector<400x128xf32>
    %mul3A_1192 = arith.constant -12.3724947 : f32
    %mul3A_1193 = vector.broadcast %mul3A_1192 : f32 to vector<400x128xf32>
    %mul3A_1194 = arith.mulf %mul3A_1193, %mul3A_1169 : vector<400x128xf32>
    %add3A_1195 = arith.constant 41.269928 : f32
    %add3A_1196 = vector.broadcast %add3A_1195 : f32 to vector<400x128xf32>
    %add3A_1197 = arith.addf %mul3A_1194, %add3A_1196 : vector<400x128xf32>
    %mul3A_1198 = arith.mulf %add3A_1197, %mul3A_1169 : vector<400x128xf32>
    %add3A_1199 = arith.constant -76.5949249 : f32
    %add3A_1200 = vector.broadcast %add3A_1199 : f32 to vector<400x128xf32>
    %add3A_1201 = arith.addf %mul3A_1198, %add3A_1200 : vector<400x128xf32>
    %mul3A_1202 = arith.mulf %add3A_1201, %mul3A_1169 : vector<400x128xf32>
    %add3A_1203 = arith.constant 81.5976563 : f32
    %add3A_1204 = vector.broadcast %add3A_1203 : f32 to vector<400x128xf32>
    %add3A_1205 = arith.addf %mul3A_1202, %add3A_1204 : vector<400x128xf32>
    %mul3A_1206 = arith.mulf %add3A_1205, %mul3A_1169 : vector<400x128xf32>
    %add3A_1207 = arith.constant -41.3414803 : f32
    %add3A_1208 = vector.broadcast %add3A_1207 : f32 to vector<400x128xf32>
    %add3A_1209 = arith.addf %mul3A_1206, %add3A_1208 : vector<400x128xf32>
    %mul3A_1210 = arith.mulf %add3A_1209, %mul3A_1169 : vector<400x128xf32>
    %add3A_1211 = arith.constant 6.28318357 : f32
    %add3A_1212 = vector.broadcast %add3A_1211 : f32 to vector<400x128xf32>
    %add3A_1213 = arith.addf %mul3A_1210, %add3A_1212 : vector<400x128xf32>
    %mul3A_1214 = arith.mulf %add3A_1213, %sub3A_1168 : vector<400x128xf32>
    %concatenate3A_1215 = tpu.concatenate %slice3A_1158, %slice3A_1159 in 1 : vector<400x1xf32>, vector<400x1xf32> -> vector<400x2xf32>
    %dot_general3A_1216 = arith.constant dense<0.000000e+00> : vector<400x256xf32>
    %dot_general3A_1217 = tpu.matmul %concatenate3A_1215, %get3A_40, %dot_general3A_1216 {dimension_numbers = #tpu.dot_dimension_numbers<[1], [0], [0], [1], [0, 0, 1, 1], [], []>, transpose_lhs_hint = false} : vector<400x2xf32>, vector<2x256xf32>, vector<400x256xf32> -> vector<400x256xf32>
    %convert_element_type3A_1218 = arith.truncf %add3A_1191 : vector<400x128xf32> to vector<400x128xbf16>
    %convert_element_type3A_1219 = arith.truncf %get3A_34 : vector<128x256xf32> to vector<128x256xbf16>
    %dot_general3A_1220 = arith.constant dense<0.000000e+00> : vector<400x256xf32>
    %dot_general3A_1221 = tpu.matmul %convert_element_type3A_1218, %convert_element_type3A_1219, %dot_general3A_1220 {dimension_numbers = #tpu.dot_dimension_numbers<[1], [0], [0], [1], [0, 0, 1, 1], [], []>, transpose_lhs_hint = false} : vector<400x128xbf16>, vector<128x256xbf16>, vector<400x256xf32> -> vector<400x256xf32>
    %convert_element_type3A_1222 = arith.truncf %mul3A_1214 : vector<400x128xf32> to vector<400x128xbf16>
    %convert_element_type3A_1223 = arith.truncf %get3A_37 : vector<128x256xf32> to vector<128x256xbf16>
    %dot_general3A_1224 = arith.constant dense<0.000000e+00> : vector<400x256xf32>
    %dot_general3A_1225 = tpu.matmul %convert_element_type3A_1222, %convert_element_type3A_1223, %dot_general3A_1224 {dimension_numbers = #tpu.dot_dimension_numbers<[1], [0], [0], [1], [0, 0, 1, 1], [], []>, transpose_lhs_hint = false} : vector<400x128xbf16>, vector<128x256xbf16>, vector<400x256xf32> -> vector<400x256xf32>
    %add3A_1226 = arith.addf %dot_general3A_1221, %dot_general3A_1225 : vector<400x256xf32>
    %add3A_1227 = arith.addf %add3A_1226, %dot_general3A_1217 : vector<400x256xf32>
    %slice3A_1228 = vector.extract_strided_slice %sqrt3A {offsets = [0, 17], sizes = [400, 1], strides = [1, 1]} : vector<400x18xf32> to vector<400x1xf32>
    %slice3A_1229 = vector.extract_strided_slice %concatenate3A_25 {offsets = [0, 17], sizes = [400, 1], strides = [1, 1]} : vector<400x18xf32> to vector<400x1xf32>
    %mul3A_1230 = vector.broadcast %slice3A_1228 : vector<400x1xf32> to vector<400x64xf32>
    %mul3A_1231 = vector.broadcast %get3A_28 : vector<1x64xf32> to vector<400x64xf32>
    %mul3A_1232 = arith.mulf %mul3A_1230, %mul3A_1231 : vector<400x64xf32>
    %mul3A_1233 = vector.broadcast %slice3A_1229 : vector<400x1xf32> to vector<400x64xf32>
    %mul3A_1234 = vector.broadcast %get3A_31 : vector<1x64xf32> to vector<400x64xf32>
    %mul3A_1235 = arith.mulf %mul3A_1233, %mul3A_1234 : vector<400x64xf32>
    %concatenate3A_1236 = tpu.concatenate %mul3A_1232, %mul3A_1235 in 1 : vector<400x64xf32>, vector<400x64xf32> -> vector<400x128xf32>
    %round3A_1237 = math.roundeven %concatenate3A_1236 : vector<400x128xf32>
    %sub3A_1238 = arith.subf %concatenate3A_1236, %round3A_1237 : vector<400x128xf32>
    %mul3A_1239 = arith.mulf %sub3A_1238, %sub3A_1238 : vector<400x128xf32>
    %mul3A_1240 = arith.constant -21.2831936 : f32
    %mul3A_1241 = vector.broadcast %mul3A_1240 : f32 to vector<400x128xf32>
    %mul3A_1242 = arith.mulf %mul3A_1241, %mul3A_1239 : vector<400x128xf32>
    %add3A_1243 = arith.constant 58.9126472 : f32
    %add3A_1244 = vector.broadcast %add3A_1243 : f32 to vector<400x128xf32>
    %add3A_1245 = arith.addf %mul3A_1242, %add3A_1244 : vector<400x128xf32>
    %mul3A_1246 = arith.mulf %add3A_1245, %mul3A_1239 : vector<400x128xf32>
    %add3A_1247 = arith.constant -85.2959899 : f32
    %add3A_1248 = vector.broadcast %add3A_1247 : f32 to vector<400x128xf32>
    %add3A_1249 = arith.addf %mul3A_1246, %add3A_1248 : vector<400x128xf32>
    %mul3A_1250 = arith.mulf %add3A_1249, %mul3A_1239 : vector<400x128xf32>
    %add3A_1251 = arith.constant 64.9306182 : f32
    %add3A_1252 = vector.broadcast %add3A_1251 : f32 to vector<400x128xf32>
    %add3A_1253 = arith.addf %mul3A_1250, %add3A_1252 : vector<400x128xf32>
    %mul3A_1254 = arith.mulf %add3A_1253, %mul3A_1239 : vector<400x128xf32>
    %add3A_1255 = arith.constant -19.7390347 : f32
    %add3A_1256 = vector.broadcast %add3A_1255 : f32 to vector<400x128xf32>
    %add3A_1257 = arith.addf %mul3A_1254, %add3A_1256 : vector<400x128xf32>
    %mul3A_1258 = arith.mulf %add3A_1257, %mul3A_1239 : vector<400x128xf32>
    %add3A_1259 = arith.constant 0.999999523 : f32
    %add3A_1260 = vector.broadcast %add3A_1259 : f32 to vector<400x128xf32>
    %add3A_1261 = arith.addf %mul3A_1258, %add3A_1260 : vector<400x128xf32>
    %mul3A_1262 = arith.constant -12.3724947 : f32
    %mul3A_1263 = vector.broadcast %mul3A_1262 : f32 to vector<400x128xf32>
    %mul3A_1264 = arith.mulf %mul3A_1263, %mul3A_1239 : vector<400x128xf32>
    %add3A_1265 = arith.constant 41.269928 : f32
    %add3A_1266 = vector.broadcast %add3A_1265 : f32 to vector<400x128xf32>
    %add3A_1267 = arith.addf %mul3A_1264, %add3A_1266 : vector<400x128xf32>
    %mul3A_1268 = arith.mulf %add3A_1267, %mul3A_1239 : vector<400x128xf32>
    %add3A_1269 = arith.constant -76.5949249 : f32
    %add3A_1270 = vector.broadcast %add3A_1269 : f32 to vector<400x128xf32>
    %add3A_1271 = arith.addf %mul3A_1268, %add3A_1270 : vector<400x128xf32>
    %mul3A_1272 = arith.mulf %add3A_1271, %mul3A_1239 : vector<400x128xf32>
    %add3A_1273 = arith.constant 81.5976563 : f32
    %add3A_1274 = vector.broadcast %add3A_1273 : f32 to vector<400x128xf32>
    %add3A_1275 = arith.addf %mul3A_1272, %add3A_1274 : vector<400x128xf32>
    %mul3A_1276 = arith.mulf %add3A_1275, %mul3A_1239 : vector<400x128xf32>
    %add3A_1277 = arith.constant -41.3414803 : f32
    %add3A_1278 = vector.broadcast %add3A_1277 : f32 to vector<400x128xf32>
    %add3A_1279 = arith.addf %mul3A_1276, %add3A_1278 : vector<400x128xf32>
    %mul3A_1280 = arith.mulf %add3A_1279, %mul3A_1239 : vector<400x128xf32>
    %add3A_1281 = arith.constant 6.28318357 : f32
    %add3A_1282 = vector.broadcast %add3A_1281 : f32 to vector<400x128xf32>
    %add3A_1283 = arith.addf %mul3A_1280, %add3A_1282 : vector<400x128xf32>
    %mul3A_1284 = arith.mulf %add3A_1283, %sub3A_1238 : vector<400x128xf32>
    %concatenate3A_1285 = tpu.concatenate %slice3A_1228, %slice3A_1229 in 1 : vector<400x1xf32>, vector<400x1xf32> -> vector<400x2xf32>
    %dot_general3A_1286 = arith.constant dense<0.000000e+00> : vector<400x256xf32>
    %dot_general3A_1287 = tpu.matmul %concatenate3A_1285, %get3A_40, %dot_general3A_1286 {dimension_numbers = #tpu.dot_dimension_numbers<[1], [0], [0], [1], [0, 0, 1, 1], [], []>, transpose_lhs_hint = false} : vector<400x2xf32>, vector<2x256xf32>, vector<400x256xf32> -> vector<400x256xf32>
    %convert_element_type3A_1288 = arith.truncf %add3A_1261 : vector<400x128xf32> to vector<400x128xbf16>
    %convert_element_type3A_1289 = arith.truncf %get3A_34 : vector<128x256xf32> to vector<128x256xbf16>
    %dot_general3A_1290 = arith.constant dense<0.000000e+00> : vector<400x256xf32>
    %dot_general3A_1291 = tpu.matmul %convert_element_type3A_1288, %convert_element_type3A_1289, %dot_general3A_1290 {dimension_numbers = #tpu.dot_dimension_numbers<[1], [0], [0], [1], [0, 0, 1, 1], [], []>, transpose_lhs_hint = false} : vector<400x128xbf16>, vector<128x256xbf16>, vector<400x256xf32> -> vector<400x256xf32>
    %convert_element_type3A_1292 = arith.truncf %mul3A_1284 : vector<400x128xf32> to vector<400x128xbf16>
    %convert_element_type3A_1293 = arith.truncf %get3A_37 : vector<128x256xf32> to vector<128x256xbf16>
    %dot_general3A_1294 = arith.constant dense<0.000000e+00> : vector<400x256xf32>
    %dot_general3A_1295 = tpu.matmul %convert_element_type3A_1292, %convert_element_type3A_1293, %dot_general3A_1294 {dimension_numbers = #tpu.dot_dimension_numbers<[1], [0], [0], [1], [0, 0, 1, 1], [], []>, transpose_lhs_hint = false} : vector<400x128xbf16>, vector<128x256xbf16>, vector<400x256xf32> -> vector<400x256xf32>
    %add3A_1296 = arith.addf %dot_general3A_1291, %dot_general3A_1295 : vector<400x256xf32>
    %add3A_1297 = arith.addf %add3A_1296, %dot_general3A_1287 : vector<400x256xf32>
    %concatenate3A_1298 = tpu.concatenate %add3A_107, %add3A_177, %add3A_247, %add3A_317, %add3A_387, %add3A_457, %add3A_527, %add3A_597, %add3A_667, %add3A_737, %add3A_807, %add3A_877, %add3A_947, %add3A_1017, %add3A_1087, %add3A_1157, %add3A_1227, %add3A_1297 in 0 : vector<400x256xf32>, vector<400x256xf32>, vector<400x256xf32>, vector<400x256xf32>, vector<400x256xf32>, vector<400x256xf32>, vector<400x256xf32>, vector<400x256xf32>, vector<400x256xf32>, vector<400x256xf32>, vector<400x256xf32>, vector<400x256xf32>, vector<400x256xf32>, vector<400x256xf32>, vector<400x256xf32>, vector<400x256xf32>, vector<400x256xf32>, vector<400x256xf32> -> vector<7200x256xf32>
    %get3A_1299 = arith.constant 0 : index
    %get3A_1300 = arith.constant 0 : index
    %get3A_1301 = vector.load %arg13[%get3A_1299, %get3A_1300] : memref<1x256xf32, #tpu.memory_space<vmem>>, vector<1x256xf32>
    %add3A_1302 = vector.broadcast %get3A_1301 : vector<1x256xf32> to vector<7200x256xf32>
    %add3A_1303 = arith.addf %concatenate3A_1298, %add3A_1302 : vector<7200x256xf32>
    %slice3A_1304 = vector.extract_strided_slice %add3A_1303 {offsets = [0, 0], sizes = [7200, 128], strides = [1, 1]} : vector<7200x256xf32> to vector<7200x128xf32>
    %reduce_sum3A = arith.constant dense<0.000000e+00> : vector<7200xf32>
    %reduce_sum3A_1305 = vector.multi_reduction <add>, %slice3A_1304, %reduce_sum3A [1] : vector<7200x128xf32> to vector<7200xf32>
    %broadcast_in_dim3A_1306 = vector.shape_cast %reduce_sum3A_1305 : vector<7200xf32> to vector<7200x1xf32>
    %div3A = arith.constant 1.280000e+02 : f32
    %div3A_1307 = vector.broadcast %div3A : f32 to vector<7200x1xf32>
    %div3A_1308 = arith.divf %broadcast_in_dim3A_1306, %div3A_1307 : vector<7200x1xf32>
    %jit3A = arith.constant 0 : i32
    %reduce_sum3A_1309 = arith.constant dense<0.000000e+00> : vector<7200xf32>
    %reduce_sum3A_1310 = vector.multi_reduction <add>, %slice3A_1304, %reduce_sum3A_1309 [1] : vector<7200x128xf32> to vector<7200xf32>
    %broadcast_in_dim3A_1311 = vector.shape_cast %reduce_sum3A_1310 : vector<7200xf32> to vector<7200x1xf32>
    %div3A_1312 = arith.constant 1.280000e+02 : f32
    %div3A_1313 = vector.broadcast %div3A_1312 : f32 to vector<7200x1xf32>
    %div3A_1314 = arith.divf %broadcast_in_dim3A_1311, %div3A_1313 : vector<7200x1xf32>
    %sub3A_1315 = vector.broadcast %div3A_1314 : vector<7200x1xf32> to vector<7200x128xf32>
    %sub3A_1316 = arith.subf %slice3A_1304, %sub3A_1315 : vector<7200x128xf32>
    %square3A = arith.mulf %sub3A_1316, %sub3A_1316 : vector<7200x128xf32>
    %convert_element_type3A_1317 = arith.sitofp %jit3A : i32 to f32
    %sub3A_1318 = arith.constant 1.280000e+02 : f32
    %sub3A_1319 = arith.subf %sub3A_1318, %convert_element_type3A_1317 : f32
    %reduce_sum3A_1320 = arith.constant dense<0.000000e+00> : vector<7200xf32>
    %reduce_sum3A_1321 = vector.multi_reduction <add>, %square3A, %reduce_sum3A_1320 [1] : vector<7200x128xf32> to vector<7200xf32>
    %broadcast_in_dim3A_1322 = vector.shape_cast %reduce_sum3A_1321 : vector<7200xf32> to vector<7200x1xf32>
    %div3A_1323 = vector.broadcast %sub3A_1319 : f32 to vector<7200x1xf32>
    %div3A_1324 = arith.divf %broadcast_in_dim3A_1322, %div3A_1323 : vector<7200x1xf32>
    %gt3A = arith.constant 0.000000e+00 : f32
    %gt3A_1325 = arith.cmpf ogt, %sub3A_1319, %gt3A : f32
    %jit3A_1326 = arith.constant 0x7FC00000 : f32
    %broadcast_in_dim3A_1327 = vector.broadcast %jit3A_1326 : f32 to vector<7200x1xf32>
    %select_n3A = arith.select %gt3A_1325, %div3A_1324, %broadcast_in_dim3A_1327 : vector<7200x1xf32>
    %sub3A_1328 = vector.broadcast %div3A_1308 : vector<7200x1xf32> to vector<7200x128xf32>
    %sub3A_1329 = arith.subf %slice3A_1304, %sub3A_1328 : vector<7200x128xf32>
    %add3A_1330 = arith.constant 9.99999974E-6 : f32
    %add3A_1331 = vector.broadcast %add3A_1330 : f32 to vector<7200x1xf32>
    %add3A_1332 = arith.addf %select_n3A, %add3A_1331 : vector<7200x1xf32>
    %sqrt3A_1333 = math.sqrt %add3A_1332 : vector<7200x1xf32>
    %div3A_1334 = vector.broadcast %sqrt3A_1333 : vector<7200x1xf32> to vector<7200x128xf32>
    %div3A_1335 = arith.divf %sub3A_1329, %div3A_1334 : vector<7200x128xf32>
    %max3A = arith.constant 0.000000e+00 : f32
    %max3A_1336 = vector.broadcast %max3A : f32 to vector<7200x128xf32>
    %max3A_1337 = arith.maximumf %div3A_1335, %max3A_1336 : vector<7200x128xf32>
    %slice3A_1338 = vector.extract_strided_slice %add3A_1303 {offsets = [0, 128], sizes = [7200, 128], strides = [1, 1]} : vector<7200x256xf32> to vector<7200x128xf32>
    %reduce_sum3A_1339 = arith.constant dense<0.000000e+00> : vector<7200xf32>
    %reduce_sum3A_1340 = vector.multi_reduction <add>, %slice3A_1338, %reduce_sum3A_1339 [1] : vector<7200x128xf32> to vector<7200xf32>
    %broadcast_in_dim3A_1341 = vector.shape_cast %reduce_sum3A_1340 : vector<7200xf32> to vector<7200x1xf32>
    %div3A_1342 = arith.constant 1.280000e+02 : f32
    %div3A_1343 = vector.broadcast %div3A_1342 : f32 to vector<7200x1xf32>
    %div3A_1344 = arith.divf %broadcast_in_dim3A_1341, %div3A_1343 : vector<7200x1xf32>
    %jit3A_1345 = arith.constant 0 : i32
    %reduce_sum3A_1346 = arith.constant dense<0.000000e+00> : vector<7200xf32>
    %reduce_sum3A_1347 = vector.multi_reduction <add>, %slice3A_1338, %reduce_sum3A_1346 [1] : vector<7200x128xf32> to vector<7200xf32>
    %broadcast_in_dim3A_1348 = vector.shape_cast %reduce_sum3A_1347 : vector<7200xf32> to vector<7200x1xf32>
    %div3A_1349 = arith.constant 1.280000e+02 : f32
    %div3A_1350 = vector.broadcast %div3A_1349 : f32 to vector<7200x1xf32>
    %div3A_1351 = arith.divf %broadcast_in_dim3A_1348, %div3A_1350 : vector<7200x1xf32>
    %sub3A_1352 = vector.broadcast %div3A_1351 : vector<7200x1xf32> to vector<7200x128xf32>
    %sub3A_1353 = arith.subf %slice3A_1338, %sub3A_1352 : vector<7200x128xf32>
    %square3A_1354 = arith.mulf %sub3A_1353, %sub3A_1353 : vector<7200x128xf32>
    %convert_element_type3A_1355 = arith.sitofp %jit3A_1345 : i32 to f32
    %sub3A_1356 = arith.constant 1.280000e+02 : f32
    %sub3A_1357 = arith.subf %sub3A_1356, %convert_element_type3A_1355 : f32
    %reduce_sum3A_1358 = arith.constant dense<0.000000e+00> : vector<7200xf32>
    %reduce_sum3A_1359 = vector.multi_reduction <add>, %square3A_1354, %reduce_sum3A_1358 [1] : vector<7200x128xf32> to vector<7200xf32>
    %broadcast_in_dim3A_1360 = vector.shape_cast %reduce_sum3A_1359 : vector<7200xf32> to vector<7200x1xf32>
    %div3A_1361 = vector.broadcast %sub3A_1357 : f32 to vector<7200x1xf32>
    %div3A_1362 = arith.divf %broadcast_in_dim3A_1360, %div3A_1361 : vector<7200x1xf32>
    %gt3A_1363 = arith.constant 0.000000e+00 : f32
    %gt3A_1364 = arith.cmpf ogt, %sub3A_1357, %gt3A_1363 : f32
    %jit3A_1365 = arith.constant 0x7FC00000 : f32
    %broadcast_in_dim3A_1366 = vector.broadcast %jit3A_1365 : f32 to vector<7200x1xf32>
    %select_n3A_1367 = arith.select %gt3A_1364, %div3A_1362, %broadcast_in_dim3A_1366 : vector<7200x1xf32>
    %sub3A_1368 = vector.broadcast %div3A_1344 : vector<7200x1xf32> to vector<7200x128xf32>
    %sub3A_1369 = arith.subf %slice3A_1338, %sub3A_1368 : vector<7200x128xf32>
    %add3A_1370 = arith.constant 9.99999974E-6 : f32
    %add3A_1371 = vector.broadcast %add3A_1370 : f32 to vector<7200x1xf32>
    %add3A_1372 = arith.addf %select_n3A_1367, %add3A_1371 : vector<7200x1xf32>
    %sqrt3A_1373 = math.sqrt %add3A_1372 : vector<7200x1xf32>
    %div3A_1374 = vector.broadcast %sqrt3A_1373 : vector<7200x1xf32> to vector<7200x128xf32>
    %div3A_1375 = arith.divf %sub3A_1369, %div3A_1374 : vector<7200x128xf32>
    %max3A_1376 = arith.constant 0.000000e+00 : f32
    %max3A_1377 = vector.broadcast %max3A_1376 : f32 to vector<7200x128xf32>
    %max3A_1378 = arith.maximumf %div3A_1375, %max3A_1377 : vector<7200x128xf32>
    %concatenate3A_1379 = tpu.concatenate %max3A_1337, %max3A_1378 in 1 : vector<7200x128xf32>, vector<7200x128xf32> -> vector<7200x256xf32>
    %get3A_1380 = arith.constant 0 : index
    %get3A_1381 = arith.constant 0 : index
    %get3A_1382 = vector.load %arg14[%get3A_1380, %get3A_1381] : memref<256x128xf32, #tpu.memory_space<vmem>>, vector<256x128xf32>
    %convert_element_type3A_1383 = arith.truncf %concatenate3A_1379 : vector<7200x256xf32> to vector<7200x256xbf16>
    %convert_element_type3A_1384 = arith.truncf %get3A_1382 : vector<256x128xf32> to vector<256x128xbf16>
    %dot_general3A_1385 = arith.constant dense<0.000000e+00> : vector<7200x128xf32>
    %dot_general3A_1386 = tpu.matmul %convert_element_type3A_1383, %convert_element_type3A_1384, %dot_general3A_1385 {dimension_numbers = #tpu.dot_dimension_numbers<[1], [0], [0], [1], [0, 0, 1, 1], [], []>, transpose_lhs_hint = false} : vector<7200x256xbf16>, vector<256x128xbf16>, vector<7200x128xf32> -> vector<7200x128xf32>
    %get3A_1387 = arith.constant 0 : index
    %get3A_1388 = arith.constant 0 : index
    %get3A_1389 = vector.load %arg15[%get3A_1387, %get3A_1388] : memref<1x128xf32, #tpu.memory_space<vmem>>, vector<1x128xf32>
    %add3A_1390 = vector.broadcast %get3A_1389 : vector<1x128xf32> to vector<7200x128xf32>
    %add3A_1391 = arith.addf %dot_general3A_1386, %add3A_1390 : vector<7200x128xf32>
    %get3A_1392 = arith.constant 0 : index
    %get3A_1393 = arith.constant 0 : index
    %get3A_1394 = vector.load %arg5[%get3A_1392, %get3A_1393] : memref<400x3xf32, #tpu.memory_space<vmem>>, vector<400x3xf32>
    %get3A_1395 = arith.constant 0 : index
    %get3A_1396 = arith.constant 0 : index
    %get3A_1397 = vector.load %arg18[%get3A_1395, %get3A_1396] : memref<3x128xf32, #tpu.memory_space<vmem>>, vector<3x128xf32>
    %convert_element_type3A_1398 = arith.truncf %get3A_1394 : vector<400x3xf32> to vector<400x3xbf16>
    %convert_element_type3A_1399 = arith.truncf %get3A_1397 : vector<3x128xf32> to vector<3x128xbf16>
    %dot_general3A_1400 = arith.constant dense<0.000000e+00> : vector<400x128xf32>
    %dot_general3A_1401 = tpu.matmul %convert_element_type3A_1398, %convert_element_type3A_1399, %dot_general3A_1400 {dimension_numbers = #tpu.dot_dimension_numbers<[1], [0], [0], [1], [0, 0, 1, 1], [], []>, transpose_lhs_hint = false} : vector<400x3xbf16>, vector<3x128xbf16>, vector<400x128xf32> -> vector<400x128xf32>
    %get3A_1402 = arith.constant 0 : index
    %get3A_1403 = arith.constant 0 : index
    %get3A_1404 = vector.load %arg19[%get3A_1402, %get3A_1403] : memref<1x128xf32, #tpu.memory_space<vmem>>, vector<1x128xf32>
    %add3A_1405 = vector.broadcast %get3A_1404 : vector<1x128xf32> to vector<400x128xf32>
    %add3A_1406 = arith.addf %dot_general3A_1401, %add3A_1405 : vector<400x128xf32>
    %reduce_sum3A_1407 = arith.constant dense<0.000000e+00> : vector<400xf32>
    %reduce_sum3A_1408 = vector.multi_reduction <add>, %add3A_1406, %reduce_sum3A_1407 [1] : vector<400x128xf32> to vector<400xf32>
    %broadcast_in_dim3A_1409 = vector.shape_cast %reduce_sum3A_1408 : vector<400xf32> to vector<400x1xf32>
    %div3A_1410 = arith.constant 1.280000e+02 : f32
    %div3A_1411 = vector.broadcast %div3A_1410 : f32 to vector<400x1xf32>
    %div3A_1412 = arith.divf %broadcast_in_dim3A_1409, %div3A_1411 : vector<400x1xf32>
    %jit3A_1413 = arith.constant 0 : i32
    %reduce_sum3A_1414 = arith.constant dense<0.000000e+00> : vector<400xf32>
    %reduce_sum3A_1415 = vector.multi_reduction <add>, %add3A_1406, %reduce_sum3A_1414 [1] : vector<400x128xf32> to vector<400xf32>
    %broadcast_in_dim3A_1416 = vector.shape_cast %reduce_sum3A_1415 : vector<400xf32> to vector<400x1xf32>
    %div3A_1417 = arith.constant 1.280000e+02 : f32
    %div3A_1418 = vector.broadcast %div3A_1417 : f32 to vector<400x1xf32>
    %div3A_1419 = arith.divf %broadcast_in_dim3A_1416, %div3A_1418 : vector<400x1xf32>
    %sub3A_1420 = vector.broadcast %div3A_1419 : vector<400x1xf32> to vector<400x128xf32>
    %sub3A_1421 = arith.subf %add3A_1406, %sub3A_1420 : vector<400x128xf32>
    %square3A_1422 = arith.mulf %sub3A_1421, %sub3A_1421 : vector<400x128xf32>
    %convert_element_type3A_1423 = arith.sitofp %jit3A_1413 : i32 to f32
    %sub3A_1424 = arith.constant 1.280000e+02 : f32
    %sub3A_1425 = arith.subf %sub3A_1424, %convert_element_type3A_1423 : f32
    %reduce_sum3A_1426 = arith.constant dense<0.000000e+00> : vector<400xf32>
    %reduce_sum3A_1427 = vector.multi_reduction <add>, %square3A_1422, %reduce_sum3A_1426 [1] : vector<400x128xf32> to vector<400xf32>
    %broadcast_in_dim3A_1428 = vector.shape_cast %reduce_sum3A_1427 : vector<400xf32> to vector<400x1xf32>
    %div3A_1429 = vector.broadcast %sub3A_1425 : f32 to vector<400x1xf32>
    %div3A_1430 = arith.divf %broadcast_in_dim3A_1428, %div3A_1429 : vector<400x1xf32>
    %gt3A_1431 = arith.constant 0.000000e+00 : f32
    %gt3A_1432 = arith.cmpf ogt, %sub3A_1425, %gt3A_1431 : f32
    %jit3A_1433 = arith.constant 0x7FC00000 : f32
    %broadcast_in_dim3A_1434 = vector.broadcast %jit3A_1433 : f32 to vector<400x1xf32>
    %select_n3A_1435 = arith.select %gt3A_1432, %div3A_1430, %broadcast_in_dim3A_1434 : vector<400x1xf32>
    %sub3A_1436 = vector.broadcast %div3A_1412 : vector<400x1xf32> to vector<400x128xf32>
    %sub3A_1437 = arith.subf %add3A_1406, %sub3A_1436 : vector<400x128xf32>
    %add3A_1438 = arith.constant 9.99999974E-6 : f32
    %add3A_1439 = vector.broadcast %add3A_1438 : f32 to vector<400x1xf32>
    %add3A_1440 = arith.addf %select_n3A_1435, %add3A_1439 : vector<400x1xf32>
    %sqrt3A_1441 = math.sqrt %add3A_1440 : vector<400x1xf32>
    %div3A_1442 = vector.broadcast %sqrt3A_1441 : vector<400x1xf32> to vector<400x128xf32>
    %div3A_1443 = arith.divf %sub3A_1437, %div3A_1442 : vector<400x128xf32>
    %max3A_1444 = arith.constant 0.000000e+00 : f32
    %max3A_1445 = vector.broadcast %max3A_1444 : f32 to vector<400x128xf32>
    %max3A_1446 = arith.maximumf %div3A_1443, %max3A_1445 : vector<400x128xf32>
    %get3A_1447 = arith.constant 0 : index
    %get3A_1448 = arith.constant 0 : index
    %get3A_1449 = vector.load %arg20[%get3A_1447, %get3A_1448] : memref<128x128xf32, #tpu.memory_space<vmem>>, vector<128x128xf32>
    %convert_element_type3A_1450 = arith.truncf %max3A_1446 : vector<400x128xf32> to vector<400x128xbf16>
    %convert_element_type3A_1451 = arith.truncf %get3A_1449 : vector<128x128xf32> to vector<128x128xbf16>
    %dot_general3A_1452 = arith.constant dense<0.000000e+00> : vector<400x128xf32>
    %dot_general3A_1453 = tpu.matmul %convert_element_type3A_1450, %convert_element_type3A_1451, %dot_general3A_1452 {dimension_numbers = #tpu.dot_dimension_numbers<[1], [0], [0], [1], [0, 0, 1, 1], [], []>, transpose_lhs_hint = false} : vector<400x128xbf16>, vector<128x128xbf16>, vector<400x128xf32> -> vector<400x128xf32>
    %get3A_1454 = arith.constant 0 : index
    %get3A_1455 = arith.constant 0 : index
    %get3A_1456 = vector.load %arg21[%get3A_1454, %get3A_1455] : memref<1x128xf32, #tpu.memory_space<vmem>>, vector<1x128xf32>
    %add3A_1457 = vector.broadcast %get3A_1456 : vector<1x128xf32> to vector<400x128xf32>
    %add3A_1458 = arith.addf %dot_general3A_1453, %add3A_1457 : vector<400x128xf32>
    %get3A_1459 = arith.constant 0 : index
    %get3A_1460 = arith.constant 0 : index
    %get3A_1461 = vector.load %arg6[%get3A_1459, %get3A_1460] : memref<400x3xf32, #tpu.memory_space<vmem>>, vector<400x3xf32>
    %get3A_1462 = arith.constant 0 : index
    %get3A_1463 = arith.constant 0 : index
    %get3A_1464 = vector.load %arg22[%get3A_1462, %get3A_1463] : memref<3x128xf32, #tpu.memory_space<vmem>>, vector<3x128xf32>
    %convert_element_type3A_1465 = arith.truncf %get3A_1461 : vector<400x3xf32> to vector<400x3xbf16>
    %convert_element_type3A_1466 = arith.truncf %get3A_1464 : vector<3x128xf32> to vector<3x128xbf16>
    %dot_general3A_1467 = arith.constant dense<0.000000e+00> : vector<400x128xf32>
    %dot_general3A_1468 = tpu.matmul %convert_element_type3A_1465, %convert_element_type3A_1466, %dot_general3A_1467 {dimension_numbers = #tpu.dot_dimension_numbers<[1], [0], [0], [1], [0, 0, 1, 1], [], []>, transpose_lhs_hint = false} : vector<400x3xbf16>, vector<3x128xbf16>, vector<400x128xf32> -> vector<400x128xf32>
    %add3A_1469 = arith.addf %add3A_1458, %dot_general3A_1468 : vector<400x128xf32>
    %concatenate3A_1470 = tpu.concatenate %add3A_1469, %add3A_1469, %add3A_1469, %add3A_1469, %add3A_1469, %add3A_1469, %add3A_1469, %add3A_1469, %add3A_1469, %add3A_1469, %add3A_1469, %add3A_1469, %add3A_1469, %add3A_1469, %add3A_1469, %add3A_1469, %add3A_1469, %add3A_1469 in 0 : vector<400x128xf32>, vector<400x128xf32>, vector<400x128xf32>, vector<400x128xf32>, vector<400x128xf32>, vector<400x128xf32>, vector<400x128xf32>, vector<400x128xf32>, vector<400x128xf32>, vector<400x128xf32>, vector<400x128xf32>, vector<400x128xf32>, vector<400x128xf32>, vector<400x128xf32>, vector<400x128xf32>, vector<400x128xf32>, vector<400x128xf32>, vector<400x128xf32> -> vector<7200x128xf32>
    %add3A_1471 = arith.addf %add3A_1391, %concatenate3A_1470 : vector<7200x128xf32>
    %reduce_sum3A_1472 = arith.constant dense<0.000000e+00> : vector<7200xf32>
    %reduce_sum3A_1473 = vector.multi_reduction <add>, %add3A_1471, %reduce_sum3A_1472 [1] : vector<7200x128xf32> to vector<7200xf32>
    %broadcast_in_dim3A_1474 = vector.shape_cast %reduce_sum3A_1473 : vector<7200xf32> to vector<7200x1xf32>
    %div3A_1475 = arith.constant 1.280000e+02 : f32
    %div3A_1476 = vector.broadcast %div3A_1475 : f32 to vector<7200x1xf32>
    %div3A_1477 = arith.divf %broadcast_in_dim3A_1474, %div3A_1476 : vector<7200x1xf32>
    %jit3A_1478 = arith.constant 0 : i32
    %reduce_sum3A_1479 = arith.constant dense<0.000000e+00> : vector<7200xf32>
    %reduce_sum3A_1480 = vector.multi_reduction <add>, %add3A_1471, %reduce_sum3A_1479 [1] : vector<7200x128xf32> to vector<7200xf32>
    %broadcast_in_dim3A_1481 = vector.shape_cast %reduce_sum3A_1480 : vector<7200xf32> to vector<7200x1xf32>
    %div3A_1482 = arith.constant 1.280000e+02 : f32
    %div3A_1483 = vector.broadcast %div3A_1482 : f32 to vector<7200x1xf32>
    %div3A_1484 = arith.divf %broadcast_in_dim3A_1481, %div3A_1483 : vector<7200x1xf32>
    %sub3A_1485 = vector.broadcast %div3A_1484 : vector<7200x1xf32> to vector<7200x128xf32>
    %sub3A_1486 = arith.subf %add3A_1471, %sub3A_1485 : vector<7200x128xf32>
    %square3A_1487 = arith.mulf %sub3A_1486, %sub3A_1486 : vector<7200x128xf32>
    %convert_element_type3A_1488 = arith.sitofp %jit3A_1478 : i32 to f32
    %sub3A_1489 = arith.constant 1.280000e+02 : f32
    %sub3A_1490 = arith.subf %sub3A_1489, %convert_element_type3A_1488 : f32
    %reduce_sum3A_1491 = arith.constant dense<0.000000e+00> : vector<7200xf32>
    %reduce_sum3A_1492 = vector.multi_reduction <add>, %square3A_1487, %reduce_sum3A_1491 [1] : vector<7200x128xf32> to vector<7200xf32>
    %broadcast_in_dim3A_1493 = vector.shape_cast %reduce_sum3A_1492 : vector<7200xf32> to vector<7200x1xf32>
    %div3A_1494 = vector.broadcast %sub3A_1490 : f32 to vector<7200x1xf32>
    %div3A_1495 = arith.divf %broadcast_in_dim3A_1493, %div3A_1494 : vector<7200x1xf32>
    %gt3A_1496 = arith.constant 0.000000e+00 : f32
    %gt3A_1497 = arith.cmpf ogt, %sub3A_1490, %gt3A_1496 : f32
    %jit3A_1498 = arith.constant 0x7FC00000 : f32
    %broadcast_in_dim3A_1499 = vector.broadcast %jit3A_1498 : f32 to vector<7200x1xf32>
    %select_n3A_1500 = arith.select %gt3A_1497, %div3A_1495, %broadcast_in_dim3A_1499 : vector<7200x1xf32>
    %sub3A_1501 = vector.broadcast %div3A_1477 : vector<7200x1xf32> to vector<7200x128xf32>
    %sub3A_1502 = arith.subf %add3A_1471, %sub3A_1501 : vector<7200x128xf32>
    %add3A_1503 = arith.constant 9.99999974E-6 : f32
    %add3A_1504 = vector.broadcast %add3A_1503 : f32 to vector<7200x1xf32>
    %add3A_1505 = arith.addf %select_n3A_1500, %add3A_1504 : vector<7200x1xf32>
    %sqrt3A_1506 = math.sqrt %add3A_1505 : vector<7200x1xf32>
    %div3A_1507 = vector.broadcast %sqrt3A_1506 : vector<7200x1xf32> to vector<7200x128xf32>
    %div3A_1508 = arith.divf %sub3A_1502, %div3A_1507 : vector<7200x128xf32>
    %max3A_1509 = arith.constant 0.000000e+00 : f32
    %max3A_1510 = vector.broadcast %max3A_1509 : f32 to vector<7200x128xf32>
    %max3A_1511 = arith.maximumf %div3A_1508, %max3A_1510 : vector<7200x128xf32>
    %get3A_1512 = arith.constant 0 : index
    %get3A_1513 = arith.constant 0 : index
    %get3A_1514 = vector.load %arg16[%get3A_1512, %get3A_1513] : memref<128x128xf32, #tpu.memory_space<vmem>>, vector<128x128xf32>
    %convert_element_type3A_1515 = arith.truncf %max3A_1511 : vector<7200x128xf32> to vector<7200x128xbf16>
    %convert_element_type3A_1516 = arith.truncf %get3A_1514 : vector<128x128xf32> to vector<128x128xbf16>
    %dot_general3A_1517 = arith.constant dense<0.000000e+00> : vector<7200x128xf32>
    %dot_general3A_1518 = tpu.matmul %convert_element_type3A_1515, %convert_element_type3A_1516, %dot_general3A_1517 {dimension_numbers = #tpu.dot_dimension_numbers<[1], [0], [0], [1], [0, 0, 1, 1], [], []>, transpose_lhs_hint = false} : vector<7200x128xbf16>, vector<128x128xbf16>, vector<7200x128xf32> -> vector<7200x128xf32>
    %get3A_1519 = arith.constant 0 : index
    %get3A_1520 = arith.constant 0 : index
    %get3A_1521 = vector.load %arg17[%get3A_1519, %get3A_1520] : memref<1x128xf32, #tpu.memory_space<vmem>>, vector<1x128xf32>
    %add3A_1522 = vector.broadcast %get3A_1521 : vector<1x128xf32> to vector<7200x128xf32>
    %add3A_1523 = arith.addf %dot_general3A_1518, %add3A_1522 : vector<7200x128xf32>
    %get3A_1524 = arith.constant 0 : index
    %get3A_1525 = arith.constant 0 : index
    %get3A_1526 = vector.load %arg7[%get3A_1524, %get3A_1525] : memref<7200x128xf32, #tpu.memory_space<vmem>>, vector<7200x128xf32>
    %get3A_1527 = arith.constant 0 : index
    %get3A_1528 = arith.constant 0 : index
    %get3A_1529 = vector.load %arg23[%get3A_1527, %get3A_1528] : memref<128x128xf32, #tpu.memory_space<vmem>>, vector<128x128xf32>
    %convert_element_type3A_1530 = arith.truncf %add3A_1523 : vector<7200x128xf32> to vector<7200x128xbf16>
    %convert_element_type3A_1531 = arith.truncf %get3A_1529 : vector<128x128xf32> to vector<128x128xbf16>
    %dot_general3A_1532 = arith.constant dense<0.000000e+00> : vector<7200x128xf32>
    %dot_general3A_1533 = tpu.matmul %convert_element_type3A_1530, %convert_element_type3A_1531, %dot_general3A_1532 {dimension_numbers = #tpu.dot_dimension_numbers<[1], [0], [0], [1], [0, 0, 1, 1], [], []>, transpose_lhs_hint = false} : vector<7200x128xbf16>, vector<128x128xbf16>, vector<7200x128xf32> -> vector<7200x128xf32>
    %add3A_1534 = arith.addf %get3A_1526, %dot_general3A_1533 : vector<7200x128xf32>
    %get3A_1535 = arith.constant 0 : index
    %get3A_1536 = arith.constant 0 : index
    %get3A_1537 = vector.load %arg24[%get3A_1535, %get3A_1536] : memref<1x128xf32, #tpu.memory_space<vmem>>, vector<1x128xf32>
    %add3A_1538 = vector.broadcast %get3A_1537 : vector<1x128xf32> to vector<7200x128xf32>
    %add3A_1539 = arith.addf %add3A_1534, %add3A_1538 : vector<7200x128xf32>
    %reduce_sum3A_1540 = arith.constant dense<0.000000e+00> : vector<7200xf32>
    %reduce_sum3A_1541 = vector.multi_reduction <add>, %add3A_1539, %reduce_sum3A_1540 [1] : vector<7200x128xf32> to vector<7200xf32>
    %broadcast_in_dim3A_1542 = vector.shape_cast %reduce_sum3A_1541 : vector<7200xf32> to vector<7200x1xf32>
    %div3A_1543 = arith.constant 1.280000e+02 : f32
    %div3A_1544 = vector.broadcast %div3A_1543 : f32 to vector<7200x1xf32>
    %div3A_1545 = arith.divf %broadcast_in_dim3A_1542, %div3A_1544 : vector<7200x1xf32>
    %jit3A_1546 = arith.constant 0 : i32
    %reduce_sum3A_1547 = arith.constant dense<0.000000e+00> : vector<7200xf32>
    %reduce_sum3A_1548 = vector.multi_reduction <add>, %add3A_1539, %reduce_sum3A_1547 [1] : vector<7200x128xf32> to vector<7200xf32>
    %broadcast_in_dim3A_1549 = vector.shape_cast %reduce_sum3A_1548 : vector<7200xf32> to vector<7200x1xf32>
    %div3A_1550 = arith.constant 1.280000e+02 : f32
    %div3A_1551 = vector.broadcast %div3A_1550 : f32 to vector<7200x1xf32>
    %div3A_1552 = arith.divf %broadcast_in_dim3A_1549, %div3A_1551 : vector<7200x1xf32>
    %sub3A_1553 = vector.broadcast %div3A_1552 : vector<7200x1xf32> to vector<7200x128xf32>
    %sub3A_1554 = arith.subf %add3A_1539, %sub3A_1553 : vector<7200x128xf32>
    %square3A_1555 = arith.mulf %sub3A_1554, %sub3A_1554 : vector<7200x128xf32>
    %convert_element_type3A_1556 = arith.sitofp %jit3A_1546 : i32 to f32
    %sub3A_1557 = arith.constant 1.280000e+02 : f32
    %sub3A_1558 = arith.subf %sub3A_1557, %convert_element_type3A_1556 : f32
    %reduce_sum3A_1559 = arith.constant dense<0.000000e+00> : vector<7200xf32>
    %reduce_sum3A_1560 = vector.multi_reduction <add>, %square3A_1555, %reduce_sum3A_1559 [1] : vector<7200x128xf32> to vector<7200xf32>
    %broadcast_in_dim3A_1561 = vector.shape_cast %reduce_sum3A_1560 : vector<7200xf32> to vector<7200x1xf32>
    %div3A_1562 = vector.broadcast %sub3A_1558 : f32 to vector<7200x1xf32>
    %div3A_1563 = arith.divf %broadcast_in_dim3A_1561, %div3A_1562 : vector<7200x1xf32>
    %gt3A_1564 = arith.constant 0.000000e+00 : f32
    %gt3A_1565 = arith.cmpf ogt, %sub3A_1558, %gt3A_1564 : f32
    %jit3A_1566 = arith.constant 0x7FC00000 : f32
    %broadcast_in_dim3A_1567 = vector.broadcast %jit3A_1566 : f32 to vector<7200x1xf32>
    %select_n3A_1568 = arith.select %gt3A_1565, %div3A_1563, %broadcast_in_dim3A_1567 : vector<7200x1xf32>
    %sub3A_1569 = vector.broadcast %div3A_1545 : vector<7200x1xf32> to vector<7200x128xf32>
    %sub3A_1570 = arith.subf %add3A_1539, %sub3A_1569 : vector<7200x128xf32>
    %add3A_1571 = arith.constant 9.99999974E-6 : f32
    %add3A_1572 = vector.broadcast %add3A_1571 : f32 to vector<7200x1xf32>
    %add3A_1573 = arith.addf %select_n3A_1568, %add3A_1572 : vector<7200x1xf32>
    %sqrt3A_1574 = math.sqrt %add3A_1573 : vector<7200x1xf32>
    %div3A_1575 = vector.broadcast %sqrt3A_1574 : vector<7200x1xf32> to vector<7200x128xf32>
    %div3A_1576 = arith.divf %sub3A_1570, %div3A_1575 : vector<7200x128xf32>
    %max3A_1577 = arith.constant 0.000000e+00 : f32
    %max3A_1578 = vector.broadcast %max3A_1577 : f32 to vector<7200x128xf32>
    %max3A_1579 = arith.maximumf %div3A_1576, %max3A_1578 : vector<7200x128xf32>
    %get3A_1580 = arith.constant 0 : index
    %get3A_1581 = arith.constant 0 : index
    %get3A_1582 = vector.load %arg25[%get3A_1580, %get3A_1581] : memref<128x128xf32, #tpu.memory_space<vmem>>, vector<128x128xf32>
    %convert_element_type3A_1583 = arith.truncf %max3A_1579 : vector<7200x128xf32> to vector<7200x128xbf16>
    %convert_element_type3A_1584 = arith.truncf %get3A_1582 : vector<128x128xf32> to vector<128x128xbf16>
    %dot_general3A_1585 = arith.constant dense<0.000000e+00> : vector<7200x128xf32>
    %dot_general3A_1586 = tpu.matmul %convert_element_type3A_1583, %convert_element_type3A_1584, %dot_general3A_1585 {dimension_numbers = #tpu.dot_dimension_numbers<[1], [0], [0], [1], [0, 0, 1, 1], [], []>, transpose_lhs_hint = false} : vector<7200x128xbf16>, vector<128x128xbf16>, vector<7200x128xf32> -> vector<7200x128xf32>
    %get3A_1587 = arith.constant 0 : index
    %get3A_1588 = arith.constant 0 : index
    %get3A_1589 = vector.load %arg26[%get3A_1587, %get3A_1588] : memref<1x128xf32, #tpu.memory_space<vmem>>, vector<1x128xf32>
    %add3A_1590 = vector.broadcast %get3A_1589 : vector<1x128xf32> to vector<7200x128xf32>
    %add3A_1591 = arith.addf %dot_general3A_1586, %add3A_1590 : vector<7200x128xf32>
    %slice3A_1592 = vector.extract_strided_slice %add3A_1591 {offsets = [0, 0], sizes = [400, 128], strides = [1, 1]} : vector<7200x128xf32> to vector<400x128xf32>
    %swap3A = arith.constant 0 : index
    %swap3A_1593 = arith.constant 0 : index
    %swap3A_1594 = arith.constant 0 : index
    %swap3A_1595 = vector.load %arg27[%swap3A, %swap3A_1593, %swap3A_1594] : memref<400x18x128xf32, #tpu.memory_space<vmem>>, vector<400x1x128xf32>
    %swap3A_1596 = vector.shape_cast %swap3A_1595 : vector<400x1x128xf32> to vector<400x128xf32>
    %swap3A_1597 = vector.shape_cast %slice3A_1592 : vector<400x128xf32> to vector<400x1x128xf32>
    tpu.vector_store %arg27[%swap3A, %swap3A_1593, %swap3A_1594], %swap3A_1597 {strides = array<i32>} : memref<400x18x128xf32, #tpu.memory_space<vmem>>, vector<400x1x128xf32>,
    %slice3A_1598 = vector.extract_strided_slice %add3A_1591 {offsets = [400, 0], sizes = [400, 128], strides = [1, 1]} : vector<7200x128xf32> to vector<400x128xf32>
    %swap3A_1599 = arith.constant 0 : index
    %swap3A_1600 = arith.constant 1 : index
    %swap3A_1601 = arith.constant 0 : index
    %swap3A_1602 = vector.load %arg27[%swap3A_1599, %swap3A_1600, %swap3A_1601] : memref<400x18x128xf32, #tpu.memory_space<vmem>>, vector<400x1x128xf32>
    %swap3A_1603 = vector.shape_cast %swap3A_1602 : vector<400x1x128xf32> to vector<400x128xf32>
    %swap3A_1604 = vector.shape_cast %slice3A_1598 : vector<400x128xf32> to vector<400x1x128xf32>
    tpu.vector_store %arg27[%swap3A_1599, %swap3A_1600, %swap3A_1601], %swap3A_1604 {strides = array<i32>} : memref<400x18x128xf32, #tpu.memory_space<vmem>>, vector<400x1x128xf32>,
    %slice3A_1605 = vector.extract_strided_slice %add3A_1591 {offsets = [800, 0], sizes = [400, 128], strides = [1, 1]} : vector<7200x128xf32> to vector<400x128xf32>
    %swap3A_1606 = arith.constant 0 : index
    %swap3A_1607 = arith.constant 2 : index
    %swap3A_1608 = arith.constant 0 : index
    %swap3A_1609 = vector.load %arg27[%swap3A_1606, %swap3A_1607, %swap3A_1608] : memref<400x18x128xf32, #tpu.memory_space<vmem>>, vector<400x1x128xf32>
    %swap3A_1610 = vector.shape_cast %swap3A_1609 : vector<400x1x128xf32> to vector<400x128xf32>
    %swap3A_1611 = vector.shape_cast %slice3A_1605 : vector<400x128xf32> to vector<400x1x128xf32>
    tpu.vector_store %arg27[%swap3A_1606, %swap3A_1607, %swap3A_1608], %swap3A_1611 {strides = array<i32>} : memref<400x18x128xf32, #tpu.memory_space<vmem>>, vector<400x1x128xf32>,
    %slice3A_1612 = vector.extract_strided_slice %add3A_1591 {offsets = [1200, 0], sizes = [400, 128], strides = [1, 1]} : vector<7200x128xf32> to vector<400x128xf32>
    %swap3A_1613 = arith.constant 0 : index
    %swap3A_1614 = arith.constant 3 : index
    %swap3A_1615 = arith.constant 0 : index
    %swap3A_1616 = vector.load %arg27[%swap3A_1613, %swap3A_1614, %swap3A_1615] : memref<400x18x128xf32, #tpu.memory_space<vmem>>, vector<400x1x128xf32>
    %swap3A_1617 = vector.shape_cast %swap3A_1616 : vector<400x1x128xf32> to vector<400x128xf32>
    %swap3A_1618 = vector.shape_cast %slice3A_1612 : vector<400x128xf32> to vector<400x1x128xf32>
    tpu.vector_store %arg27[%swap3A_1613, %swap3A_1614, %swap3A_1615], %swap3A_1618 {strides = array<i32>} : memref<400x18x128xf32, #tpu.memory_space<vmem>>, vector<400x1x128xf32>,
    %slice3A_1619 = vector.extract_strided_slice %add3A_1591 {offsets = [1600, 0], sizes = [400, 128], strides = [1, 1]} : vector<7200x128xf32> to vector<400x128xf32>
    %swap3A_1620 = arith.constant 0 : index
    %swap3A_1621 = arith.constant 4 : index
    %swap3A_1622 = arith.constant 0 : index
    %swap3A_1623 = vector.load %arg27[%swap3A_1620, %swap3A_1621, %swap3A_1622] : memref<400x18x128xf32, #tpu.memory_space<vmem>>, vector<400x1x128xf32>
    %swap3A_1624 = vector.shape_cast %swap3A_1623 : vector<400x1x128xf32> to vector<400x128xf32>
    %swap3A_1625 = vector.shape_cast %slice3A_1619 : vector<400x128xf32> to vector<400x1x128xf32>
    tpu.vector_store %arg27[%swap3A_1620, %swap3A_1621, %swap3A_1622], %swap3A_1625 {strides = array<i32>} : memref<400x18x128xf32, #tpu.memory_space<vmem>>, vector<400x1x128xf32>,
    %slice3A_1626 = vector.extract_strided_slice %add3A_1591 {offsets = [2000, 0], sizes = [400, 128], strides = [1, 1]} : vector<7200x128xf32> to vector<400x128xf32>
    %swap3A_1627 = arith.constant 0 : index
    %swap3A_1628 = arith.constant 5 : index
    %swap3A_1629 = arith.constant 0 : index
    %swap3A_1630 = vector.load %arg27[%swap3A_1627, %swap3A_1628, %swap3A_1629] : memref<400x18x128xf32, #tpu.memory_space<vmem>>, vector<400x1x128xf32>
    %swap3A_1631 = vector.shape_cast %swap3A_1630 : vector<400x1x128xf32> to vector<400x128xf32>
    %swap3A_1632 = vector.shape_cast %slice3A_1626 : vector<400x128xf32> to vector<400x1x128xf32>
    tpu.vector_store %arg27[%swap3A_1627, %swap3A_1628, %swap3A_1629], %swap3A_1632 {strides = array<i32>} : memref<400x18x128xf32, #tpu.memory_space<vmem>>, vector<400x1x128xf32>,
    %slice3A_1633 = vector.extract_strided_slice %add3A_1591 {offsets = [2400, 0], sizes = [400, 128], strides = [1, 1]} : vector<7200x128xf32> to vector<400x128xf32>
    %swap3A_1634 = arith.constant 0 : index
    %swap3A_1635 = arith.constant 6 : index
    %swap3A_1636 = arith.constant 0 : index
    %swap3A_1637 = vector.load %arg27[%swap3A_1634, %swap3A_1635, %swap3A_1636] : memref<400x18x128xf32, #tpu.memory_space<vmem>>, vector<400x1x128xf32>
    %swap3A_1638 = vector.shape_cast %swap3A_1637 : vector<400x1x128xf32> to vector<400x128xf32>
    %swap3A_1639 = vector.shape_cast %slice3A_1633 : vector<400x128xf32> to vector<400x1x128xf32>
    tpu.vector_store %arg27[%swap3A_1634, %swap3A_1635, %swap3A_1636], %swap3A_1639 {strides = array<i32>} : memref<400x18x128xf32, #tpu.memory_space<vmem>>, vector<400x1x128xf32>,
    %slice3A_1640 = vector.extract_strided_slice %add3A_1591 {offsets = [2800, 0], sizes = [400, 128], strides = [1, 1]} : vector<7200x128xf32> to vector<400x128xf32>
    %swap3A_1641 = arith.constant 0 : index
    %swap3A_1642 = arith.constant 7 : index
    %swap3A_1643 = arith.constant 0 : index
    %swap3A_1644 = vector.load %arg27[%swap3A_1641, %swap3A_1642, %swap3A_1643] : memref<400x18x128xf32, #tpu.memory_space<vmem>>, vector<400x1x128xf32>
    %swap3A_1645 = vector.shape_cast %swap3A_1644 : vector<400x1x128xf32> to vector<400x128xf32>
    %swap3A_1646 = vector.shape_cast %slice3A_1640 : vector<400x128xf32> to vector<400x1x128xf32>
    tpu.vector_store %arg27[%swap3A_1641, %swap3A_1642, %swap3A_1643], %swap3A_1646 {strides = array<i32>} : memref<400x18x128xf32, #tpu.memory_space<vmem>>, vector<400x1x128xf32>,
    %slice3A_1647 = vector.extract_strided_slice %add3A_1591 {offsets = [3200, 0], sizes = [400, 128], strides = [1, 1]} : vector<7200x128xf32> to vector<400x128xf32>
    %swap3A_1648 = arith.constant 0 : index
    %swap3A_1649 = arith.constant 8 : index
    %swap3A_1650 = arith.constant 0 : index
    %swap3A_1651 = vector.load %arg27[%swap3A_1648, %swap3A_1649, %swap3A_1650] : memref<400x18x128xf32, #tpu.memory_space<vmem>>, vector<400x1x128xf32>
    %swap3A_1652 = vector.shape_cast %swap3A_1651 : vector<400x1x128xf32> to vector<400x128xf32>
    %swap3A_1653 = vector.shape_cast %slice3A_1647 : vector<400x128xf32> to vector<400x1x128xf32>
    tpu.vector_store %arg27[%swap3A_1648, %swap3A_1649, %swap3A_1650], %swap3A_1653 {strides = array<i32>} : memref<400x18x128xf32, #tpu.memory_space<vmem>>, vector<400x1x128xf32>,
    %slice3A_1654 = vector.extract_strided_slice %add3A_1591 {offsets = [3600, 0], sizes = [400, 128], strides = [1, 1]} : vector<7200x128xf32> to vector<400x128xf32>
    %swap3A_1655 = arith.constant 0 : index
    %swap3A_1656 = arith.constant 9 : index
    %swap3A_1657 = arith.constant 0 : index
    %swap3A_1658 = vector.load %arg27[%swap3A_1655, %swap3A_1656, %swap3A_1657] : memref<400x18x128xf32, #tpu.memory_space<vmem>>, vector<400x1x128xf32>
    %swap3A_1659 = vector.shape_cast %swap3A_1658 : vector<400x1x128xf32> to vector<400x128xf32>
    %swap3A_1660 = vector.shape_cast %slice3A_1654 : vector<400x128xf32> to vector<400x1x128xf32>
    tpu.vector_store %arg27[%swap3A_1655, %swap3A_1656, %swap3A_1657], %swap3A_1660 {strides = array<i32>} : memref<400x18x128xf32, #tpu.memory_space<vmem>>, vector<400x1x128xf32>,
    %slice3A_1661 = vector.extract_strided_slice %add3A_1591 {offsets = [4000, 0], sizes = [400, 128], strides = [1, 1]} : vector<7200x128xf32> to vector<400x128xf32>
    %swap3A_1662 = arith.constant 0 : index
    %swap3A_1663 = arith.constant 10 : index
    %swap3A_1664 = arith.constant 0 : index
    %swap3A_1665 = vector.load %arg27[%swap3A_1662, %swap3A_1663, %swap3A_1664] : memref<400x18x128xf32, #tpu.memory_space<vmem>>, vector<400x1x128xf32>
    %swap3A_1666 = vector.shape_cast %swap3A_1665 : vector<400x1x128xf32> to vector<400x128xf32>
    %swap3A_1667 = vector.shape_cast %slice3A_1661 : vector<400x128xf32> to vector<400x1x128xf32>
    tpu.vector_store %arg27[%swap3A_1662, %swap3A_1663, %swap3A_1664], %swap3A_1667 {strides = array<i32>} : memref<400x18x128xf32, #tpu.memory_space<vmem>>, vector<400x1x128xf32>,
    %slice3A_1668 = vector.extract_strided_slice %add3A_1591 {offsets = [4400, 0], sizes = [400, 128], strides = [1, 1]} : vector<7200x128xf32> to vector<400x128xf32>
    %swap3A_1669 = arith.constant 0 : index
    %swap3A_1670 = arith.constant 11 : index
    %swap3A_1671 = arith.constant 0 : index
    %swap3A_1672 = vector.load %arg27[%swap3A_1669, %swap3A_1670, %swap3A_1671] : memref<400x18x128xf32, #tpu.memory_space<vmem>>, vector<400x1x128xf32>
    %swap3A_1673 = vector.shape_cast %swap3A_1672 : vector<400x1x128xf32> to vector<400x128xf32>
    %swap3A_1674 = vector.shape_cast %slice3A_1668 : vector<400x128xf32> to vector<400x1x128xf32>
    tpu.vector_store %arg27[%swap3A_1669, %swap3A_1670, %swap3A_1671], %swap3A_1674 {strides = array<i32>} : memref<400x18x128xf32, #tpu.memory_space<vmem>>, vector<400x1x128xf32>,
    %slice3A_1675 = vector.extract_strided_slice %add3A_1591 {offsets = [4800, 0], sizes = [400, 128], strides = [1, 1]} : vector<7200x128xf32> to vector<400x128xf32>
    %swap3A_1676 = arith.constant 0 : index
    %swap3A_1677 = arith.constant 12 : index
    %swap3A_1678 = arith.constant 0 : index
    %swap3A_1679 = vector.load %arg27[%swap3A_1676, %swap3A_1677, %swap3A_1678] : memref<400x18x128xf32, #tpu.memory_space<vmem>>, vector<400x1x128xf32>
    %swap3A_1680 = vector.shape_cast %swap3A_1679 : vector<400x1x128xf32> to vector<400x128xf32>
    %swap3A_1681 = vector.shape_cast %slice3A_1675 : vector<400x128xf32> to vector<400x1x128xf32>
    tpu.vector_store %arg27[%swap3A_1676, %swap3A_1677, %swap3A_1678], %swap3A_1681 {strides = array<i32>} : memref<400x18x128xf32, #tpu.memory_space<vmem>>, vector<400x1x128xf32>,
    %slice3A_1682 = vector.extract_strided_slice %add3A_1591 {offsets = [5200, 0], sizes = [400, 128], strides = [1, 1]} : vector<7200x128xf32> to vector<400x128xf32>
    %swap3A_1683 = arith.constant 0 : index
    %swap3A_1684 = arith.constant 13 : index
    %swap3A_1685 = arith.constant 0 : index
    %swap3A_1686 = vector.load %arg27[%swap3A_1683, %swap3A_1684, %swap3A_1685] : memref<400x18x128xf32, #tpu.memory_space<vmem>>, vector<400x1x128xf32>
    %swap3A_1687 = vector.shape_cast %swap3A_1686 : vector<400x1x128xf32> to vector<400x128xf32>
    %swap3A_1688 = vector.shape_cast %slice3A_1682 : vector<400x128xf32> to vector<400x1x128xf32>
    tpu.vector_store %arg27[%swap3A_1683, %swap3A_1684, %swap3A_1685], %swap3A_1688 {strides = array<i32>} : memref<400x18x128xf32, #tpu.memory_space<vmem>>, vector<400x1x128xf32>,
    %slice3A_1689 = vector.extract_strided_slice %add3A_1591 {offsets = [5600, 0], sizes = [400, 128], strides = [1, 1]} : vector<7200x128xf32> to vector<400x128xf32>
    %swap3A_1690 = arith.constant 0 : index
    %swap3A_1691 = arith.constant 14 : index
    %swap3A_1692 = arith.constant 0 : index
    %swap3A_1693 = vector.load %arg27[%swap3A_1690, %swap3A_1691, %swap3A_1692] : memref<400x18x128xf32, #tpu.memory_space<vmem>>, vector<400x1x128xf32>
    %swap3A_1694 = vector.shape_cast %swap3A_1693 : vector<400x1x128xf32> to vector<400x128xf32>
    %swap3A_1695 = vector.shape_cast %slice3A_1689 : vector<400x128xf32> to vector<400x1x128xf32>
    tpu.vector_store %arg27[%swap3A_1690, %swap3A_1691, %swap3A_1692], %swap3A_1695 {strides = array<i32>} : memref<400x18x128xf32, #tpu.memory_space<vmem>>, vector<400x1x128xf32>,
    %slice3A_1696 = vector.extract_strided_slice %add3A_1591 {offsets = [6000, 0], sizes = [400, 128], strides = [1, 1]} : vector<7200x128xf32> to vector<400x128xf32>
    %swap3A_1697 = arith.constant 0 : index
    %swap3A_1698 = arith.constant 15 : index
    %swap3A_1699 = arith.constant 0 : index
    %swap3A_1700 = vector.load %arg27[%swap3A_1697, %swap3A_1698, %swap3A_1699] : memref<400x18x128xf32, #tpu.memory_space<vmem>>, vector<400x1x128xf32>
    %swap3A_1701 = vector.shape_cast %swap3A_1700 : vector<400x1x128xf32> to vector<400x128xf32>
    %swap3A_1702 = vector.shape_cast %slice3A_1696 : vector<400x128xf32> to vector<400x1x128xf32>
    tpu.vector_store %arg27[%swap3A_1697, %swap3A_1698, %swap3A_1699], %swap3A_1702 {strides = array<i32>} : memref<400x18x128xf32, #tpu.memory_space<vmem>>, vector<400x1x128xf32>,
    %slice3A_1703 = vector.extract_strided_slice %add3A_1591 {offsets = [6400, 0], sizes = [400, 128], strides = [1, 1]} : vector<7200x128xf32> to vector<400x128xf32>
    %swap3A_1704 = arith.constant 0 : index
    %swap3A_1705 = arith.constant 16 : index
    %swap3A_1706 = arith.constant 0 : index
    %swap3A_1707 = vector.load %arg27[%swap3A_1704, %swap3A_1705, %swap3A_1706] : memref<400x18x128xf32, #tpu.memory_space<vmem>>, vector<400x1x128xf32>
    %swap3A_1708 = vector.shape_cast %swap3A_1707 : vector<400x1x128xf32> to vector<400x128xf32>
    %swap3A_1709 = vector.shape_cast %slice3A_1703 : vector<400x128xf32> to vector<400x1x128xf32>
    tpu.vector_store %arg27[%swap3A_1704, %swap3A_1705, %swap3A_1706], %swap3A_1709 {strides = array<i32>} : memref<400x18x128xf32, #tpu.memory_space<vmem>>, vector<400x1x128xf32>,
    %slice3A_1710 = vector.extract_strided_slice %add3A_1591 {offsets = [6800, 0], sizes = [400, 128], strides = [1, 1]} : vector<7200x128xf32> to vector<400x128xf32>
    %swap3A_1711 = arith.constant 0 : index
    %swap3A_1712 = arith.constant 17 : index
    %swap3A_1713 = arith.constant 0 : index
    %swap3A_1714 = vector.load %arg27[%swap3A_1711, %swap3A_1712, %swap3A_1713] : memref<400x18x128xf32, #tpu.memory_space<vmem>>, vector<400x1x128xf32>
    %swap3A_1715 = vector.shape_cast %swap3A_1714 : vector<400x1x128xf32> to vector<400x128xf32>
    %swap3A_1716 = vector.shape_cast %slice3A_1710 : vector<400x128xf32> to vector<400x1x128xf32>
    tpu.vector_store %arg27[%swap3A_1711, %swap3A_1712, %swap3A_1713], %swap3A_1716 {strides = array<i32>} : memref<400x18x128xf32, #tpu.memory_space<vmem>>, vector<400x1x128xf32>,
    return
  }
  func.func @transform_0(%arg0: i32) -> (i32, i32) {
    %c0_i32 = arith.constant 0 : i32
    %c0_i32_0 = arith.constant 0 : i32
    return %arg0, %c0_i32 : i32, i32
  }
  func.func @transform_1(%arg0: i32) -> (i32, i32) {
    %c0_i32 = arith.constant 0 : i32
    %c0_i32_0 = arith.constant 0 : i32
    return %arg0, %c0_i32 : i32, i32
  }
  func.func @transform_2(%arg0: i32) -> (i32, i32) {
    %c0_i32 = arith.constant 0 : i32
    %c0_i32_0 = arith.constant 0 : i32
    return %arg0, %c0_i32 : i32, i32
  }
  func.func @transform_3(%arg0: i32) -> (i32, i32) {
    %c0_i32 = arith.constant 0 : i32
    %c0_i32_0 = arith.constant 0 : i32
    return %arg0, %c0_i32 : i32, i32
  }
  func.func @transform_4(%arg0: i32) -> (i32, i32) {
    %c0_i32 = arith.constant 0 : i32
    %c0_i32_0 = arith.constant 0 : i32
    return %arg0, %c0_i32 : i32, i32
  }
  func.func @transform_5(%arg0: i32) -> (i32, i32) {
    %c0_i32 = arith.constant 0 : i32
    %c0_i32_0 = arith.constant 0 : i32
    return %arg0, %c0_i32 : i32, i32
  }
  func.func @transform_6(%arg0: i32) -> (i32, i32) {
    %c0_i32 = arith.constant 0 : i32
    %c0_i32_0 = arith.constant 0 : i32
    return %arg0, %c0_i32 : i32, i32
  }
  func.func @transform_7(%arg0: i32) -> (i32, i32) {
    %c0_i32 = arith.constant 0 : i32
    %c0_i32_0 = arith.constant 0 : i32
    %c0_i32_1 = arith.constant 0 : i32
    return %c0_i32, %c0_i32_0 : i32, i32
  }
  func.func @transform_8(%arg0: i32) -> (i32, i32) {
    %c0_i32 = arith.constant 0 : i32
    %c0_i32_0 = arith.constant 0 : i32
    %c0_i32_1 = arith.constant 0 : i32
    return %c0_i32, %c0_i32_0 : i32, i32
  }
  func.func @transform_9(%arg0: i32) -> (i32, i32) {
    %c0_i32 = arith.constant 0 : i32
    %c0_i32_0 = arith.constant 0 : i32
    %c0_i32_1 = arith.constant 0 : i32
    return %c0_i32, %c0_i32_0 : i32, i32
  }
  func.func @transform_10(%arg0: i32) -> (i32, i32) {
    %c0_i32 = arith.constant 0 : i32
    %c0_i32_0 = arith.constant 0 : i32
    %c0_i32_1 = arith.constant 0 : i32
    return %c0_i32, %c0_i32_0 : i32, i32
  }
  func.func @transform_11(%arg0: i32) -> (i32, i32) {
    %c0_i32 = arith.constant 0 : i32
    %c0_i32_0 = arith.constant 0 : i32
    %c0_i32_1 = arith.constant 0 : i32
    return %c0_i32, %c0_i32_0 : i32, i32
  }
  func.func @transform_12(%arg0: i32) -> (i32, i32) {
    %c0_i32 = arith.constant 0 : i32
    %c0_i32_0 = arith.constant 0 : i32
    %c0_i32_1 = arith.constant 0 : i32
    return %c0_i32, %c0_i32_0 : i32, i32
  }
  func.func @transform_13(%arg0: i32) -> (i32, i32) {
    %c0_i32 = arith.constant 0 : i32
    %c0_i32_0 = arith.constant 0 : i32
    %c0_i32_1 = arith.constant 0 : i32
    return %c0_i32, %c0_i32_0 : i32, i32
  }
  func.func @transform_14(%arg0: i32) -> (i32, i32) {
    %c0_i32 = arith.constant 0 : i32
    %c0_i32_0 = arith.constant 0 : i32
    %c0_i32_1 = arith.constant 0 : i32
    return %c0_i32, %c0_i32_0 : i32, i32
  }
  func.func @transform_15(%arg0: i32) -> (i32, i32) {
    %c0_i32 = arith.constant 0 : i32
    %c0_i32_0 = arith.constant 0 : i32
    %c0_i32_1 = arith.constant 0 : i32
    return %c0_i32, %c0_i32_0 : i32, i32
  }
  func.func @transform_16(%arg0: i32) -> (i32, i32) {
    %c0_i32 = arith.constant 0 : i32
    %c0_i32_0 = arith.constant 0 : i32
    %c0_i32_1 = arith.constant 0 : i32
    return %c0_i32, %c0_i32_0 : i32, i32
  }
  func.func @transform_17(%arg0: i32) -> (i32, i32) {
    %c0_i32 = arith.constant 0 : i32
    %c0_i32_0 = arith.constant 0 : i32
    %c0_i32_1 = arith.constant 0 : i32
    return %c0_i32, %c0_i32_0 : i32, i32
  }
  func.func @transform_18(%arg0: i32) -> (i32, i32) {
    %c0_i32 = arith.constant 0 : i32
    %c0_i32_0 = arith.constant 0 : i32
    %c0_i32_1 = arith.constant 0 : i32
    return %c0_i32, %c0_i32_0 : i32, i32
  }
  func.func @transform_19(%arg0: i32) -> (i32, i32) {
    %c0_i32 = arith.constant 0 : i32
    %c0_i32_0 = arith.constant 0 : i32
    %c0_i32_1 = arith.constant 0 : i32
    return %c0_i32, %c0_i32_0 : i32, i32
  }
  func.func @transform_20(%arg0: i32) -> (i32, i32) {
    %c0_i32 = arith.constant 0 : i32
    %c0_i32_0 = arith.constant 0 : i32
    %c0_i32_1 = arith.constant 0 : i32
    return %c0_i32, %c0_i32_0 : i32, i32
  }
  func.func @transform_21(%arg0: i32) -> (i32, i32) {
    %c0_i32 = arith.constant 0 : i32
    %c0_i32_0 = arith.constant 0 : i32
    %c0_i32_1 = arith.constant 0 : i32
    return %c0_i32, %c0_i32_0 : i32, i32
  }
  func.func @transform_22(%arg0: i32) -> (i32, i32) {
    %c0_i32 = arith.constant 0 : i32
    %c0_i32_0 = arith.constant 0 : i32
    %c0_i32_1 = arith.constant 0 : i32
    return %c0_i32, %c0_i32_0 : i32, i32
  }
  func.func @transform_23(%arg0: i32) -> (i32, i32) {
    %c0_i32 = arith.constant 0 : i32
    %c0_i32_0 = arith.constant 0 : i32
    %c0_i32_1 = arith.constant 0 : i32
    return %c0_i32, %c0_i32_0 : i32, i32
  }
  func.func @transform_24(%arg0: i32) -> (i32, i32) {
    %c0_i32 = arith.constant 0 : i32
    %c0_i32_0 = arith.constant 0 : i32
    %c0_i32_1 = arith.constant 0 : i32
    return %c0_i32, %c0_i32_0 : i32, i32
  }
  func.func @transform_25(%arg0: i32) -> (i32, i32) {
    %c0_i32 = arith.constant 0 : i32
    %c0_i32_0 = arith.constant 0 : i32
    %c0_i32_1 = arith.constant 0 : i32
    return %c0_i32, %c0_i32_0 : i32, i32
  }
  func.func @transform_26(%arg0: i32) -> (i32, i32, i32) {
    %c0_i32 = arith.constant 0 : i32
    %c0_i32_0 = arith.constant 0 : i32
    %c0_i32_1 = arith.constant 0 : i32
    return %arg0, %c0_i32, %c0_i32_0 : i32, i32, i32
  }
}

</mosaic_0001>

<sc_bundles>
// kernel: gather_offload_async_start
scs
__scs_entry_jumppad:
0x0: {  	(pc) =	sbr.rel $0x88, $3  }
0x1: {  	(tag) =	ssettag $0x0;
	lr =	simm.s32 $0x1  }
0x2: {  	[smem:$0x3F7D] =	sst lr;
	_ =	strace $0xD0000000  }
0x3: {  	_ = 	snop  }
0x4: {  	_ = 	snop  }
0x5: {  	_ = 	snop  }
0x6: {  	_ = 	snop  }
0x7: {  	_ = 	snop  }
__scs_overlays_trampoline_lowered:
0x8: {  	[smem:$0x3F8C] =	sst s0  }
0x9: {  	[smem:$0x3F8D] =	sst s1  }
0xa: {  	[smem:$0x3F8E] =	sst s2  }
0xb: {  	[smem:$0x3F8F] =	sst s3  }
0xc: {  	[smem:$0x3F90] =	sst s4  }
0xd: {  	[smem:$0x3F91] =	sst s5  }
0xe: {  	[smem:$0x3F92] =	sst s6  }
0xf: {  	[smem:$0x3F93] =	sst s7  }
0x10: {  	[smem:$0x3F94] =	sst s8  }
0x11: {  	[smem:$0x3F95] =	sst s9;
	s0 =	simm.s32 @!p0 $0x0  }
0x12: {  	s1 =	sld [smem:$0x3F7B];
	s0 =	simm.s32 @p0 $0x1  }
0x13: {  	[smem:$0x3F96] =	sst s0;
	s0 =	simm.s32 @!p1 $0x0  }
0x14: {  	s2 =	sld [smem:$0x3F7A];
	s0 =	simm.s32 @p1 $0x1  }
0x15: {  	[smem:$0x3F97] =	sst s0;
	s0 =	simm.s32 @!p2 $0x0  }
0x16: {  	s3 =	sld [smem:$0x3FDB];
	s0 =	simm.s32 @p2 $0x1  }
0x17: {  	s4 =	simm.s32 $0x1BF5;
	[smem:$0x3F99] =	sst s0  }
0x18: {  	s0 =	sld [smem:$0x3F7C];
	_ =	swait.ge [sflag:s4], $0x0  }
0x19: {  	s7 =	sld [smem:$0x3F7D]  }
0x1a: {  	s8 =	sadd.s32 $0xFFFFE003, lr  }
0x1b: {  	s9 =	sadd.s32 $0xFFFFFEF7, lr;
	s5 =	simm.s32 $0xFFFFFFFF;
	p2 =	slt.u32 s8, $0xFFFFF086  }
0x1c: {  	p1 =	slt.u32 s9, $0xF7A;
	s5 =	simm.s32 @!p2 $0x0  }
0x1d: {  	s5 =	simm.s32 @p1 $0x1;
	p0 =	seq.s32 s7, s2  }
0x1e: {  	s7 =	smul.u32 @!p0 $0xF7A, s2;
	p2 =	seq.s32 @!p0 s5, $0x0  }
0x1f: {  	s9 =	smul.u32 $0xF7A, s1;
	s8 =	simm.s32 @!p0 $0x1BF5;
	p2 =	por !p2, p0  }
0x20: {  	[sflag:s8] =	ssyncset.s32 @!p0 $0xFFFFF086;
	s6 =	sadd.s32 @!p0 s3, s7;
	s7 =	simm.s32 @!p0 $0x108  }
0x21: {  	s3 =	sadd.s32 s3, s9;
	s6 =	sadd.s32 @!p0 $0x88, s6;
	s7 =	simm.s32 @p2 $0x1082  }
0x22: {  	[simem:s7], [sflag:s8] =	dma.local @!p0 [hbm:s6], $0xF7A  }
0x23: {  	s9 =	sor.u32 $0xD0000000, s2;
	s6 =	simm.s32 $0x108;
	_ =	swait.ge @!p0 [sflag:s8], $0x0  }
0x24: {  	s3 =	sadd.s32 $0x88, s3;
	s6 =	simm.s32 @!p1 $0x1082;
	[sflag:s4] =	ssyncset.s32 $0xFFFFF086  }
0x25: {  	[simem:s6], [sflag:s4] =	dma.local [hbm:s3], $0xF7A  }
0x26: {  	[smem:$0x3F7D] =	sst s1;
	(tag) =	ssettag s2;
	_ =	strace s9  }
0x27: {  	s1 =	sld [smem:$0x3F8D]  }
0x28: {  	s2 =	sld [smem:$0x3F8E]  }
0x29: {  	s4 =	sld [smem:$0x3F90]  }
0x2a: {  	p0 =	seq.s32 s5, $0x0;
	s5 =	sld [smem:$0x3F91]  }
0x2b: {  	s6 =	sld [smem:$0x3F92]  }
0x2c: {  	s7 =	sld [smem:$0x3F93]  }
0x2d: {  	s3 =	simm.s32 $0x108;
	s8 =	sld [smem:$0x3F94]  }
0x2e: {  	s3 =	simm.s32 @!p0 $0x1082;
	s9 =	sld [smem:$0x3F95]  }
0x2f: {  	lr =	sadd.s32 s0, s3;
	s0 =	sld [smem:$0x3F8C]  }
0x30: {  	s3 =	sld [smem:$0x3F8F]  }
0x31: {  	[smem:$0x3F98] =	sst s10  }
0x32: {  	s10 =	sld [smem:$0x3F96];
	_ =	sdelay $0x3  }
0x33: {  	p0 =	seq.s32 s10, $0x1;
	s10 =	sld [smem:$0x3F98];
	_ =	sdelay $0x3  }
0x34: {  	[smem:$0x3F98] =	sst s10  }
0x35: {  	s10 =	sld [smem:$0x3F97];
	_ =	sdelay $0x3  }
0x36: {  	p1 =	seq.s32 s10, $0x1;
	s10 =	sld [smem:$0x3F98];
	_ =	sdelay $0x3  }
0x37: {  	[smem:$0x3F98] =	sst s10  }
0x38: {  	s10 =	sld [smem:$0x3F99]  }
0x39: {  	_ = 	snop;
	(pc) =	sbr.ind lr, $3  }
0x3a: {  	_ = 	snop  }
0x3b: {  	_ = 	snop  }
0x3c: {  	p2 =	seq.s32 s10, $0x1;
	s10 =	sld [smem:$0x3F98]  }
0x3d: {  	_ =	shalt  }
0x3e: {  	_ =	shalt  }
0x3f: {  	_ =	shalt  }
0x40: {  	_ =	shalt  }
0x41: {  	_ =	shalt  }
0x42: {  	_ =	shalt  }
0x43: {  	_ =	shalt  }
0x44: {  	_ =	shalt  }
0x45: {  	_ =	shalt  }
0x46: {  	_ =	shalt  }
0x47: {  	_ =	shalt  }
0x48: {  	_ =	shalt  }
0x49: {  	_ =	shalt  }
0x4a: {  	_ =	shalt  }
0x4b: {  	_ =	shalt  }
0x4c: {  	_ =	shalt  }
0x4d: {  	_ =	shalt  }
0x4e: {  	_ =	shalt  }
0x4f: {  	_ =	shalt  }
0x50: {  	_ =	shalt  }
0x51: {  	_ =	shalt  }
0x52: {  	_ =	shalt  }
0x53: {  	_ =	shalt  }
0x54: {  	_ =	shalt  }
0x55: {  	_ =	shalt  }
0x56: {  	_ =	shalt  }
0x57: {  	_ =	shalt  }
0x58: {  	_ =	shalt  }
0x59: {  	_ =	shalt  }
0x5a: {  	_ =	shalt  }
0x5b: {  	_ =	shalt  }
0x5c: {  	_ =	shalt  }
0x5d: {  	_ =	shalt  }
0x5e: {  	_ =	shalt  }
0x5f: {  	_ =	shalt  }
0x60: {  	_ =	shalt  }
0x61: {  	_ =	shalt  }
0x62: {  	_ =	shalt  }
0x63: {  	_ =	shalt  }
0x64: {  	_ =	shalt  }
0x65: {  	_ =	shalt  }
0x66: {  	_ =	shalt  }
0x67: {  	_ =	shalt  }
0x68: {  	_ =	shalt  }
0x69: {  	_ =	shalt  }
0x6a: {  	_ =	shalt  }
0x6b: {  	_ =	shalt  }
0x6c: {  	_ =	shalt  }
0x6d: {  	_ =	shalt  }
0x6e: {  	_ =	shalt  }
0x6f: {  	_ =	shalt  }
0x70: {  	_ =	shalt  }
0x71: {  	_ =	shalt  }
0x72: {  	_ =	shalt  }
0x73: {  	_ =	shalt  }
0x74: {  	_ =	shalt  }
0x75: {  	_ =	shalt  }
0x76: {  	_ =	shalt  }
0x77: {  	_ =	shalt  }
0x78: {  	_ =	shalt  }
0x79: {  	_ =	shalt  }
0x7a: {  	_ =	shalt  }
0x7b: {  	_ =	shalt  }
0x7c: {  	_ =	shalt  }
0x7d: {  	_ =	shalt  }
0x7e: {  	_ =	shalt  }
0x7f: {  	_ =	shalt  }
0x80: {  	_ =	shalt  }
0x81: {  	_ =	shalt  }
0x82: {  	_ =	shalt  }
0x83: {  	_ =	shalt  }
0x84: {  	_ =	shalt  }
0x85: {  	_ =	shalt  }
0x86: {  	_ =	shalt  }
0x87: {  	_ =	shalt  }
.Lfunc_end0:
.L_simem_size_0:
called_computation_lowered:
.L_overlay_start_0:
0x88: {  	s2 =	sld [smem:$0x3FD9]  }
0x89: {  	s3 =	sld [smem:$0x3FFE];
	_ =	sdelay $0x1  }
0x8a: {  	s1 =	srdreg.scid  }
0x8b: {  	s0 =	sand.u32 $0x1, s1  }
0x8c: {  	s16 =	sshll.u32 s0, $0xA;
	s2 =	sadd.s32 s3, s2  }
0x8d: {  	s2 =	sadd.s32 s2, s16  }
0x8e: {  	[smem:$0x3FA4] =	sst s2  }
0x8f: {  	_ = 	snop  }
0x90: {  	(tm) =	ssettm $0x1  }
0x91: {  	s17 =	sld [smem:$0x3FFB];
	_ =	sdelay $0x3  }
0x92: {  	_ =	strace s17  }
0x93: {  	s2 =	sld [smem:$0x3FFC];
	_ =	sdelay $0x3  }
0x94: {  	_ =	strace s2  }
0x95: {  	s2 =	sld [smem:$0x3FFD];
	_ =	sdelay $0x3  }
0x96: {  	_ =	strace s2  }
0x97: {  	_ =	strace $0x8FFFFFFF  }
0x98: {  	s18 =	sld [smem:$0x3FDB];
	_ =	sdelay $0x1  }
0x99: {  	s19 =	simm.s32 $_scs_section_size  }
0x9a: {  	s4 =	simm.s32 $_size__tile_overlayer_lowered;
	s5 =	simm.s32 $_tile_overlayer_lowered  }
0x9b: {  	s22 =	simm.s32 $0x1BFF;
	s21 =	sshll.u32 s5, $0x1;
	s2 =	sadd.s32 s19, s18  }
0x9c: {  	s6 =	simm.s32 $0x0;
	s20 =	sshll.u32 s4, $0x1;
	s4 =	sadd.s32 s21, s2  }
0x9d: {  	[timem:s6], [sflag:s22] =	dma.local [hbm:s4], s20  }
0x9e: {  	_ =	swait.ge [sflag:s22], s20  }
0x9f: {  	s3 =	ssub.s32 $0x0, s20;
	[sflag:s22] =	ssyncset.done $0x0  }
0xa0: {  	[sflag:s22] =	ssyncadd.s32 s3;
	_ =	sdelay $0x1  }
0xa1: {  	s23 =	simm.s32 $0x1B8B  }
0xa2: {  	_ =	swait.ge [sflag:s23], $0x1  }
0xa3: {  	[sflag:s23] =	ssyncset.done $0x0  }
0xa4: {  	s25 =	simm.s32 $0x1B8E;
	s24 =	sld [smem:$0x3FFE];
	[sflag:s23] =	ssyncadd.s32 $0xFFFFFFFF  }
0xa5: {  	s26 =	simm.s32 $execute0_lowered;
	[smem:$0x3FD2] =	sst s25  }
0xa6: {  	s4 =	sshll.u32 s26, $0x1;
	_ =	strace $0x80000046;
	[dreg:$0x1] =	wrdreg $0xFFFFFFFF  }
0xa7: {  	s28 =	simm.s32 $_size_execute0_lowered;
	s2 =	sadd.s32 s2, s4;
	[dreg:$0x0] =	wrdreg $0x0  }
0xa8: {  	s4 =	sshll.u32 s28, $0x1;
	[dreg:$0x2] =	wrdreg s2  }
0xa9: {  	[dreg:$0x3] =	wrdreg s4  }
0xaa: {  	[dreg:$0x4] =	wrdreg $0xC0  }
0xab: {  	_ =	task [dreg:s6], $0x5FFFF  }
0xac: {  	[dreg:$0x1] =	wrdreg $0xFFFFFFFF  }
0xad: {  	[dreg:$0x0] =	wrdreg $0x60  }
0xae: {  	[dreg:$0x2] =	wrdreg s24  }
0xaf: {  	[dreg:$0x3] =	wrdreg $0x9  }
0xb0: {  	_ =	task.clear_ibuf [dreg:s6], $0x4FFFF;
	_ =	strace $0x90000046  }
0xb1: {  	s29 =	simm.s32 $0x9;
	_ =	strace $0x80000048  }
0xb2: {  	_ =	swait.ge [sflag:s29], $0x1  }
0xb3: {  	[sflag:s29] =	ssyncadd.s32 $0xFFFFFFFF  }
0xb4: {  	_ =	strace $0x90000048  }
0xb5: {  	_ =	sfence  }
0xb6: {  	s30 =	sld [smem:$0x0];
	_ =	sdelay $0x2  }
0xb7: {  	s31 =	sshll.u32 s1, $0xD;
	s1 =	sshrl.u32 s1, $0x2  }
0xb8: {  	s3 =	sand.u32 $0x4000, s31;
	s1 =	sadd.s32 s1, s30  }
0xb9: {  	s0 =	sor.u32 s3, s0;
	s1 =	sshll.u32 s1, $0x11  }
0xba: {  	s0 =	sor.u32 s1, s0  }
0xbb: {  	s0 =	sadd.s32 $0x8F2B, s0  }
0xbc: {  	[sflag:s0] =	ssyncadd.remote.s32 $0x1  }
0xbd: {  	_ =	sfence.sel $0xFFFF  }
0xbe: {  	[dreg:$0x0] =	wrdreg $0xFFFFFFFF;
	(pc) =	sbr.abs _section_cstart, $3  }
0xbf: {  	[dreg:$0x1] =	wrdreg $0xFFFFFFFF  }
0xc0: {  	_ =	task.clear_ibuf [dreg:s6], $0x2FFFF;
	_ =	strace $0x9FFFFFFF  }
0xc1: {  	(tm) =	ssettm $0x7FFFFFFF  }
tec
execute0_lowered:
.L_overlay_start_1:
0x0: {  	(tag) =	ssettag $0x1  }
0x1: {  	s8 =	rddreg [dreg:$0x0]  }
0x2: {  	s0 =	rddreg [dreg:$0x1];
	_ =	strace $0x80000047;
	s1 =	stileid.u32  }
0x3: {  	s3 =	srdreg.scid;
	s4 =	simm.s32 $0x1;
	s7 =	simm.s32 $0x1  }
0x4: {  	s9 =	simm.s32 $0x1;
	s10 =	simm.s32 $0x3;
	s13 =	simm.s32 $0x0  }
0x5: {  	s12 =	simm.s32 $0x0;
	s5 =	sand.u32 $0x1, s3;
	s6 =	sshll.u32 s1, $0x1  }
0x6: {  	s2 =	sadd.s32 $0xCC00, s8;
	s3 =	sadd.s32 $0x7400, s8;
	s5 =	sor.u32 s6, s5  }
.Ltmp0:
0x7: {  	[sflag:s4] =	ssyncpa.u1 $0x0;
	p0 =	slt.u32 s5, $0x13;
	(pc) =	sbr.rel .LBB2_1-.Ltmp0, $4  }
0x8: {  	s6 =	simm.s32 $0x2;
	s7 =	simm.s32 @!p0 $0x0;
	p0 =	sne.s32 s5, $0x12  }
0x9: {  	[sflag:s6] =	ssyncpa.u1 $0x0;
	s5 =	smul.u32 $0xE10, s5;
	s9 =	simm.s32 @!p0 $0x0  }
0xa: {  	s8 =	sadd.s32 $0x13E00, s8;
	[sflag:s10] =	ssyncpa.u1 $0x0;
	s7 =	sadd.s32 s9, s7  }
0xb: {  	vm0 =	vmmov $0xffff;
	s10 =	simm.s32 $0x0;
	s11 =	smov.u32 s5;
	s9 =	sadd.s32 $0x1, s7  }
.LBB2_4:
0xc: {  	v2 =	vnsel vm1, $0x0, v2  }
0xd: {  	vm1 =	vgt.s32 v0, $0x0;
	v2 =	vmin.u32 v2, $0x2BF1F  }
0xe: {  	v0 =	vnsel vm1, $0x0, v0  }
0xf: {  	v0 =	vmin.u32 v0, $0x2BF1F  }
0x10: {  	[tilespmem:s18], [sflag:$0x1] =	stream.indirect_vreg.gather [hbm4b:s2+s10], $0x1, v1, vm0, $0x4038;
	[tilespmem:$0x3840] =	vst v63  }
0x11: {  	(ifvalue) =	ssetifvalue $0x7FFFFFFF  }
0x12: {  	[tilespmem:s15], [sflag:$0x1] =	stream.indirect_vreg.gather [hbm4b:s2+s10], $0x1, v2, vm0, $0x4038;
	[tilespmem:$0x3840] =	vst v63  }
0x13: {  	s29 =	sadd.s32 $0x10, s15;
	(ifvalue) =	ssetifvalue $0x7FFFFFFF  }
0x14: {  	[tilespmem:s29], [sflag:$0x1] =	stream.indirect_vreg.gather [hbm4b:s2+s10], $0x1, v0, vm0, $0x4038;
	[tilespmem:$0x3840] =	vst v63  }
0x15: {  	_ =	swait.ge [sflag:s4], $0xE10  }
0x16: {  	s30 =	sshrl.u32 s13, $0x3;
	[sflag:s4] =	ssyncset.done $0x0  }
0x17: {  	s31 =	sand.u32 $0x7, s13;
	s15 =	sadd.s32 s8, s30;
	[sflag:s4] =	ssyncadd.s32 $0xFFFFF1F0  }
0x18: {  	[hbm4b:s15+s31] =	stream.linear.scatter [tilespmem:s14], [sflag:$0x3], $0xE10, $0x38;
	[tilespmem:$0x3840] =	vst v63  }
.LBB2_5:
0x19: {  	s15 =	sadd.s32 $0x1C200, s11  }
0x1a: {  	p1 =	sgt.s32 s15, $0x2BF1F  }
0x1b: {  	s15 =	smov.u32 @p1 s5;
	p1 =	sne.s32 s12, s9  }
.Ltmp1:
0x1c: {  	p0 =	slt.u32 s12, $0x2;
	(pc) =	sbr.rel @!p1 .LBB2_6-.Ltmp1, $4  }
0x1d: {  	s14 =	simm.s32 @!p0 $0x3  }
0x1e: {  	_ =	swait.ge @!p0 [sflag:s14], $0xE10  }
0x1f: {  	s16 =	sadd.s32 $0x1, s12;
	s13 =	smov.u32 s11;
	[sflag:s14] =	ssyncset.done @!p0 $0x0  }
0x20: {  	s12 =	smov.u32 s16;
	s11 =	smov.u32 s15;
	[sflag:s14] =	ssyncadd.s32 @!p0 $0xFFFFF1F0  }
.LBB2_1:
0x21: {  	p0 =	sge.u32 s12, s7  }
0x22: {  	s14 =	sxor.u32 @!p0 $0x1, s12  }
0x23: {  	s14 =	smul.u32 @!p0 $0x3840, s14  }
0x24: {  	s31 =	sadd.s32 $0xFFFFFFFF, s12;
	s15 =	sshrl.u32 @!p0 s11, $0x3  }
0x25: {  	s16 =	sand.u32 @!p0 $0x7, s11;
	s15 =	sadd.s32 @!p0 s3, s15;
	s14 =	sshra.s32 @!p0 s14, $0x2  }
0x26: {  	[tilespmem:s14], [sflag:$0x2] =	stream.linear.gather @!p0 [hbm4b:s15+s16], $0xE10, $0x38;
	[tilespmem:$0x3840] =	vst v63  }
0x27: {  	p0 =	sge.u32 s31, s7  }
.Ltmp2:
0x28: {  	_ = 	snop;
	(pc) =	sbr.rel @p0 .LBB2_5-.Ltmp2, $1  }
0x29: {  	_ =	sdelay $0x3  }
0x2a: {  	s14 =	sand.u32 $0x1, s12  }
0x2b: {  	_ =	swait.ge [sflag:s6], $0xE10;
	p0 =	seq.s32 s14, $0x1;
	s14 =	simm.s32 $0xE10  }
0x2c: {  	[sflag:s6] =	ssyncset.done $0x0;
	s14 =	simm.s32 @!p0 $0x0  }
0x2d: {  	[sflag:s6] =	ssyncadd.s32 $0xFFFFF1F0;
	(ifvalue) =	ssetifvalue $0x7FFFFFFF;
	v0 =	vld.msk [tilespmem:s14+$0x0 ss:$0x1], $0xffff;
	_ =	sdelay $0x4  }
0x2e: {  	s15 =	sadd.s32 $0x10, s14;
	vm1 =	vgt.s32 v0, $0x0  }
0x2f: {  	v2 =	vld.msk [tilespmem:s15+$0x0 ss:$0x1], $0xffff;
	v1 =	vnsel vm1, $0x0, v0  }
0x30: {  	v1 =	vmin.u32 v1, $0x2BF1F;
	_ =	sdelay $0x2  }
0x31: {  	s17 =	simm.s32 $0x20;
	s14 =	sadd.s32 $0x1C20, s14;
	s16 =	sadd.s32 $0x10, s15  }
0x32: {  	s15 =	sadd.s32 $0x10, s14;
	s18 =	smov.u32 s14;
	v0 =	vld.msk [tilespmem:s16+$0x0 ss:$0x1], $0xffff;
	vm1 =	vgt.s32 v2, $0x0;
	(ifvalue) =	ssetifvalue $0x7FFFFFFF  }
.LBB2_3:
0x33: {  	[tilespmem:s18], [sflag:$0x1] =	stream.indirect_vreg.gather [hbm4b:s2+s10], $0x1, v1, vm0, $0x4038;
	[tilespmem:$0x3840] =	vst v63  }
0x34: {  	s17 =	sadd.s32 $0x10, s17  }
0x35: {  	v2 =	vnsel vm1, $0x0, v2;
	p0 =	slt.u32 s17, $0xE00  }
.Ltmp3:
0x36: {  	s18 =	smov.u32 s15;
	v1 =	vmin.u32 v2, $0x2BF1F;
	(pc) =	sbr.rel @p0 .LBB2_3-.Ltmp3, $3  }
0x37: {  	_ =	sdelay $0x1  }
0x38: {  	s16 =	sadd.s32 $0x10, s16  }
0x39: {  	vm1 =	vgt.s32 v0, $0x0;
	s15 =	sadd.s32 $0x10, s15;
	v2 =	vmov v0;
	(ifvalue) =	ssetifvalue $0x7FFFFFFF;
	v0 =	vld.msk [tilespmem:s16+$0x0 ss:$0x1], $0xffff  }
.Ltmp4:
0x3a: {  	_ = 	snop;
	(pc) =	sbr.rel .LBB2_4-.Ltmp4, $1  }
0x3b: {  	_ =	sdelay $0x3  }
.LBB2_6:
0x3c: {  	_ =	sfence.sel $0x180000  }
0x3d: {  	s2 =	simm.s32 $0x2;
	[bflag:$0x0] =	sbarrier.arrive $0xFFFF  }
0x3e: {  	s30 =	simm.s32 $0x3;
	[sflag:s2] =	ssyncpa.u1 $0x1  }
0x3f: {  	s31 =	simm.s32 $0x1;
	[sflag:s30] =	ssyncpa.u1 $0x1  }
0x40: {  	[sflag:s31] =	ssyncpa.u1 $0x1  }
0x41: {  	p0 =	sne.s32 s1, $0x0;
	_ =	strace $0x90000047  }
0x42: {  	s0 =	sadd.s32 @!p0 $0x100000, s0;
	[bflag:$0x2] =	sbarrier.arrive $0xFFFF  }
0x43: {  	[sflag:s0] =	ssyncadd.tile.s32 @!p0 $0x1;
	_ =	shalt  }
.Lfunc_end2:
_tile_overlayer_lowered:
.L_overlay_start_2:
0x44: {  	(tag) =	ssettag $0x2  }
0x45: {  	s0 =	rddreg [dreg:$0x0];
	s2 =	stileid.u32  }
0x46: {  	s1 =	rddreg [dreg:$0x1];
	p0 =	sne.s32 s2, $0x0  }
0x47: {  	s3 =	rddreg [dreg:$0x2];
	[bflag:$0x3] =	sbarrier.arrive $0xFFFF;
	s2 =	simm.s32 @!p0 $0x1C01  }
0x48: {  	[timem:s3], [sflag:s2] =	dma.local @!p0 [hbm:s0], s1  }
0x49: {  	s0 =	simm.s32 @!p0 $0x1  }
0x4a: {  	_ =	swait.ge @!p0 [sflag:s0], s1  }
0x4b: {  	s1 =	ssub.s32 @!p0 $0x0, s1;
	[sflag:s0] =	ssyncset.done @!p0 $0x0  }
0x4c: {  	[sflag:s0] =	ssyncadd.s32 @!p0 s1  }
0x4d: {  	[bflag:$0x3] =	sbarrier.arrive $0xFFFF  }
0x4e: {  	_ =	shalt  }

// kernel: kernel.5.cloned.1.call-start
scs
__scs_entry_jumppad:
0x0: {  	(pc) =	sbr.rel $0x88, $3  }
0x1: {  	(tag) =	ssettag $0x0;
	lr =	simm.s32 $0x1  }
0x2: {  	[smem:$0x3F7D] =	sst lr;
	_ =	strace $0xD0000000  }
0x3: {  	_ = 	snop  }
0x4: {  	_ = 	snop  }
0x5: {  	_ = 	snop  }
0x6: {  	_ = 	snop  }
0x7: {  	_ = 	snop  }
__scs_overlays_trampoline_lowered:
0x8: {  	[smem:$0x3F8C] =	sst s0  }
0x9: {  	[smem:$0x3F8D] =	sst s1  }
0xa: {  	[smem:$0x3F8E] =	sst s2  }
0xb: {  	[smem:$0x3F8F] =	sst s3  }
0xc: {  	[smem:$0x3F90] =	sst s4  }
0xd: {  	[smem:$0x3F91] =	sst s5  }
0xe: {  	[smem:$0x3F92] =	sst s6  }
0xf: {  	[smem:$0x3F93] =	sst s7  }
0x10: {  	[smem:$0x3F94] =	sst s8  }
0x11: {  	[smem:$0x3F95] =	sst s9;
	s0 =	simm.s32 @!p0 $0x0  }
0x12: {  	s1 =	sld [smem:$0x3F7B];
	s0 =	simm.s32 @p0 $0x1  }
0x13: {  	[smem:$0x3F96] =	sst s0;
	s0 =	simm.s32 @!p1 $0x0  }
0x14: {  	s2 =	sld [smem:$0x3F7A];
	s0 =	simm.s32 @p1 $0x1  }
0x15: {  	[smem:$0x3F97] =	sst s0;
	s0 =	simm.s32 @!p2 $0x0  }
0x16: {  	s3 =	sld [smem:$0x3FDB];
	s0 =	simm.s32 @p2 $0x1  }
0x17: {  	s4 =	simm.s32 $0x1BF5;
	[smem:$0x3F99] =	sst s0  }
0x18: {  	s0 =	sld [smem:$0x3F7C];
	_ =	swait.ge [sflag:s4], $0x0  }
0x19: {  	s7 =	sld [smem:$0x3F7D]  }
0x1a: {  	s8 =	sadd.s32 $0xFFFFE003, lr  }
0x1b: {  	s9 =	sadd.s32 $0xFFFFFEF7, lr;
	s5 =	simm.s32 $0xFFFFFFFF;
	p2 =	slt.u32 s8, $0xFFFFF086  }
0x1c: {  	p1 =	slt.u32 s9, $0xF7A;
	s5 =	simm.s32 @!p2 $0x0  }
0x1d: {  	s5 =	simm.s32 @p1 $0x1;
	p0 =	seq.s32 s7, s2  }
0x1e: {  	s7 =	smul.u32 @!p0 $0xF7A, s2;
	p2 =	seq.s32 @!p0 s5, $0x0  }
0x1f: {  	s9 =	smul.u32 $0xF7A, s1;
	s8 =	simm.s32 @!p0 $0x1BF5;
	p2 =	por !p2, p0  }
0x20: {  	[sflag:s8] =	ssyncset.s32 @!p0 $0xFFFFF086;
	s6 =	sadd.s32 @!p0 s3, s7;
	s7 =	simm.s32 @!p0 $0x108  }
0x21: {  	s3 =	sadd.s32 s3, s9;
	s6 =	sadd.s32 @!p0 $0x88, s6;
	s7 =	simm.s32 @p2 $0x1082  }
0x22: {  	[simem:s7], [sflag:s8] =	dma.local @!p0 [hbm:s6], $0xF7A  }
0x23: {  	s9 =	sor.u32 $0xD0000000, s2;
	s6 =	simm.s32 $0x108;
	_ =	swait.ge @!p0 [sflag:s8], $0x0  }
0x24: {  	s3 =	sadd.s32 $0x88, s3;
	s6 =	simm.s32 @!p1 $0x1082;
	[sflag:s4] =	ssyncset.s32 $0xFFFFF086  }
0x25: {  	[simem:s6], [sflag:s4] =	dma.local [hbm:s3], $0xF7A  }
0x26: {  	[smem:$0x3F7D] =	sst s1;
	(tag) =	ssettag s2;
	_ =	strace s9  }
0x27: {  	s1 =	sld [smem:$0x3F8D]  }
0x28: {  	s2 =	sld [smem:$0x3F8E]  }
0x29: {  	s4 =	sld [smem:$0x3F90]  }
0x2a: {  	p0 =	seq.s32 s5, $0x0;
	s5 =	sld [smem:$0x3F91]  }
0x2b: {  	s6 =	sld [smem:$0x3F92]  }
0x2c: {  	s7 =	sld [smem:$0x3F93]  }
0x2d: {  	s3 =	simm.s32 $0x108;
	s8 =	sld [smem:$0x3F94]  }
0x2e: {  	s3 =	simm.s32 @!p0 $0x1082;
	s9 =	sld [smem:$0x3F95]  }
0x2f: {  	lr =	sadd.s32 s0, s3;
	s0 =	sld [smem:$0x3F8C]  }
0x30: {  	s3 =	sld [smem:$0x3F8F]  }
0x31: {  	[smem:$0x3F98] =	sst s10  }
0x32: {  	s10 =	sld [smem:$0x3F96];
	_ =	sdelay $0x3  }
0x33: {  	p0 =	seq.s32 s10, $0x1;
	s10 =	sld [smem:$0x3F98];
	_ =	sdelay $0x3  }
0x34: {  	[smem:$0x3F98] =	sst s10  }
0x35: {  	s10 =	sld [smem:$0x3F97];
	_ =	sdelay $0x3  }
0x36: {  	p1 =	seq.s32 s10, $0x1;
	s10 =	sld [smem:$0x3F98];
	_ =	sdelay $0x3  }
0x37: {  	[smem:$0x3F98] =	sst s10  }
0x38: {  	s10 =	sld [smem:$0x3F99]  }
0x39: {  	_ = 	snop;
	(pc) =	sbr.ind lr, $3  }
0x3a: {  	_ = 	snop  }
0x3b: {  	_ = 	snop  }
0x3c: {  	p2 =	seq.s32 s10, $0x1;
	s10 =	sld [smem:$0x3F98]  }
0x3d: {  	_ =	shalt  }
0x3e: {  	_ =	shalt  }
0x3f: {  	_ =	shalt  }
0x40: {  	_ =	shalt  }
0x41: {  	_ =	shalt  }
0x42: {  	_ =	shalt  }
0x43: {  	_ =	shalt  }
0x44: {  	_ =	shalt  }
0x45: {  	_ =	shalt  }
0x46: {  	_ =	shalt  }
0x47: {  	_ =	shalt  }
0x48: {  	_ =	shalt  }
0x49: {  	_ =	shalt  }
0x4a: {  	_ =	shalt  }
0x4b: {  	_ =	shalt  }
0x4c: {  	_ =	shalt  }
0x4d: {  	_ =	shalt  }
0x4e: {  	_ =	shalt  }
0x4f: {  	_ =	shalt  }
0x50: {  	_ =	shalt  }
0x51: {  	_ =	shalt  }
0x52: {  	_ =	shalt  }
0x53: {  	_ =	shalt  }
0x54: {  	_ =	shalt  }
0x55: {  	_ =	shalt  }
0x56: {  	_ =	shalt  }
0x57: {  	_ =	shalt  }
0x58: {  	_ =	shalt  }
0x59: {  	_ =	shalt  }
0x5a: {  	_ =	shalt  }
0x5b: {  	_ =	shalt  }
0x5c: {  	_ =	shalt  }
0x5d: {  	_ =	shalt  }
0x5e: {  	_ =	shalt  }
0x5f: {  	_ =	shalt  }
0x60: {  	_ =	shalt  }
0x61: {  	_ =	shalt  }
0x62: {  	_ =	shalt  }
0x63: {  	_ =	shalt  }
0x64: {  	_ =	shalt  }
0x65: {  	_ =	shalt  }
0x66: {  	_ =	shalt  }
0x67: {  	_ =	shalt  }
0x68: {  	_ =	shalt  }
0x69: {  	_ =	shalt  }
0x6a: {  	_ =	shalt  }
0x6b: {  	_ =	shalt  }
0x6c: {  	_ =	shalt  }
0x6d: {  	_ =	shalt  }
0x6e: {  	_ =	shalt  }
0x6f: {  	_ =	shalt  }
0x70: {  	_ =	shalt  }
0x71: {  	_ =	shalt  }
0x72: {  	_ =	shalt  }
0x73: {  	_ =	shalt  }
0x74: {  	_ =	shalt  }
0x75: {  	_ =	shalt  }
0x76: {  	_ =	shalt  }
0x77: {  	_ =	shalt  }
0x78: {  	_ =	shalt  }
0x79: {  	_ =	shalt  }
0x7a: {  	_ =	shalt  }
0x7b: {  	_ =	shalt  }
0x7c: {  	_ =	shalt  }
0x7d: {  	_ =	shalt  }
0x7e: {  	_ =	shalt  }
0x7f: {  	_ =	shalt  }
0x80: {  	_ =	shalt  }
0x81: {  	_ =	shalt  }
0x82: {  	_ =	shalt  }
0x83: {  	_ =	shalt  }
0x84: {  	_ =	shalt  }
0x85: {  	_ =	shalt  }
0x86: {  	_ =	shalt  }
0x87: {  	_ =	shalt  }
.Lfunc_end0:
.L_simem_size_0:
called_computation.1_lowered:
.L_overlay_start_0:
0x88: {  	s2 =	sld [smem:$0x3FD9]  }
0x89: {  	s3 =	sld [smem:$0x3FFE];
	_ =	sdelay $0x1  }
0x8a: {  	s1 =	srdreg.scid  }
0x8b: {  	s0 =	sand.u32 $0x1, s1  }
0x8c: {  	s17 =	sshll.u32 s0, $0xA;
	s2 =	sadd.s32 s3, s2  }
0x8d: {  	s2 =	sadd.s32 s2, s17  }
0x8e: {  	[smem:$0x3FA4] =	sst s2  }
0x8f: {  	_ = 	snop  }
0x90: {  	s2 =	sld [smem:$0x3FD0];
	(tm) =	ssettm $0x1  }
0x91: {  	s18 =	sld [smem:$0x3FFB];
	_ =	sdelay $0x3  }
0x92: {  	_ =	strace s18  }
0x93: {  	s3 =	sld [smem:$0x3FFC];
	_ =	sdelay $0x3  }
0x94: {  	_ =	strace s3  }
0x95: {  	s3 =	sld [smem:$0x3FFD];
	_ =	sdelay $0x3  }
0x96: {  	_ =	strace s3  }
0x97: {  	_ =	strace $0x8FFFFFFF  }
0x98: {  	s19 =	sld [smem:$0x3FDB];
	_ =	sdelay $0x1  }
0x99: {  	s4 =	simm.s32 $_scs_section_size  }
0x9a: {  	s5 =	simm.s32 $_size__tile_overlayer_lowered;
	s6 =	simm.s32 $_tile_overlayer_lowered  }
0x9b: {  	s22 =	simm.s32 $0x1BFF;
	s21 =	sshll.u32 s6, $0x1;
	s3 =	sadd.s32 s4, s19  }
0x9c: {  	s7 =	simm.s32 $0x0;
	s20 =	sshll.u32 s5, $0x1;
	s5 =	sadd.s32 s21, s3  }
0x9d: {  	[timem:s7], [sflag:s22] =	dma.local [hbm:s5], s20  }
0x9e: {  	_ =	swait.ge [sflag:s22], s20  }
0x9f: {  	s4 =	ssub.s32 $0x0, s20;
	[sflag:s22] =	ssyncset.done $0x0  }
0xa0: {  	[sflag:s22] =	ssyncadd.s32 s4;
	_ =	sdelay $0x1  }
0xa1: {  	s23 =	simm.s32 $0x1B8B  }
0xa2: {  	_ =	swait.ge [sflag:s23], $0x1  }
0xa3: {  	[sflag:s23] =	ssyncset.done $0x0  }
0xa4: {  	s25 =	simm.s32 $0x1B8E;
	s24 =	sld [smem:$0x3FFE];
	[sflag:s23] =	ssyncadd.s32 $0xFFFFFFFF  }
0xa5: {  	s26 =	simm.s32 $execute0_lowered;
	[smem:$0x3FD2] =	sst s25  }
0xa6: {  	s5 =	sshll.u32 s26, $0x1;
	_ =	strace $0x80000049;
	[dreg:$0x1] =	wrdreg $0xFFFFFFFF  }
0xa7: {  	s28 =	simm.s32 $_size_execute0_lowered;
	s3 =	sadd.s32 s3, s5;
	[dreg:$0x0] =	wrdreg $0x0  }
0xa8: {  	s5 =	sshll.u32 s28, $0x1;
	[dreg:$0x2] =	wrdreg s3  }
0xa9: {  	[dreg:$0x3] =	wrdreg s5  }
0xaa: {  	[dreg:$0x4] =	wrdreg $0xC0  }
0xab: {  	_ =	task [dreg:s7], $0x5FFFF  }
0xac: {  	[dreg:$0x1] =	wrdreg $0xFFFFFFFF  }
0xad: {  	[dreg:$0x0] =	wrdreg $0x60  }
0xae: {  	[dreg:$0x2] =	wrdreg s24  }
0xaf: {  	[dreg:$0x3] =	wrdreg s2  }
0xb0: {  	[dreg:$0x4] =	wrdreg $0x9  }
0xb1: {  	_ =	task.clear_ibuf [dreg:s7], $0x5FFFF;
	_ =	strace $0x90000049  }
0xb2: {  	s29 =	simm.s32 $0x9;
	_ =	strace $0x8000004B  }
0xb3: {  	_ =	swait.ge [sflag:s29], $0x1  }
0xb4: {  	[sflag:s29] =	ssyncadd.s32 $0xFFFFFFFF  }
0xb5: {  	_ =	strace $0x9000004B  }
0xb6: {  	_ =	sfence  }
0xb7: {  	s30 =	sld [smem:$0x0];
	_ =	sdelay $0x2  }
0xb8: {  	s31 =	sshll.u32 s1, $0xD;
	s1 =	sshrl.u32 s1, $0x2  }
0xb9: {  	s3 =	sand.u32 $0x4000, s31;
	s1 =	sadd.s32 s1, s30  }
0xba: {  	s0 =	sor.u32 s3, s0;
	s1 =	sshll.u32 s1, $0x11  }
0xbb: {  	s0 =	sor.u32 s1, s0  }
0xbc: {  	s0 =	sadd.s32 $0x8F2B, s0  }
0xbd: {  	[sflag:s0] =	ssyncadd.remote.s32 $0x1  }
0xbe: {  	_ =	sfence.sel $0xFFFF  }
0xbf: {  	[dreg:$0x0] =	wrdreg $0xFFFFFFFF;
	(pc) =	sbr.abs _section_cstart, $3  }
0xc0: {  	[dreg:$0x1] =	wrdreg $0xFFFFFFFF  }
0xc1: {  	_ =	task.clear_ibuf [dreg:s7], $0x2FFFF;
	_ =	strace $0x9FFFFFFF  }
0xc2: {  	(tm) =	ssettm $0x7FFFFFFF  }
0xc3: {  	_ =	shalt  }
tec
execute0_lowered:
.L_overlay_start_1:
0x0: {  	(tag) =	ssettag $0x1  }
0x1: {  	s4 =	rddreg [dreg:$0x0];
	s1 =	srdreg.scid  }
0x2: {  	s0 =	stileid.u32;
	s5 =	rddreg [dreg:$0x1];
	s2 =	simm.s32 $0x0  }
0x3: {  	s12 =	simm.s32 $0x9600;
	s13 =	simm.s32 $0x1;
	s14 =	simm.s32 $0x2  }
0x4: {  	s15 =	simm.s32 $0x3;
	s16 =	simm.s32 $0x0;
	s6 =	sand.u32 $0x1, s1  }
0x5: {  	s3 =	sshll.u32 s0, $0x1;
	s1 =	rddreg [dreg:$0x2];
	s8 =	smul.u32 $0x2C00, s0  }
0x6: {  	[smem:$0x7FF] =	sst s2;
	s11 =	smul.u32 $0x2C000, s0;
	s29 =	sadd.s32 $0x2BF000, s5  }
0x7: {  	s3 =	sor.u32 s6, s3;
	_ =	strace $0x8000004A;
	s10 =	smul.u32 $0x1600, s6  }
0x8: {  	s9 =	ssub.s32 $0x2, s6;
	s6 =	smul.u32 $0x16000, s6;
	[dreg:$0x4] =	wrdreg s29  }
0x9: {  	s7 =	smul.u32 $0x1600, s3;
	s3 =	sadd.s32 $0x19600, s4;
	s28 =	sshrl.u32 s9, $0x1  }
0xa: {  	s30 =	sadd.s32 s11, s5;
	s11 =	simm.s32 $0x100;
	s31 =	sadd.s32 s10, s8  }
0xb: {  	s6 =	sadd.s32 s6, s30;
	s8 =	simm.s32 $0x80;
	s10 =	simm.s32 $0x5600  }
0xc: {  	s7 =	sshrl.u32 s7, $0x3;
	[dreg:$0x3] =	wrdreg s31;
	s6 =	sadd.s32 $0x1000, s6  }
0xd: {  	s4 =	sadd.s32 s7, s4;
	s7 =	ssub.s32 s9, s28;
	s9 =	simm.s32 $0x1600  }
0xe: {  	s4 =	sadd.s32 $0x7400, s4;
	s5 =	smax.u32 s7, $0x1;
	s7 =	simm.s32 $0x5  }
.LBB2_1:
0xf: {  	[tilespmem:s2], [sflag:$0x5] =	stream.linear.gather [hbm4b:s4+s2], $0x1600, $0x38;
	[tilespmem:$0x11600] =	vst v63  }
0x10: {  	_ =	swait.ge [sflag:s7], $0x1600  }
0x11: {  	[sflag:s7] =	ssyncset.done $0x0  }
0x12: {  	[sflag:s7] =	ssyncadd.s32 $0xFFFFEA00  }
0x13: {  	[tilespmem:s9], [sflag:$0x1] =	stream.indirect.gather [hbm4b:s3+s8], $0x80, s2, s8, $0xb8;
	[tilespmem:$0x11600] =	vst v63  }
0x14: {  	_ = 	snop  }
0x15: {  	[tilespmem:s10], [sflag:$0x2] =	stream.indirect.gather [hbm4b:s3+s8], $0x80, s8, s8, $0xb8;
	[tilespmem:$0x11600] =	vst v63  }
0x16: {  	_ = 	snop  }
0x17: {  	[tilespmem:s12], [sflag:$0x3] =	stream.indirect.gather [hbm4b:s3+s8], $0x80, s11, s8, $0xb8;
	[tilespmem:$0x11600] =	vst v63  }
0x18: {  	_ =	swait.ge [sflag:s13], $0x4000  }
0x19: {  	[sflag:s13] =	ssyncset.done $0x0  }
0x1a: {  	s17 =	sadd.s32 $0xFFFFF000, s6;
	[sflag:s13] =	ssyncadd.s32 $0xFFFFC000  }
0x1b: {  	[hbm4b:s17+s2] =	stream.linear.scatter [tilespmem:s9], [sflag:$0x5], $0x4000, $0x38;
	[tilespmem:$0x11600] =	vst v63  }
0x1c: {  	_ =	swait.ge [sflag:s7], $0x4000  }
0x1d: {  	s30 =	rddreg [dreg:$0x3]  }
0x1e: {  	s18 =	sadd.s32 $0x0, s30  }
0x1f: {  	s19 =	sadd.s32 $0x180, s18  }
0x20: {  	s17 =	simm.s32 $0x180;
	[sflag:s7] =	ssyncset.done $0x0;
	p0 =	sgt.u32 s19, $0x2BF1F  }
0x21: {  	[sflag:s7] =	ssyncadd.s32 $0xFFFFC000;
	s20 =	simm.s32 @!p0 $0x80;
	s21 =	simm.s32 @!p0 $0xD600  }
0x22: {  	[tilespmem:s21], [sflag:$0x4] =	stream.indirect.gather @!p0 [hbm4b:s3+s20], $0x80, s17, s20, $0xb8;
	[tilespmem:$0x11600] =	vst v63  }
0x23: {  	_ =	swait.ge [sflag:s14], $0x4000  }
0x24: {  	p1 =	por $0x0, $0x0;
	s17 =	sadd.s32 $0x200, s18;
	[sflag:s14] =	ssyncset.done $0x0  }
0x25: {  	s31 =	sadd.s32 $0xFFFFF800, s6;
	p2 =	sgt.u32 @!p1 s17, $0x2BF1F;
	[sflag:s14] =	ssyncadd.s32 $0xFFFFC000  }
0x26: {  	[hbm4b:s31+s2] =	stream.linear.scatter [tilespmem:s10], [sflag:$0x5], $0x4000, $0x38;
	[tilespmem:$0x11600] =	vst v63  }
0x27: {  	p2 =	por p2, p1;
	_ =	swait.ge [sflag:s7], $0x4000  }
0x28: {  	s17 =	sadd.s32 $0x100, s18;
	s20 =	simm.s32 @!p2 $0x200;
	[sflag:s7] =	ssyncset.done $0x0  }
0x29: {  	s21 =	simm.s32 @!p2 $0x80;
	s22 =	simm.s32 @!p2 $0x1600;
	[sflag:s7] =	ssyncadd.s32 $0xFFFFC000  }
0x2a: {  	[tilespmem:s22], [sflag:$0x1] =	stream.indirect.gather @!p2 [hbm4b:s3+s21], $0x80, s20, s21, $0xb8;
	[tilespmem:$0x11600] =	vst v63  }
0x2b: {  	p2 =	sgt.u32 s17, $0x2BEA0;
	_ =	swait.ge [sflag:s15], $0x4000  }
0x2c: {  	p3 =	sgt.u32 @p2 s17, $0x2BF1F;
	s17 =	rddreg [dreg:$0x4]  }
0x2d: {  	[sflag:s15] =	ssyncset.done $0x0;
	p4 =	por p3, !p2;
	p3 =	sgt.u32 @!p0 s19, $0x2BEA0  }
0x2e: {  	[sflag:s15] =	ssyncadd.s32 $0xFFFFC000;
	s20 =	simm.s32 @!p4 $0x0;
	s21 =	simm.s32 @!p4 $0x9600  }
0x2f: {  	[hbm4b:s17+s20] =	stream.linear.scatter @!p4 [tilespmem:s21], [sflag:$0x5], $0x1000, $0x38;
	[tilespmem:$0x11600] =	vst v63  }
0x30: {  	s19 =	simm.s32 @!p2 $0x0;
	p3 =	por p3, p0;
	s21 =	simm.s32 @!p4 $0x5  }
0x31: {  	s20 =	sadd.s32 $0x280, s18;
	s18 =	sadd.s32 $0x300, s18;
	_ =	swait.ge @!p4 [sflag:s21], $0x1000  }
0x32: {  	p5 =	sgt.u32 @!p1 s20, $0x2BF1F;
	s20 =	simm.s32 @!p2 $0x9600;
	[sflag:s21] =	ssyncset.done @!p4 $0x0  }
0x33: {  	[sflag:s21] =	ssyncadd.s32 @!p4 $0xFFFFF000;
	s21 =	simm.s32 @!p2 $0x5;
	p4 =	por p5, p1  }
0x34: {  	[hbm4b:s6+s19] =	stream.linear.scatter @!p2 [tilespmem:s20], [sflag:$0x5], $0x4000, $0x38;
	[tilespmem:$0x11600] =	vst v63  }
0x35: {  	p5 =	sgt.u32 @!p1 s18, $0x2BF1F;
	s18 =	simm.s32 @!p4 $0x5600;
	_ =	swait.ge @!p2 [sflag:s21], $0x4000  }
0x36: {  	s19 =	simm.s32 @!p4 $0x280;
	s20 =	simm.s32 @!p4 $0x80;
	[sflag:s21] =	ssyncset.done @!p2 $0x0  }
0x37: {  	p1 =	por p5, p1;
	[sflag:s21] =	ssyncadd.s32 @!p2 $0xFFFFC000;
	s21 =	simm.s32 @!p0 $0x4  }
0x38: {  	[tilespmem:s18], [sflag:$0x2] =	stream.indirect.gather @!p4 [hbm4b:s3+s20], $0x80, s19, s20, $0xb8;
	[tilespmem:$0x11600] =	vst v63  }
0x39: {  	s17 =	simm.s32 $0x200;
	s22 =	simm.s32 @!p1 $0x9600;
	_ =	swait.ge @!p0 [sflag:s21], $0x4000  }
0x3a: {  	s18 =	sadd.s32 @!p3 $0x800, s6;
	s19 =	simm.s32 @!p3 $0xD600;
	[sflag:s21] =	ssyncset.done @!p0 $0x0  }
0x3b: {  	s20 =	simm.s32 @!p3 $0x0;
	[sflag:s21] =	ssyncadd.s32 @!p0 $0xFFFFC000;
	s21 =	simm.s32 @!p3 $0x5  }
0x3c: {  	[hbm4b:s18+s20] =	stream.linear.scatter @!p3 [tilespmem:s19], [sflag:$0x5], $0x4000, $0x38;
	[tilespmem:$0x11600] =	vst v63  }
0x3d: {  	s23 =	simm.s32 @!p1 $0x300;
	s24 =	simm.s32 @!p1 $0x80;
	_ =	swait.ge @!p3 [sflag:s21], $0x4000  }
0x3e: {  	s18 =	simm.s32 $0x380;
	s19 =	smov.u32 s6;
	[sflag:s21] =	ssyncset.done @!p3 $0x0  }
.LBB2_2:
0x3f: {  	[sflag:s21] =	ssyncadd.s32 @!p3 $0xFFFFC000;
	s26 =	smov.u32 s17;
	s17 =	sadd.s32 $0x200, s17  }
0x40: {  	[tilespmem:s22], [sflag:$0x3] =	stream.indirect.gather @!p1 [hbm4b:s3+s24], $0x80, s23, s24, $0xb8;
	[tilespmem:$0x11600] =	vst v63  }
0x41: {  	p0 =	sne.s32 s17, $0x1600  }
0x42: {  	_ =	swait.ge [sflag:s13], $0x4000;
	s22 =	simm.s32 @!p0 $0x0  }
0x43: {  	s19 =	sadd.s32 $0x2000, s19;
	s22 =	simm.s32 @p0 $0x1;
	[sflag:s13] =	ssyncset.done $0x0  }
0x44: {  	s28 =	sadd.s32 $0xFFFFF000, s19;
	[smem:$0x7FD] =	sst s22;
	[sflag:s13] =	ssyncadd.s32 $0xFFFFC000  }
0x45: {  	[hbm4b:s28+s2] =	stream.linear.scatter [tilespmem:s9], [sflag:$0x5], $0x4000, $0x38;
	[tilespmem:$0x11600] =	vst v63  }
0x46: {  	_ =	swait.ge [sflag:s7], $0x4000  }
0x47: {  	s29 =	rddreg [dreg:$0x3]  }
0x48: {  	s22 =	sadd.s32 s26, s29  }
0x49: {  	p1 =	seq.s32 s26, $0x1400;
	s30 =	sadd.s32 $0xFFFFF800, s19;
	s23 =	sadd.s32 $0x180, s22  }
0x4a: {  	[sflag:s7] =	ssyncset.done $0x0;
	s21 =	sadd.s32 $0x200, s22;
	p2 =	sgt.u32 s23, $0x2BF1F  }
0x4b: {  	[sflag:s7] =	ssyncadd.s32 $0xFFFFC000;
	p5 =	sgt.u32 @!p1 s21, $0x2BF1F;
	s21 =	simm.s32 @!p2 $0x80  }
0x4c: {  	s24 =	simm.s32 @!p2 $0xD600;
	p3 =	sgt.u32 @!p2 s23, $0x2BEA0;
	p6 =	por p5, p1  }
0x4d: {  	[tilespmem:s24], [sflag:$0x4] =	stream.indirect.gather @!p2 [hbm4b:s3+s21], $0x80, s18, s21, $0xb8;
	[tilespmem:$0x11600] =	vst v63  }
0x4e: {  	s21 =	sadd.s32 $0x100, s22;
	s24 =	sadd.s32 $0x280, s22;
	_ =	swait.ge [sflag:s14], $0x4000  }
0x4f: {  	s22 =	sadd.s32 $0x300, s22;
	s23 =	simm.s32 @!p6 $0x80;
	[sflag:s14] =	ssyncset.done $0x0  }
0x50: {  	p4 =	sgt.u32 @!p1 s24, $0x2BF1F;
	p0 =	sgt.u32 @!p1 s22, $0x2BF1F;
	[sflag:s14] =	ssyncadd.s32 $0xFFFFC000  }
0x51: {  	[hbm4b:s30+s2] =	stream.linear.scatter [tilespmem:s10], [sflag:$0x5], $0x4000, $0x38;
	[tilespmem:$0x11600] =	vst v63  }
0x52: {  	s22 =	sadd.s32 @!p6 $0x80, s18;
	s24 =	simm.s32 @!p6 $0x1600;
	_ =	swait.ge [sflag:s7], $0x4000  }
0x53: {  	p5 =	sgt.u32 s21, $0x2BEA0;
	p4 =	por p4, p1;
	[sflag:s7] =	ssyncset.done $0x0  }
0x54: {  	p1 =	por p0, p1;
	p0 =	sgt.u32 @p5 s21, $0x2BF1F;
	[sflag:s7] =	ssyncadd.s32 $0xFFFFC000  }
0x55: {  	[tilespmem:s24], [sflag:$0x1] =	stream.indirect.gather @!p6 [hbm4b:s3+s23], $0x80, s22, s23, $0xb8;
	[tilespmem:$0x11600] =	vst v63  }
0x56: {  	p6 =	por p0, !p5;
	_ =	swait.ge [sflag:s15], $0x4000  }
0x57: {  	s22 =	simm.s32 @!p6 $0x0;
	s23 =	simm.s32 @!p6 $0x9600;
	[sflag:s15] =	ssyncset.done $0x0  }
0x58: {  	s24 =	simm.s32 @!p6 $0x5;
	s21 =	rddreg [dreg:$0x4];
	[sflag:s15] =	ssyncadd.s32 $0xFFFFC000  }
0x59: {  	[hbm4b:s21+s22] =	stream.linear.scatter @!p6 [tilespmem:s23], [sflag:$0x5], $0x1000, $0x38;
	[tilespmem:$0x11600] =	vst v63  }
0x5a: {  	_ =	swait.ge @!p6 [sflag:s24], $0x1000  }
0x5b: {  	s21 =	simm.s32 @!p5 $0x0;
	[sflag:s24] =	ssyncset.done @!p6 $0x0  }
0x5c: {  	s22 =	simm.s32 @!p5 $0x9600;
	s23 =	simm.s32 @!p5 $0x5;
	[sflag:s24] =	ssyncadd.s32 @!p6 $0xFFFFF000  }
0x5d: {  	[hbm4b:s19+s21] =	stream.linear.scatter @!p5 [tilespmem:s22], [sflag:$0x5], $0x4000, $0x38;
	[tilespmem:$0x11600] =	vst v63  }
0x5e: {  	_ =	swait.ge @!p5 [sflag:s23], $0x4000  }
0x5f: {  	s24 =	simm.s32 @!p4 $0x80;
	s21 =	simm.s32 @!p4 $0x5600;
	[sflag:s23] =	ssyncset.done @!p5 $0x0  }
0x60: {  	s22 =	sadd.s32 @!p4 $0x100, s18;
	[sflag:s23] =	ssyncadd.s32 @!p5 $0xFFFFC000;
	s23 =	simm.s32 @!p2 $0x4  }
0x61: {  	[tilespmem:s21], [sflag:$0x2] =	stream.indirect.gather @!p4 [hbm4b:s3+s24], $0x80, s22, s24, $0xb8;
	[tilespmem:$0x11600] =	vst v63  }
0x62: {  	p3 =	por p3, p2;
	_ =	swait.ge @!p2 [sflag:s23], $0x4000  }
0x63: {  	s22 =	sadd.s32 @!p3 $0x800, s19;
	s24 =	simm.s32 @!p3 $0xD600;
	[sflag:s23] =	ssyncset.done @!p2 $0x0  }
0x64: {  	s21 =	simm.s32 @!p3 $0x5;
	[sflag:s23] =	ssyncadd.s32 @!p2 $0xFFFFC000;
	s23 =	simm.s32 @!p3 $0x0  }
0x65: {  	[hbm4b:s22+s23] =	stream.linear.scatter @!p3 [tilespmem:s24], [sflag:$0x5], $0x4000, $0x38;
	[tilespmem:$0x11600] =	vst v63  }
0x66: {  	_ =	swait.ge @!p3 [sflag:s21], $0x4000  }
0x67: {  	s31 =	sld [smem:$0x7FD];
	_ =	sdelay $0x2  }
0x68: {  	p0 =	seq.s32 s31, $0x1  }
.Ltmp0:
0x69: {  	_ = 	snop;
	(pc) =	sbr.rel @p0 .LBB2_2-.Ltmp0, $3  }
0x6a: {  	_ =	sdelay $0x1  }
0x6b: {  	s20 =	smov.u32 s18;
	s18 =	sadd.s32 $0x200, s18;
	s22 =	simm.s32 @!p1 $0x9600  }
0x6c: {  	s23 =	sadd.s32 @!p1 $0x180, s20;
	s24 =	simm.s32 @!p1 $0x80;
	[sflag:s21] =	ssyncset.done @!p3 $0x0  }
0x6d: {  	s16 =	sadd.s32 $0x1, s16  }
0x6e: {  	p0 =	sne.s32 s16, s5  }
.Ltmp1:
0x6f: {  	_ = 	snop;
	(pc) =	sbr.rel @p0 .LBB2_1-.Ltmp1, $3  }
0x70: {  	_ =	sdelay $0x1  }
0x71: {  	[sflag:s21] =	ssyncadd.s32 @!p3 $0xFFFFC000  }
0x72: {  	[tilespmem:s22], [sflag:$0x3] =	stream.indirect.gather @!p1 [hbm4b:s3+s24], $0x80, s23, s24, $0xb8;
	[tilespmem:$0x11600] =	vst v63  }
0x73: {  	_ =	sfence.sel $0x180000  }
0x74: {  	[bflag:$0x0] =	sbarrier.arrive $0xFFFF  }
0x75: {  	p0 =	sne.s32 s0, $0x0;
	_ =	strace $0x9000004A  }
0x76: {  	s0 =	sadd.s32 @!p0 $0x100000, s1;
	[bflag:$0x2] =	sbarrier.arrive $0xFFFF  }
0x77: {  	[sflag:s0] =	ssyncadd.tile.s32 @!p0 $0x1;
	_ =	shalt  }
.Lfunc_end2:
_tile_overlayer_lowered:
.L_overlay_start_2:
0x78: {  	(tag) =	ssettag $0x2  }
0x79: {  	s0 =	rddreg [dreg:$0x0];
	s2 =	stileid.u32  }
0x7a: {  	s1 =	rddreg [dreg:$0x1];
	p0 =	sne.s32 s2, $0x0  }
0x7b: {  	s3 =	rddreg [dreg:$0x2];
	[bflag:$0x3] =	sbarrier.arrive $0xFFFF;
	s2 =	simm.s32 @!p0 $0x1C05  }
0x7c: {  	[timem:s3], [sflag:s2] =	dma.local @!p0 [hbm:s0], s1  }
0x7d: {  	s0 =	simm.s32 @!p0 $0x5  }
0x7e: {  	_ =	swait.ge @!p0 [sflag:s0], s1  }
0x7f: {  	s1 =	ssub.s32 @!p0 $0x0, s1;
	[sflag:s0] =	ssyncset.done @!p0 $0x0  }
0x80: {  	[sflag:s0] =	ssyncadd.s32 @!p0 s1  }
0x81: {  	[bflag:$0x3] =	sbarrier.arrive $0xFFFF  }
0x82: {  	_ =	shalt  }

</sc_bundles>
